<compile_context>
chip_gen: v7x
topology: tpu7x:2x2x1
jax: 0.10.2.dev20260603
libtpu: 0.0.44.dev20260713+nightly
codegen_flags: <defaults>
</compile_context>

<pallas_src>
import functools
import jax
import jax.numpy as jnp
from jax import lax
from jax.experimental import pallas as pl
from jax.experimental.pallas import tpu as pltpu
from jax.experimental.pallas import tpu_sc as plsc

D = 64
SCALE = 8.0
NC, NS = 2, 16
NW = NC * NS
B = 4096 * 200
BPW = B // NW
IDX_MINOR = 128
NIDXROW = BPW // IDX_MINOR
CHUNK = 256
GPC = CHUNK // IDX_MINOR
NCHUNK = BPW // CHUNK
NBUF = 4

_mesh = plsc.VectorSubcoreMesh(
    core_axis_name="c", subcore_axis_name="s", num_cores=NC, num_subcores=NS
)


@functools.partial(
    pl.kernel,
    out_type=jax.ShapeDtypeStruct((B, D), jnp.float32),
    mesh=_mesh,
    scratch_types=[
        pltpu.VMEM((NIDXROW, IDX_MINOR), jnp.int32),
        [pltpu.VMEM((CHUNK, D), jnp.float32) for _ in range(NBUF)],
        [pltpu.SemaphoreType.DMA for _ in range(NBUF)],
        [pltpu.SemaphoreType.DMA for _ in range(NBUF)],
    ],
    compiler_params=pltpu.CompilerParams(use_tc_tiling_on_sc=False),
)
def _emb_lookup(x_hbm, lut_hbm, out_hbm, idx_v, rows, gsem, osem):
    wid = lax.axis_index("s") * NC + lax.axis_index("c")
    base = wid * BPW

    pltpu.sync_copy(x_hbm.at[wid], idx_v)

    def fire_gathers(g, r):
        for j in range(GPC):
            pltpu.async_copy(
                lut_hbm.at[idx_v.at[g * GPC + j]],
                rows[r].at[pl.ds(j * IDX_MINOR, IDX_MINOR)],
                gsem[r],
            )

    def drain_gathers(g, r):
        for j in range(GPC):
            pltpu.make_async_copy(
                lut_hbm.at[idx_v.at[g * GPC + j]],
                rows[r].at[pl.ds(j * IDX_MINOR, IDX_MINOR)],
                gsem[r],
            ).wait()

    def scale(r):
        @pl.loop(0, CHUNK, unroll=8)
        def _scale(row):
            for c in range(D // 16):
                rows[r][row, pl.ds(c * 16, 16)] = (
                    rows[r][row, pl.ds(c * 16, 16)] * SCALE
                )

    def fire_write(g, r):
        pltpu.async_copy(
            rows[r], out_hbm.at[pl.ds(base + g * CHUNK, CHUNK)], osem[r]
        )

    def drain_write(g, r):
        pltpu.make_async_copy(
            rows[r], out_hbm.at[pl.ds(base + g * CHUNK, CHUNK)], osem[r]
        ).wait()

    for r in range(NBUF - 1):
        fire_gathers(r, r)

    @pl.loop(0, NCHUNK // NBUF)
    def _step(k):
        for r in range(NBUF):
            g = k * NBUF + r
            drain_gathers(g, r)
            scale(r)

            rn = (r + NBUF - 1) % NBUF
            gn = g + NBUF - 1

            @pl.when(gn < NCHUNK)
            def _():
                @pl.when(g >= 1)
                def _():
                    drain_write(gn - NBUF, rn)

                fire_gathers(gn, rn)

            fire_write(g, r)

    for r in range(NBUF):
        g = NCHUNK - NBUF + r
        drain_write(g, g % NBUF)


def kernel(x, lut):
    xf = x.reshape(NW, NIDXROW, IDX_MINOR).astype(jnp.int32)
    out = _emb_lookup(xf, lut)
    return out.reshape(x.shape[0], x.shape[1], D)

# --- scband reference (transcript-rebuilt; emitter-appended) ---
"""Pipeline reference for scband-embeddings-16776142258597 (READ-ONLY COPY).

The authoritative reference and input builder live on the scoring server;
editing this copy changes nothing except your own understanding.
"""

import math
import jax, jax.numpy as jnp
import numpy as np

N_TOKEN = 1000000
D_MODEL = 64

def setup_inputs(seed: int = 0) -> dict:
    key = jax.random.key(seed)
    k1, k2 = jax.random.split(key)
    x = jax.random.randint(k1, (4096, 200), 0, N_TOKEN, dtype=jnp.int64 if jax.config.jax_enable_x64 else jnp.int32)
    lut = jax.random.normal(k2, (N_TOKEN, D_MODEL), dtype=jnp.float32) * 0.02
    return {"x": x, "lut": lut}

def reference(x, lut):
    # Faithful translation of: self.lut(x) * math.sqrt(self.d_model)
    emb = jnp.take(lut, x, axis=0)
    return emb * math.sqrt(D_MODEL)

if __name__ == "__main__":
    import jax
    _d = setup_inputs()
    print(jax.jit(kernel)(*tuple(_d.values())))

</pallas_src>

<mosaic_0001>
#map = affine_map<(d0, d1) -> (0, 0, 0)>
#map1 = affine_map<(d0, d1) -> (0, 0)>
module attributes {stable_mosaic.version = 14 : i64} {
  func.func @_emb_lookup(%arg0: i32, %arg1: i32, %arg2: memref<32x200x128xi32, #tpu.memory_space<hbm>>, %arg3: memref<1000000x64xf32, #tpu.memory_space<hbm>>, %arg4: memref<819200x64xf32, #tpu.memory_space<hbm>>, %arg5: memref<200x128xi32, #tpu.memory_space<vmem>>, %arg6: memref<256x64xf32, #tpu.memory_space<vmem>>, %arg7: memref<256x64xf32, #tpu.memory_space<vmem>>, %arg8: memref<256x64xf32, #tpu.memory_space<vmem>>, %arg9: memref<256x64xf32, #tpu.memory_space<vmem>>, %arg10: memref<!tpu.dma_semaphore, #tpu.memory_space<semaphore_mem>>, %arg11: memref<!tpu.dma_semaphore, #tpu.memory_space<semaphore_mem>>, %arg12: memref<!tpu.dma_semaphore, #tpu.memory_space<semaphore_mem>>, %arg13: memref<!tpu.dma_semaphore, #tpu.memory_space<semaphore_mem>>, %arg14: memref<!tpu.dma_semaphore, #tpu.memory_space<semaphore_mem>>, %arg15: memref<!tpu.dma_semaphore, #tpu.memory_space<semaphore_mem>>, %arg16: memref<!tpu.dma_semaphore, #tpu.memory_space<semaphore_mem>>, %arg17: memref<!tpu.dma_semaphore, #tpu.memory_space<semaphore_mem>>) attributes {dimension_semantics = [#tpu.dimension_semantics<core_parallel>, #tpu.dimension_semantics<subcore_parallel>], iteration_bounds = array<i64: 2, 16>, scalar_prefetch = 0 : i64, scratch_operands = 13 : i64, tpu.core_type = #tpu.core_type<sc_vector_subcore>, window_params = [{transform_indices = #map}, {transform_indices = #map1}, {transform_indices = #map1}]} {
    %mul3A = arith.constant 2 : i32
    %mul3A_0 = arith.muli %arg1, %mul3A : i32
    %add3A = arith.addi %mul3A_0, %arg0 : i32
    %mul3A_1 = arith.constant 25600 : i32
    %mul3A_2 = arith.muli %add3A, %mul3A_1 : i32
    "tpu.region"() ({
      %run_scoped3A = tpu.sem_alloc : memref<!tpu.dma_semaphore, #tpu.memory_space<semaphore_mem>>
      %dma_start3A_89 = arith.constant 0 : i32
      %dma_start3A_90 = arith.constant 0 : i32
      %dma_start3A_91 = tpu.memref_slice %arg2[%add3A, %dma_start3A_89, %dma_start3A_90] : memref<32x200x128xi32, #tpu.memory_space<hbm>> -> memref<1x200x128xi32, #tpu.memory_space<hbm>>
      %dma_start3A_92 = tpu.memref_squeeze %dma_start3A_91 : memref<1x200x128xi32, #tpu.memory_space<hbm>> -> memref<200x128xi32, #tpu.memory_space<hbm>>
      %dma_start3A_93 = arith.constant 0 : i32
      %dma_start3A_94 = arith.constant 0 : i32
      %dma_start3A_95 = tpu.memref_slice %arg2[%add3A, %dma_start3A_93, %dma_start3A_94] : memref<32x200x128xi32, #tpu.memory_space<hbm>> -> memref<1x200x128xi32, #tpu.memory_space<hbm>>
      %dma_start3A_96 = tpu.memref_squeeze %dma_start3A_95 : memref<1x200x128xi32, #tpu.memory_space<hbm>> -> memref<200x128xi32, #tpu.memory_space<hbm>>
      tpu.enqueue_dma source(%dma_start3A_96 : memref<200x128xi32, #tpu.memory_space<hbm>>) target(%arg5 : memref<200x128xi32, #tpu.memory_space<vmem>>) target_semaphore(%run_scoped3A : memref<!tpu.dma_semaphore, #tpu.memory_space<semaphore_mem>>)
      %dma_wait3A_97 = arith.constant 0 : i32
      %dma_wait3A_98 = arith.constant 0 : i32
      %dma_wait3A_99 = tpu.memref_slice %arg2[%add3A, %dma_wait3A_97, %dma_wait3A_98] : memref<32x200x128xi32, #tpu.memory_space<hbm>> -> memref<1x200x128xi32, #tpu.memory_space<hbm>>
      %dma_wait3A_100 = tpu.memref_squeeze %dma_wait3A_99 : memref<1x200x128xi32, #tpu.memory_space<hbm>> -> memref<200x128xi32, #tpu.memory_space<hbm>>
      %dma_wait3A_101 = arith.constant 0 : i32
      %dma_wait3A_102 = arith.constant 0 : i32
      %dma_wait3A_103 = tpu.memref_slice %arg2[%add3A, %dma_wait3A_101, %dma_wait3A_102] : memref<32x200x128xi32, #tpu.memory_space<hbm>> -> memref<1x200x128xi32, #tpu.memory_space<hbm>>
      %dma_wait3A_104 = tpu.memref_squeeze %dma_wait3A_103 : memref<1x200x128xi32, #tpu.memory_space<hbm>> -> memref<200x128xi32, #tpu.memory_space<hbm>>
      tpu.wait_dma2 semaphore(%run_scoped3A : memref<!tpu.dma_semaphore, #tpu.memory_space<semaphore_mem>>) src(%dma_wait3A_104 : memref<200x128xi32, #tpu.memory_space<hbm>>) dst(%arg5 : memref<200x128xi32, #tpu.memory_space<vmem>>)
      tpu.yield
    }) : () -> ()
    %dma_start3A = arith.constant 0 : i32
    %dma_start3A_3 = arith.constant 0 : i32
    %dma_start3A_4 = arith.constant 0 : i32
    %dma_start3A_5 = tpu.memref_slice %arg6[%dma_start3A_3, %dma_start3A_4] : memref<256x64xf32, #tpu.memory_space<vmem>> -> memref<128x64xf32, #tpu.memory_space<vmem>>
    %dma_start3A_6 = arith.constant 0 : i32
    %dma_start3A_7 = tpu.memref_slice %arg5[%dma_start3A, %dma_start3A_6] : memref<200x128xi32, #tpu.memory_space<vmem>> -> memref<1x128xi32, #tpu.memory_space<vmem>>
    %dma_start3A_8 = tpu.memref_squeeze %dma_start3A_7 : memref<1x128xi32, #tpu.memory_space<vmem>> -> memref<128xi32, #tpu.memory_space<vmem>>
    %dma_start3A_9 = arith.constant 0 : i32
    %dma_start3A_10 = arith.constant 0 : i32
    %dma_start3A_11 = tpu.memref_slice %arg3[%dma_start3A_9, %dma_start3A_10] : memref<1000000x64xf32, #tpu.memory_space<hbm>> -> memref<1000000x64xf32, #tpu.memory_space<hbm>>
    tpu.enqueue_indirect_dma source(%dma_start3A_11 : memref<1000000x64xf32, #tpu.memory_space<hbm>>) target(%dma_start3A_5 : memref<128x64xf32, #tpu.memory_space<vmem>>) offsets(%dma_start3A_8 : memref<128xi32, #tpu.memory_space<vmem>>) semaphore(%arg10 : memref<!tpu.dma_semaphore, #tpu.memory_space<semaphore_mem>>)
    %dma_start3A_12 = arith.constant 1 : i32
    %dma_start3A_13 = arith.constant 128 : i32
    %dma_start3A_14 = arith.constant 0 : i32
    %dma_start3A_15 = tpu.memref_slice %arg6[%dma_start3A_13, %dma_start3A_14] : memref<256x64xf32, #tpu.memory_space<vmem>> -> memref<128x64xf32, #tpu.memory_space<vmem>>
    %dma_start3A_16 = arith.constant 0 : i32
    %dma_start3A_17 = tpu.memref_slice %arg5[%dma_start3A_12, %dma_start3A_16] : memref<200x128xi32, #tpu.memory_space<vmem>> -> memref<1x128xi32, #tpu.memory_space<vmem>>
    %dma_start3A_18 = tpu.memref_squeeze %dma_start3A_17 : memref<1x128xi32, #tpu.memory_space<vmem>> -> memref<128xi32, #tpu.memory_space<vmem>>
    %dma_start3A_19 = arith.constant 0 : i32
    %dma_start3A_20 = arith.constant 0 : i32
    %dma_start3A_21 = tpu.memref_slice %arg3[%dma_start3A_19, %dma_start3A_20] : memref<1000000x64xf32, #tpu.memory_space<hbm>> -> memref<1000000x64xf32, #tpu.memory_space<hbm>>
    tpu.enqueue_indirect_dma source(%dma_start3A_21 : memref<1000000x64xf32, #tpu.memory_space<hbm>>) target(%dma_start3A_15 : memref<128x64xf32, #tpu.memory_space<vmem>>) offsets(%dma_start3A_18 : memref<128xi32, #tpu.memory_space<vmem>>) semaphore(%arg10 : memref<!tpu.dma_semaphore, #tpu.memory_space<semaphore_mem>>)
    %dma_start3A_22 = arith.constant 2 : i32
    %dma_start3A_23 = arith.constant 0 : i32
    %dma_start3A_24 = arith.constant 0 : i32
    %dma_start3A_25 = tpu.memref_slice %arg7[%dma_start3A_23, %dma_start3A_24] : memref<256x64xf32, #tpu.memory_space<vmem>> -> memref<128x64xf32, #tpu.memory_space<vmem>>
    %dma_start3A_26 = arith.constant 0 : i32
    %dma_start3A_27 = tpu.memref_slice %arg5[%dma_start3A_22, %dma_start3A_26] : memref<200x128xi32, #tpu.memory_space<vmem>> -> memref<1x128xi32, #tpu.memory_space<vmem>>
    %dma_start3A_28 = tpu.memref_squeeze %dma_start3A_27 : memref<1x128xi32, #tpu.memory_space<vmem>> -> memref<128xi32, #tpu.memory_space<vmem>>
    %dma_start3A_29 = arith.constant 0 : i32
    %dma_start3A_30 = arith.constant 0 : i32
    %dma_start3A_31 = tpu.memref_slice %arg3[%dma_start3A_29, %dma_start3A_30] : memref<1000000x64xf32, #tpu.memory_space<hbm>> -> memref<1000000x64xf32, #tpu.memory_space<hbm>>
    tpu.enqueue_indirect_dma source(%dma_start3A_31 : memref<1000000x64xf32, #tpu.memory_space<hbm>>) target(%dma_start3A_25 : memref<128x64xf32, #tpu.memory_space<vmem>>) offsets(%dma_start3A_28 : memref<128xi32, #tpu.memory_space<vmem>>) semaphore(%arg11 : memref<!tpu.dma_semaphore, #tpu.memory_space<semaphore_mem>>)
    %dma_start3A_32 = arith.constant 3 : i32
    %dma_start3A_33 = arith.constant 128 : i32
    %dma_start3A_34 = arith.constant 0 : i32
    %dma_start3A_35 = tpu.memref_slice %arg7[%dma_start3A_33, %dma_start3A_34] : memref<256x64xf32, #tpu.memory_space<vmem>> -> memref<128x64xf32, #tpu.memory_space<vmem>>
    %dma_start3A_36 = arith.constant 0 : i32
    %dma_start3A_37 = tpu.memref_slice %arg5[%dma_start3A_32, %dma_start3A_36] : memref<200x128xi32, #tpu.memory_space<vmem>> -> memref<1x128xi32, #tpu.memory_space<vmem>>
    %dma_start3A_38 = tpu.memref_squeeze %dma_start3A_37 : memref<1x128xi32, #tpu.memory_space<vmem>> -> memref<128xi32, #tpu.memory_space<vmem>>
    %dma_start3A_39 = arith.constant 0 : i32
    %dma_start3A_40 = arith.constant 0 : i32
    %dma_start3A_41 = tpu.memref_slice %arg3[%dma_start3A_39, %dma_start3A_40] : memref<1000000x64xf32, #tpu.memory_space<hbm>> -> memref<1000000x64xf32, #tpu.memory_space<hbm>>
    tpu.enqueue_indirect_dma source(%dma_start3A_41 : memref<1000000x64xf32, #tpu.memory_space<hbm>>) target(%dma_start3A_35 : memref<128x64xf32, #tpu.memory_space<vmem>>) offsets(%dma_start3A_38 : memref<128xi32, #tpu.memory_space<vmem>>) semaphore(%arg11 : memref<!tpu.dma_semaphore, #tpu.memory_space<semaphore_mem>>)
    %dma_start3A_42 = arith.constant 4 : i32
    %dma_start3A_43 = arith.constant 0 : i32
    %dma_start3A_44 = arith.constant 0 : i32
    %dma_start3A_45 = tpu.memref_slice %arg8[%dma_start3A_43, %dma_start3A_44] : memref<256x64xf32, #tpu.memory_space<vmem>> -> memref<128x64xf32, #tpu.memory_space<vmem>>
    %dma_start3A_46 = arith.constant 0 : i32
    %dma_start3A_47 = tpu.memref_slice %arg5[%dma_start3A_42, %dma_start3A_46] : memref<200x128xi32, #tpu.memory_space<vmem>> -> memref<1x128xi32, #tpu.memory_space<vmem>>
    %dma_start3A_48 = tpu.memref_squeeze %dma_start3A_47 : memref<1x128xi32, #tpu.memory_space<vmem>> -> memref<128xi32, #tpu.memory_space<vmem>>
    %dma_start3A_49 = arith.constant 0 : i32
    %dma_start3A_50 = arith.constant 0 : i32
    %dma_start3A_51 = tpu.memref_slice %arg3[%dma_start3A_49, %dma_start3A_50] : memref<1000000x64xf32, #tpu.memory_space<hbm>> -> memref<1000000x64xf32, #tpu.memory_space<hbm>>
    tpu.enqueue_indirect_dma source(%dma_start3A_51 : memref<1000000x64xf32, #tpu.memory_space<hbm>>) target(%dma_start3A_45 : memref<128x64xf32, #tpu.memory_space<vmem>>) offsets(%dma_start3A_48 : memref<128xi32, #tpu.memory_space<vmem>>) semaphore(%arg12 : memref<!tpu.dma_semaphore, #tpu.memory_space<semaphore_mem>>)
    %dma_start3A_52 = arith.constant 5 : i32
    %dma_start3A_53 = arith.constant 128 : i32
    %dma_start3A_54 = arith.constant 0 : i32
    %dma_start3A_55 = tpu.memref_slice %arg8[%dma_start3A_53, %dma_start3A_54] : memref<256x64xf32, #tpu.memory_space<vmem>> -> memref<128x64xf32, #tpu.memory_space<vmem>>
    %dma_start3A_56 = arith.constant 0 : i32
    %dma_start3A_57 = tpu.memref_slice %arg5[%dma_start3A_52, %dma_start3A_56] : memref<200x128xi32, #tpu.memory_space<vmem>> -> memref<1x128xi32, #tpu.memory_space<vmem>>
    %dma_start3A_58 = tpu.memref_squeeze %dma_start3A_57 : memref<1x128xi32, #tpu.memory_space<vmem>> -> memref<128xi32, #tpu.memory_space<vmem>>
    %dma_start3A_59 = arith.constant 0 : i32
    %dma_start3A_60 = arith.constant 0 : i32
    %dma_start3A_61 = tpu.memref_slice %arg3[%dma_start3A_59, %dma_start3A_60] : memref<1000000x64xf32, #tpu.memory_space<hbm>> -> memref<1000000x64xf32, #tpu.memory_space<hbm>>
    tpu.enqueue_indirect_dma source(%dma_start3A_61 : memref<1000000x64xf32, #tpu.memory_space<hbm>>) target(%dma_start3A_55 : memref<128x64xf32, #tpu.memory_space<vmem>>) offsets(%dma_start3A_58 : memref<128xi32, #tpu.memory_space<vmem>>) semaphore(%arg12 : memref<!tpu.dma_semaphore, #tpu.memory_space<semaphore_mem>>)
    %scan3A = arith.constant 0 : i32
    %scan3A_62 = arith.constant 25 : i32
    %scan3A_63 = arith.addi %scan3A, %scan3A_62 : i32
    %scan3A_64 = arith.constant 1 : i32
    scf.for %scan3A_89 = %scan3A to %scan3A_63 step %scan3A_64  : i32 {
      %mul3A_90 = arith.constant 1 : i32
      %mul3A_91 = arith.muli %scan3A_89, %mul3A_90 : i32
      %add3A_92 = arith.constant 0 : i32
      %add3A_93 = arith.addi %add3A_92, %mul3A_91 : i32
      %mul3A_94 = arith.constant 4 : i32
      %mul3A_95 = arith.muli %add3A_93, %mul3A_94 : i32
      %add3A_96 = arith.constant 0 : i32
      %add3A_97 = arith.addi %mul3A_95, %add3A_96 : i32
      %mul3A_98 = arith.constant 2 : i32
      %mul3A_99 = arith.muli %add3A_97, %mul3A_98 : i32
      %add3A_100 = arith.constant 0 : i32
      %add3A_101 = arith.addi %mul3A_99, %add3A_100 : i32
      %dma_wait3A_102 = arith.constant 0 : i32
      %dma_wait3A_103 = arith.constant 0 : i32
      %dma_wait3A_104 = tpu.memref_slice %arg6[%dma_wait3A_102, %dma_wait3A_103] : memref<256x64xf32, #tpu.memory_space<vmem>> -> memref<128x64xf32, #tpu.memory_space<vmem>>
      %dma_wait3A_105 = arith.constant 0 : i32
      %dma_wait3A_106 = tpu.memref_slice %arg5[%add3A_101, %dma_wait3A_105] : memref<200x128xi32, #tpu.memory_space<vmem>> -> memref<1x128xi32, #tpu.memory_space<vmem>>
      %dma_wait3A_107 = tpu.memref_squeeze %dma_wait3A_106 : memref<1x128xi32, #tpu.memory_space<vmem>> -> memref<128xi32, #tpu.memory_space<vmem>>
      %dma_wait3A_108 = arith.constant 0 : i32
      %dma_wait3A_109 = arith.constant 0 : i32
      %dma_wait3A_110 = tpu.memref_slice %arg3[%dma_wait3A_108, %dma_wait3A_109] : memref<1000000x64xf32, #tpu.memory_space<hbm>> -> memref<1000000x64xf32, #tpu.memory_space<hbm>>
      tpu.wait_indirect_dma semaphore(%arg10 : memref<!tpu.dma_semaphore, #tpu.memory_space<semaphore_mem>>) src(%dma_wait3A_110 : memref<1000000x64xf32, #tpu.memory_space<hbm>>) dst(%dma_wait3A_104 : memref<128x64xf32, #tpu.memory_space<vmem>>)
      %mul3A_111 = arith.constant 2 : i32
      %mul3A_112 = arith.muli %add3A_97, %mul3A_111 : i32
      %add3A_113 = arith.constant 1 : i32
      %add3A_114 = arith.addi %mul3A_112, %add3A_113 : i32
      %dma_wait3A_115 = arith.constant 128 : i32
      %dma_wait3A_116 = arith.constant 0 : i32
      %dma_wait3A_117 = tpu.memref_slice %arg6[%dma_wait3A_115, %dma_wait3A_116] : memref<256x64xf32, #tpu.memory_space<vmem>> -> memref<128x64xf32, #tpu.memory_space<vmem>>
      %dma_wait3A_118 = arith.constant 0 : i32
      %dma_wait3A_119 = tpu.memref_slice %arg5[%add3A_114, %dma_wait3A_118] : memref<200x128xi32, #tpu.memory_space<vmem>> -> memref<1x128xi32, #tpu.memory_space<vmem>>
      %dma_wait3A_120 = tpu.memref_squeeze %dma_wait3A_119 : memref<1x128xi32, #tpu.memory_space<vmem>> -> memref<128xi32, #tpu.memory_space<vmem>>
      %dma_wait3A_121 = arith.constant 0 : i32
      %dma_wait3A_122 = arith.constant 0 : i32
      %dma_wait3A_123 = tpu.memref_slice %arg3[%dma_wait3A_121, %dma_wait3A_122] : memref<1000000x64xf32, #tpu.memory_space<hbm>> -> memref<1000000x64xf32, #tpu.memory_space<hbm>>
      tpu.wait_indirect_dma semaphore(%arg10 : memref<!tpu.dma_semaphore, #tpu.memory_space<semaphore_mem>>) src(%dma_wait3A_123 : memref<1000000x64xf32, #tpu.memory_space<hbm>>) dst(%dma_wait3A_117 : memref<128x64xf32, #tpu.memory_space<vmem>>)
      %scan3A_124 = arith.constant 0 : i32
      %scan3A_125 = arith.constant 256 : i32
      %scan3A_126 = arith.addi %scan3A_124, %scan3A_125 : i32
      %scan3A_127 = arith.constant 8 : i32
      scf.for %scan3A_294 = %scan3A_124 to %scan3A_126 step %scan3A_127  : i32 {
        %mul3A_295 = arith.constant 1 : i32
        %mul3A_296 = arith.muli %scan3A_294, %mul3A_295 : i32
        %add3A_297 = arith.constant 0 : i32
        %add3A_298 = arith.addi %add3A_297, %mul3A_296 : i32
        %get3A = arith.index_cast %add3A_298 : i32 to index
        %get3A_299 = arith.constant 0 : index
        %get3A_300 = tpu.vector_load %arg6[%get3A, %get3A_299] {strides = array<i32>} : memref<256x64xf32, #tpu.memory_space<vmem>>, vector<1x16xf32>,
        %get3A_301 = vector.shape_cast %get3A_300 : vector<1x16xf32> to vector<16xf32>
        %mul3A_302 = arith.constant 8.000000e+00 : f32
        %mul3A_303 = vector.broadcast %mul3A_302 : f32 to vector<16xf32>
        %mul3A_304 = arith.mulf %get3A_301, %mul3A_303 : vector<16xf32>
        %swap3A = arith.index_cast %add3A_298 : i32 to index
        %swap3A_305 = arith.constant 0 : index
        %swap3A_306 = tpu.vector_load %arg6[%swap3A, %swap3A_305] {strides = array<i32>} : memref<256x64xf32, #tpu.memory_space<vmem>>, vector<1x16xf32>,
        %swap3A_307 = vector.shape_cast %swap3A_306 : vector<1x16xf32> to vector<16xf32>
        %swap3A_308 = vector.shape_cast %mul3A_304 : vector<16xf32> to vector<1x16xf32>
        tpu.vector_store %arg6[%swap3A, %swap3A_305], %swap3A_308 {strides = array<i32>} : memref<256x64xf32, #tpu.memory_space<vmem>>, vector<1x16xf32>,
        %get3A_309 = arith.index_cast %add3A_298 : i32 to index
        %get3A_310 = arith.constant 16 : index
        %get3A_311 = tpu.vector_load %arg6[%get3A_309, %get3A_310] {strides = array<i32>} : memref<256x64xf32, #tpu.memory_space<vmem>>, vector<1x16xf32>,
        %get3A_312 = vector.shape_cast %get3A_311 : vector<1x16xf32> to vector<16xf32>
        %mul3A_313 = arith.constant 8.000000e+00 : f32
        %mul3A_314 = vector.broadcast %mul3A_313 : f32 to vector<16xf32>
        %mul3A_315 = arith.mulf %get3A_312, %mul3A_314 : vector<16xf32>
        %swap3A_316 = arith.index_cast %add3A_298 : i32 to index
        %swap3A_317 = arith.constant 16 : index
        %swap3A_318 = tpu.vector_load %arg6[%swap3A_316, %swap3A_317] {strides = array<i32>} : memref<256x64xf32, #tpu.memory_space<vmem>>, vector<1x16xf32>,
        %swap3A_319 = vector.shape_cast %swap3A_318 : vector<1x16xf32> to vector<16xf32>
        %swap3A_320 = vector.shape_cast %mul3A_315 : vector<16xf32> to vector<1x16xf32>
        tpu.vector_store %arg6[%swap3A_316, %swap3A_317], %swap3A_320 {strides = array<i32>} : memref<256x64xf32, #tpu.memory_space<vmem>>, vector<1x16xf32>,
        %get3A_321 = arith.index_cast %add3A_298 : i32 to index
        %get3A_322 = arith.constant 32 : index
        %get3A_323 = tpu.vector_load %arg6[%get3A_321, %get3A_322] {strides = array<i32>} : memref<256x64xf32, #tpu.memory_space<vmem>>, vector<1x16xf32>,
        %get3A_324 = vector.shape_cast %get3A_323 : vector<1x16xf32> to vector<16xf32>
        %mul3A_325 = arith.constant 8.000000e+00 : f32
        %mul3A_326 = vector.broadcast %mul3A_325 : f32 to vector<16xf32>
        %mul3A_327 = arith.mulf %get3A_324, %mul3A_326 : vector<16xf32>
        %swap3A_328 = arith.index_cast %add3A_298 : i32 to index
        %swap3A_329 = arith.constant 32 : index
        %swap3A_330 = tpu.vector_load %arg6[%swap3A_328, %swap3A_329] {strides = array<i32>} : memref<256x64xf32, #tpu.memory_space<vmem>>, vector<1x16xf32>,
        %swap3A_331 = vector.shape_cast %swap3A_330 : vector<1x16xf32> to vector<16xf32>
        %swap3A_332 = vector.shape_cast %mul3A_327 : vector<16xf32> to vector<1x16xf32>
        tpu.vector_store %arg6[%swap3A_328, %swap3A_329], %swap3A_332 {strides = array<i32>} : memref<256x64xf32, #tpu.memory_space<vmem>>, vector<1x16xf32>,
        %get3A_333 = arith.index_cast %add3A_298 : i32 to index
        %get3A_334 = arith.constant 48 : index
        %get3A_335 = tpu.vector_load %arg6[%get3A_333, %get3A_334] {strides = array<i32>} : memref<256x64xf32, #tpu.memory_space<vmem>>, vector<1x16xf32>,
        %get3A_336 = vector.shape_cast %get3A_335 : vector<1x16xf32> to vector<16xf32>
        %mul3A_337 = arith.constant 8.000000e+00 : f32
        %mul3A_338 = vector.broadcast %mul3A_337 : f32 to vector<16xf32>
        %mul3A_339 = arith.mulf %get3A_336, %mul3A_338 : vector<16xf32>
        %swap3A_340 = arith.index_cast %add3A_298 : i32 to index
        %swap3A_341 = arith.constant 48 : index
        %swap3A_342 = tpu.vector_load %arg6[%swap3A_340, %swap3A_341] {strides = array<i32>} : memref<256x64xf32, #tpu.memory_space<vmem>>, vector<1x16xf32>,
        %swap3A_343 = vector.shape_cast %swap3A_342 : vector<1x16xf32> to vector<16xf32>
        %swap3A_344 = vector.shape_cast %mul3A_339 : vector<16xf32> to vector<1x16xf32>
        tpu.vector_store %arg6[%swap3A_340, %swap3A_341], %swap3A_344 {strides = array<i32>} : memref<256x64xf32, #tpu.memory_space<vmem>>, vector<1x16xf32>,
        %scan3A_345 = arith.constant 1 : i32
        %scan3A_346 = arith.addi %scan3A_294, %scan3A_345 : i32
        %mul3A_347 = arith.constant 1 : i32
        %mul3A_348 = arith.muli %scan3A_346, %mul3A_347 : i32
        %add3A_349 = arith.constant 0 : i32
        %add3A_350 = arith.addi %add3A_349, %mul3A_348 : i32
        %get3A_351 = arith.index_cast %add3A_350 : i32 to index
        %get3A_352 = arith.constant 0 : index
        %get3A_353 = tpu.vector_load %arg6[%get3A_351, %get3A_352] {strides = array<i32>} : memref<256x64xf32, #tpu.memory_space<vmem>>, vector<1x16xf32>,
        %get3A_354 = vector.shape_cast %get3A_353 : vector<1x16xf32> to vector<16xf32>
        %mul3A_355 = arith.constant 8.000000e+00 : f32
        %mul3A_356 = vector.broadcast %mul3A_355 : f32 to vector<16xf32>
        %mul3A_357 = arith.mulf %get3A_354, %mul3A_356 : vector<16xf32>
        %swap3A_358 = arith.index_cast %add3A_350 : i32 to index
        %swap3A_359 = arith.constant 0 : index
        %swap3A_360 = tpu.vector_load %arg6[%swap3A_358, %swap3A_359] {strides = array<i32>} : memref<256x64xf32, #tpu.memory_space<vmem>>, vector<1x16xf32>,
        %swap3A_361 = vector.shape_cast %swap3A_360 : vector<1x16xf32> to vector<16xf32>
        %swap3A_362 = vector.shape_cast %mul3A_357 : vector<16xf32> to vector<1x16xf32>
        tpu.vector_store %arg6[%swap3A_358, %swap3A_359], %swap3A_362 {strides = array<i32>} : memref<256x64xf32, #tpu.memory_space<vmem>>, vector<1x16xf32>,
        %get3A_363 = arith.index_cast %add3A_350 : i32 to index
        %get3A_364 = arith.constant 16 : index
        %get3A_365 = tpu.vector_load %arg6[%get3A_363, %get3A_364] {strides = array<i32>} : memref<256x64xf32, #tpu.memory_space<vmem>>, vector<1x16xf32>,
        %get3A_366 = vector.shape_cast %get3A_365 : vector<1x16xf32> to vector<16xf32>
        %mul3A_367 = arith.constant 8.000000e+00 : f32
        %mul3A_368 = vector.broadcast %mul3A_367 : f32 to vector<16xf32>
        %mul3A_369 = arith.mulf %get3A_366, %mul3A_368 : vector<16xf32>
        %swap3A_370 = arith.index_cast %add3A_350 : i32 to index
        %swap3A_371 = arith.constant 16 : index
        %swap3A_372 = tpu.vector_load %arg6[%swap3A_370, %swap3A_371] {strides = array<i32>} : memref<256x64xf32, #tpu.memory_space<vmem>>, vector<1x16xf32>,
        %swap3A_373 = vector.shape_cast %swap3A_372 : vector<1x16xf32> to vector<16xf32>
        %swap3A_374 = vector.shape_cast %mul3A_369 : vector<16xf32> to vector<1x16xf32>
        tpu.vector_store %arg6[%swap3A_370, %swap3A_371], %swap3A_374 {strides = array<i32>} : memref<256x64xf32, #tpu.memory_space<vmem>>, vector<1x16xf32>,
        %get3A_375 = arith.index_cast %add3A_350 : i32 to index
        %get3A_376 = arith.constant 32 : index
        %get3A_377 = tpu.vector_load %arg6[%get3A_375, %get3A_376] {strides = array<i32>} : memref<256x64xf32, #tpu.memory_space<vmem>>, vector<1x16xf32>,
        %get3A_378 = vector.shape_cast %get3A_377 : vector<1x16xf32> to vector<16xf32>
        %mul3A_379 = arith.constant 8.000000e+00 : f32
        %mul3A_380 = vector.broadcast %mul3A_379 : f32 to vector<16xf32>
        %mul3A_381 = arith.mulf %get3A_378, %mul3A_380 : vector<16xf32>
        %swap3A_382 = arith.index_cast %add3A_350 : i32 to index
        %swap3A_383 = arith.constant 32 : index
        %swap3A_384 = tpu.vector_load %arg6[%swap3A_382, %swap3A_383] {strides = array<i32>} : memref<256x64xf32, #tpu.memory_space<vmem>>, vector<1x16xf32>,
        %swap3A_385 = vector.shape_cast %swap3A_384 : vector<1x16xf32> to vector<16xf32>
        %swap3A_386 = vector.shape_cast %mul3A_381 : vector<16xf32> to vector<1x16xf32>
        tpu.vector_store %arg6[%swap3A_382, %swap3A_383], %swap3A_386 {strides = array<i32>} : memref<256x64xf32, #tpu.memory_space<vmem>>, vector<1x16xf32>,
        %get3A_387 = arith.index_cast %add3A_350 : i32 to index
        %get3A_388 = arith.constant 48 : index
        %get3A_389 = tpu.vector_load %arg6[%get3A_387, %get3A_388] {strides = array<i32>} : memref<256x64xf32, #tpu.memory_space<vmem>>, vector<1x16xf32>,
        %get3A_390 = vector.shape_cast %get3A_389 : vector<1x16xf32> to vector<16xf32>
        %mul3A_391 = arith.constant 8.000000e+00 : f32
        %mul3A_392 = vector.broadcast %mul3A_391 : f32 to vector<16xf32>
        %mul3A_393 = arith.mulf %get3A_390, %mul3A_392 : vector<16xf32>
        %swap3A_394 = arith.index_cast %add3A_350 : i32 to index
        %swap3A_395 = arith.constant 48 : index
        %swap3A_396 = tpu.vector_load %arg6[%swap3A_394, %swap3A_395] {strides = array<i32>} : memref<256x64xf32, #tpu.memory_space<vmem>>, vector<1x16xf32>,
        %swap3A_397 = vector.shape_cast %swap3A_396 : vector<1x16xf32> to vector<16xf32>
        %swap3A_398 = vector.shape_cast %mul3A_393 : vector<16xf32> to vector<1x16xf32>
        tpu.vector_store %arg6[%swap3A_394, %swap3A_395], %swap3A_398 {strides = array<i32>} : memref<256x64xf32, #tpu.memory_space<vmem>>, vector<1x16xf32>,
        %scan3A_399 = arith.constant 2 : i32
        %scan3A_400 = arith.addi %scan3A_294, %scan3A_399 : i32
        %mul3A_401 = arith.constant 1 : i32
        %mul3A_402 = arith.muli %scan3A_400, %mul3A_401 : i32
        %add3A_403 = arith.constant 0 : i32
        %add3A_404 = arith.addi %add3A_403, %mul3A_402 : i32
        %get3A_405 = arith.index_cast %add3A_404 : i32 to index
        %get3A_406 = arith.constant 0 : index
        %get3A_407 = tpu.vector_load %arg6[%get3A_405, %get3A_406] {strides = array<i32>} : memref<256x64xf32, #tpu.memory_space<vmem>>, vector<1x16xf32>,
        %get3A_408 = vector.shape_cast %get3A_407 : vector<1x16xf32> to vector<16xf32>
        %mul3A_409 = arith.constant 8.000000e+00 : f32
        %mul3A_410 = vector.broadcast %mul3A_409 : f32 to vector<16xf32>
        %mul3A_411 = arith.mulf %get3A_408, %mul3A_410 : vector<16xf32>
        %swap3A_412 = arith.index_cast %add3A_404 : i32 to index
        %swap3A_413 = arith.constant 0 : index
        %swap3A_414 = tpu.vector_load %arg6[%swap3A_412, %swap3A_413] {strides = array<i32>} : memref<256x64xf32, #tpu.memory_space<vmem>>, vector<1x16xf32>,
        %swap3A_415 = vector.shape_cast %swap3A_414 : vector<1x16xf32> to vector<16xf32>
        %swap3A_416 = vector.shape_cast %mul3A_411 : vector<16xf32> to vector<1x16xf32>
        tpu.vector_store %arg6[%swap3A_412, %swap3A_413], %swap3A_416 {strides = array<i32>} : memref<256x64xf32, #tpu.memory_space<vmem>>, vector<1x16xf32>,
        %get3A_417 = arith.index_cast %add3A_404 : i32 to index
        %get3A_418 = arith.constant 16 : index
        %get3A_419 = tpu.vector_load %arg6[%get3A_417, %get3A_418] {strides = array<i32>} : memref<256x64xf32, #tpu.memory_space<vmem>>, vector<1x16xf32>,
        %get3A_420 = vector.shape_cast %get3A_419 : vector<1x16xf32> to vector<16xf32>
        %mul3A_421 = arith.constant 8.000000e+00 : f32
        %mul3A_422 = vector.broadcast %mul3A_421 : f32 to vector<16xf32>
        %mul3A_423 = arith.mulf %get3A_420, %mul3A_422 : vector<16xf32>
        %swap3A_424 = arith.index_cast %add3A_404 : i32 to index
        %swap3A_425 = arith.constant 16 : index
        %swap3A_426 = tpu.vector_load %arg6[%swap3A_424, %swap3A_425] {strides = array<i32>} : memref<256x64xf32, #tpu.memory_space<vmem>>, vector<1x16xf32>,
        %swap3A_427 = vector.shape_cast %swap3A_426 : vector<1x16xf32> to vector<16xf32>
        %swap3A_428 = vector.shape_cast %mul3A_423 : vector<16xf32> to vector<1x16xf32>
        tpu.vector_store %arg6[%swap3A_424, %swap3A_425], %swap3A_428 {strides = array<i32>} : memref<256x64xf32, #tpu.memory_space<vmem>>, vector<1x16xf32>,
        %get3A_429 = arith.index_cast %add3A_404 : i32 to index
        %get3A_430 = arith.constant 32 : index
        %get3A_431 = tpu.vector_load %arg6[%get3A_429, %get3A_430] {strides = array<i32>} : memref<256x64xf32, #tpu.memory_space<vmem>>, vector<1x16xf32>,
        %get3A_432 = vector.shape_cast %get3A_431 : vector<1x16xf32> to vector<16xf32>
        %mul3A_433 = arith.constant 8.000000e+00 : f32
        %mul3A_434 = vector.broadcast %mul3A_433 : f32 to vector<16xf32>
        %mul3A_435 = arith.mulf %get3A_432, %mul3A_434 : vector<16xf32>
        %swap3A_436 = arith.index_cast %add3A_404 : i32 to index
        %swap3A_437 = arith.constant 32 : index
        %swap3A_438 = tpu.vector_load %arg6[%swap3A_436, %swap3A_437] {strides = array<i32>} : memref<256x64xf32, #tpu.memory_space<vmem>>, vector<1x16xf32>,
        %swap3A_439 = vector.shape_cast %swap3A_438 : vector<1x16xf32> to vector<16xf32>
        %swap3A_440 = vector.shape_cast %mul3A_435 : vector<16xf32> to vector<1x16xf32>
        tpu.vector_store %arg6[%swap3A_436, %swap3A_437], %swap3A_440 {strides = array<i32>} : memref<256x64xf32, #tpu.memory_space<vmem>>, vector<1x16xf32>,
        %get3A_441 = arith.index_cast %add3A_404 : i32 to index
        %get3A_442 = arith.constant 48 : index
        %get3A_443 = tpu.vector_load %arg6[%get3A_441, %get3A_442] {strides = array<i32>} : memref<256x64xf32, #tpu.memory_space<vmem>>, vector<1x16xf32>,
        %get3A_444 = vector.shape_cast %get3A_443 : vector<1x16xf32> to vector<16xf32>
        %mul3A_445 = arith.constant 8.000000e+00 : f32
        %mul3A_446 = vector.broadcast %mul3A_445 : f32 to vector<16xf32>
        %mul3A_447 = arith.mulf %get3A_444, %mul3A_446 : vector<16xf32>
        %swap3A_448 = arith.index_cast %add3A_404 : i32 to index
        %swap3A_449 = arith.constant 48 : index
        %swap3A_450 = tpu.vector_load %arg6[%swap3A_448, %swap3A_449] {strides = array<i32>} : memref<256x64xf32, #tpu.memory_space<vmem>>, vector<1x16xf32>,
        %swap3A_451 = vector.shape_cast %swap3A_450 : vector<1x16xf32> to vector<16xf32>
        %swap3A_452 = vector.shape_cast %mul3A_447 : vector<16xf32> to vector<1x16xf32>
        tpu.vector_store %arg6[%swap3A_448, %swap3A_449], %swap3A_452 {strides = array<i32>} : memref<256x64xf32, #tpu.memory_space<vmem>>, vector<1x16xf32>,
        %scan3A_453 = arith.constant 3 : i32
        %scan3A_454 = arith.addi %scan3A_294, %scan3A_453 : i32
        %mul3A_455 = arith.constant 1 : i32
        %mul3A_456 = arith.muli %scan3A_454, %mul3A_455 : i32
        %add3A_457 = arith.constant 0 : i32
        %add3A_458 = arith.addi %add3A_457, %mul3A_456 : i32
        %get3A_459 = arith.index_cast %add3A_458 : i32 to index
        %get3A_460 = arith.constant 0 : index
        %get3A_461 = tpu.vector_load %arg6[%get3A_459, %get3A_460] {strides = array<i32>} : memref<256x64xf32, #tpu.memory_space<vmem>>, vector<1x16xf32>,
        %get3A_462 = vector.shape_cast %get3A_461 : vector<1x16xf32> to vector<16xf32>
        %mul3A_463 = arith.constant 8.000000e+00 : f32
        %mul3A_464 = vector.broadcast %mul3A_463 : f32 to vector<16xf32>
        %mul3A_465 = arith.mulf %get3A_462, %mul3A_464 : vector<16xf32>
        %swap3A_466 = arith.index_cast %add3A_458 : i32 to index
        %swap3A_467 = arith.constant 0 : index
        %swap3A_468 = tpu.vector_load %arg6[%swap3A_466, %swap3A_467] {strides = array<i32>} : memref<256x64xf32, #tpu.memory_space<vmem>>, vector<1x16xf32>,
        %swap3A_469 = vector.shape_cast %swap3A_468 : vector<1x16xf32> to vector<16xf32>
        %swap3A_470 = vector.shape_cast %mul3A_465 : vector<16xf32> to vector<1x16xf32>
        tpu.vector_store %arg6[%swap3A_466, %swap3A_467], %swap3A_470 {strides = array<i32>} : memref<256x64xf32, #tpu.memory_space<vmem>>, vector<1x16xf32>,
        %get3A_471 = arith.index_cast %add3A_458 : i32 to index
        %get3A_472 = arith.constant 16 : index
        %get3A_473 = tpu.vector_load %arg6[%get3A_471, %get3A_472] {strides = array<i32>} : memref<256x64xf32, #tpu.memory_space<vmem>>, vector<1x16xf32>,
        %get3A_474 = vector.shape_cast %get3A_473 : vector<1x16xf32> to vector<16xf32>
        %mul3A_475 = arith.constant 8.000000e+00 : f32
        %mul3A_476 = vector.broadcast %mul3A_475 : f32 to vector<16xf32>
        %mul3A_477 = arith.mulf %get3A_474, %mul3A_476 : vector<16xf32>
        %swap3A_478 = arith.index_cast %add3A_458 : i32 to index
        %swap3A_479 = arith.constant 16 : index
        %swap3A_480 = tpu.vector_load %arg6[%swap3A_478, %swap3A_479] {strides = array<i32>} : memref<256x64xf32, #tpu.memory_space<vmem>>, vector<1x16xf32>,
        %swap3A_481 = vector.shape_cast %swap3A_480 : vector<1x16xf32> to vector<16xf32>
        %swap3A_482 = vector.shape_cast %mul3A_477 : vector<16xf32> to vector<1x16xf32>
        tpu.vector_store %arg6[%swap3A_478, %swap3A_479], %swap3A_482 {strides = array<i32>} : memref<256x64xf32, #tpu.memory_space<vmem>>, vector<1x16xf32>,
        %get3A_483 = arith.index_cast %add3A_458 : i32 to index
        %get3A_484 = arith.constant 32 : index
        %get3A_485 = tpu.vector_load %arg6[%get3A_483, %get3A_484] {strides = array<i32>} : memref<256x64xf32, #tpu.memory_space<vmem>>, vector<1x16xf32>,
        %get3A_486 = vector.shape_cast %get3A_485 : vector<1x16xf32> to vector<16xf32>
        %mul3A_487 = arith.constant 8.000000e+00 : f32
        %mul3A_488 = vector.broadcast %mul3A_487 : f32 to vector<16xf32>
        %mul3A_489 = arith.mulf %get3A_486, %mul3A_488 : vector<16xf32>
        %swap3A_490 = arith.index_cast %add3A_458 : i32 to index
        %swap3A_491 = arith.constant 32 : index
        %swap3A_492 = tpu.vector_load %arg6[%swap3A_490, %swap3A_491] {strides = array<i32>} : memref<256x64xf32, #tpu.memory_space<vmem>>, vector<1x16xf32>,
        %swap3A_493 = vector.shape_cast %swap3A_492 : vector<1x16xf32> to vector<16xf32>
        %swap3A_494 = vector.shape_cast %mul3A_489 : vector<16xf32> to vector<1x16xf32>
        tpu.vector_store %arg6[%swap3A_490, %swap3A_491], %swap3A_494 {strides = array<i32>} : memref<256x64xf32, #tpu.memory_space<vmem>>, vector<1x16xf32>,
        %get3A_495 = arith.index_cast %add3A_458 : i32 to index
        %get3A_496 = arith.constant 48 : index
        %get3A_497 = tpu.vector_load %arg6[%get3A_495, %get3A_496] {strides = array<i32>} : memref<256x64xf32, #tpu.memory_space<vmem>>, vector<1x16xf32>,
        %get3A_498 = vector.shape_cast %get3A_497 : vector<1x16xf32> to vector<16xf32>
        %mul3A_499 = arith.constant 8.000000e+00 : f32
        %mul3A_500 = vector.broadcast %mul3A_499 : f32 to vector<16xf32>
        %mul3A_501 = arith.mulf %get3A_498, %mul3A_500 : vector<16xf32>
        %swap3A_502 = arith.index_cast %add3A_458 : i32 to index
        %swap3A_503 = arith.constant 48 : index
        %swap3A_504 = tpu.vector_load %arg6[%swap3A_502, %swap3A_503] {strides = array<i32>} : memref<256x64xf32, #tpu.memory_space<vmem>>, vector<1x16xf32>,
        %swap3A_505 = vector.shape_cast %swap3A_504 : vector<1x16xf32> to vector<16xf32>
        %swap3A_506 = vector.shape_cast %mul3A_501 : vector<16xf32> to vector<1x16xf32>
        tpu.vector_store %arg6[%swap3A_502, %swap3A_503], %swap3A_506 {strides = array<i32>} : memref<256x64xf32, #tpu.memory_space<vmem>>, vector<1x16xf32>,
        %scan3A_507 = arith.constant 4 : i32
        %scan3A_508 = arith.addi %scan3A_294, %scan3A_507 : i32
        %mul3A_509 = arith.constant 1 : i32
        %mul3A_510 = arith.muli %scan3A_508, %mul3A_509 : i32
        %add3A_511 = arith.constant 0 : i32
        %add3A_512 = arith.addi %add3A_511, %mul3A_510 : i32
        %get3A_513 = arith.index_cast %add3A_512 : i32 to index
        %get3A_514 = arith.constant 0 : index
        %get3A_515 = tpu.vector_load %arg6[%get3A_513, %get3A_514] {strides = array<i32>} : memref<256x64xf32, #tpu.memory_space<vmem>>, vector<1x16xf32>,
        %get3A_516 = vector.shape_cast %get3A_515 : vector<1x16xf32> to vector<16xf32>
        %mul3A_517 = arith.constant 8.000000e+00 : f32
        %mul3A_518 = vector.broadcast %mul3A_517 : f32 to vector<16xf32>
        %mul3A_519 = arith.mulf %get3A_516, %mul3A_518 : vector<16xf32>
        %swap3A_520 = arith.index_cast %add3A_512 : i32 to index
        %swap3A_521 = arith.constant 0 : index
        %swap3A_522 = tpu.vector_load %arg6[%swap3A_520, %swap3A_521] {strides = array<i32>} : memref<256x64xf32, #tpu.memory_space<vmem>>, vector<1x16xf32>,
        %swap3A_523 = vector.shape_cast %swap3A_522 : vector<1x16xf32> to vector<16xf32>
        %swap3A_524 = vector.shape_cast %mul3A_519 : vector<16xf32> to vector<1x16xf32>
        tpu.vector_store %arg6[%swap3A_520, %swap3A_521], %swap3A_524 {strides = array<i32>} : memref<256x64xf32, #tpu.memory_space<vmem>>, vector<1x16xf32>,
        %get3A_525 = arith.index_cast %add3A_512 : i32 to index
        %get3A_526 = arith.constant 16 : index
        %get3A_527 = tpu.vector_load %arg6[%get3A_525, %get3A_526] {strides = array<i32>} : memref<256x64xf32, #tpu.memory_space<vmem>>, vector<1x16xf32>,
        %get3A_528 = vector.shape_cast %get3A_527 : vector<1x16xf32> to vector<16xf32>
        %mul3A_529 = arith.constant 8.000000e+00 : f32
        %mul3A_530 = vector.broadcast %mul3A_529 : f32 to vector<16xf32>
        %mul3A_531 = arith.mulf %get3A_528, %mul3A_530 : vector<16xf32>
        %swap3A_532 = arith.index_cast %add3A_512 : i32 to index
        %swap3A_533 = arith.constant 16 : index
        %swap3A_534 = tpu.vector_load %arg6[%swap3A_532, %swap3A_533] {strides = array<i32>} : memref<256x64xf32, #tpu.memory_space<vmem>>, vector<1x16xf32>,
        %swap3A_535 = vector.shape_cast %swap3A_534 : vector<1x16xf32> to vector<16xf32>
        %swap3A_536 = vector.shape_cast %mul3A_531 : vector<16xf32> to vector<1x16xf32>
        tpu.vector_store %arg6[%swap3A_532, %swap3A_533], %swap3A_536 {strides = array<i32>} : memref<256x64xf32, #tpu.memory_space<vmem>>, vector<1x16xf32>,
        %get3A_537 = arith.index_cast %add3A_512 : i32 to index
        %get3A_538 = arith.constant 32 : index
        %get3A_539 = tpu.vector_load %arg6[%get3A_537, %get3A_538] {strides = array<i32>} : memref<256x64xf32, #tpu.memory_space<vmem>>, vector<1x16xf32>,
        %get3A_540 = vector.shape_cast %get3A_539 : vector<1x16xf32> to vector<16xf32>
        %mul3A_541 = arith.constant 8.000000e+00 : f32
        %mul3A_542 = vector.broadcast %mul3A_541 : f32 to vector<16xf32>
        %mul3A_543 = arith.mulf %get3A_540, %mul3A_542 : vector<16xf32>
        %swap3A_544 = arith.index_cast %add3A_512 : i32 to index
        %swap3A_545 = arith.constant 32 : index
        %swap3A_546 = tpu.vector_load %arg6[%swap3A_544, %swap3A_545] {strides = array<i32>} : memref<256x64xf32, #tpu.memory_space<vmem>>, vector<1x16xf32>,
        %swap3A_547 = vector.shape_cast %swap3A_546 : vector<1x16xf32> to vector<16xf32>
        %swap3A_548 = vector.shape_cast %mul3A_543 : vector<16xf32> to vector<1x16xf32>
        tpu.vector_store %arg6[%swap3A_544, %swap3A_545], %swap3A_548 {strides = array<i32>} : memref<256x64xf32, #tpu.memory_space<vmem>>, vector<1x16xf32>,
        %get3A_549 = arith.index_cast %add3A_512 : i32 to index
        %get3A_550 = arith.constant 48 : index
        %get3A_551 = tpu.vector_load %arg6[%get3A_549, %get3A_550] {strides = array<i32>} : memref<256x64xf32, #tpu.memory_space<vmem>>, vector<1x16xf32>,
        %get3A_552 = vector.shape_cast %get3A_551 : vector<1x16xf32> to vector<16xf32>
        %mul3A_553 = arith.constant 8.000000e+00 : f32
        %mul3A_554 = vector.broadcast %mul3A_553 : f32 to vector<16xf32>
        %mul3A_555 = arith.mulf %get3A_552, %mul3A_554 : vector<16xf32>
        %swap3A_556 = arith.index_cast %add3A_512 : i32 to index
        %swap3A_557 = arith.constant 48 : index
        %swap3A_558 = tpu.vector_load %arg6[%swap3A_556, %swap3A_557] {strides = array<i32>} : memref<256x64xf32, #tpu.memory_space<vmem>>, vector<1x16xf32>,
        %swap3A_559 = vector.shape_cast %swap3A_558 : vector<1x16xf32> to vector<16xf32>
        %swap3A_560 = vector.shape_cast %mul3A_555 : vector<16xf32> to vector<1x16xf32>
        tpu.vector_store %arg6[%swap3A_556, %swap3A_557], %swap3A_560 {strides = array<i32>} : memref<256x64xf32, #tpu.memory_space<vmem>>, vector<1x16xf32>,
        %scan3A_561 = arith.constant 5 : i32
        %scan3A_562 = arith.addi %scan3A_294, %scan3A_561 : i32
        %mul3A_563 = arith.constant 1 : i32
        %mul3A_564 = arith.muli %scan3A_562, %mul3A_563 : i32
        %add3A_565 = arith.constant 0 : i32
        %add3A_566 = arith.addi %add3A_565, %mul3A_564 : i32
        %get3A_567 = arith.index_cast %add3A_566 : i32 to index
        %get3A_568 = arith.constant 0 : index
        %get3A_569 = tpu.vector_load %arg6[%get3A_567, %get3A_568] {strides = array<i32>} : memref<256x64xf32, #tpu.memory_space<vmem>>, vector<1x16xf32>,
        %get3A_570 = vector.shape_cast %get3A_569 : vector<1x16xf32> to vector<16xf32>
        %mul3A_571 = arith.constant 8.000000e+00 : f32
        %mul3A_572 = vector.broadcast %mul3A_571 : f32 to vector<16xf32>
        %mul3A_573 = arith.mulf %get3A_570, %mul3A_572 : vector<16xf32>
        %swap3A_574 = arith.index_cast %add3A_566 : i32 to index
        %swap3A_575 = arith.constant 0 : index
        %swap3A_576 = tpu.vector_load %arg6[%swap3A_574, %swap3A_575] {strides = array<i32>} : memref<256x64xf32, #tpu.memory_space<vmem>>, vector<1x16xf32>,
        %swap3A_577 = vector.shape_cast %swap3A_576 : vector<1x16xf32> to vector<16xf32>
        %swap3A_578 = vector.shape_cast %mul3A_573 : vector<16xf32> to vector<1x16xf32>
        tpu.vector_store %arg6[%swap3A_574, %swap3A_575], %swap3A_578 {strides = array<i32>} : memref<256x64xf32, #tpu.memory_space<vmem>>, vector<1x16xf32>,
        %get3A_579 = arith.index_cast %add3A_566 : i32 to index
        %get3A_580 = arith.constant 16 : index
        %get3A_581 = tpu.vector_load %arg6[%get3A_579, %get3A_580] {strides = array<i32>} : memref<256x64xf32, #tpu.memory_space<vmem>>, vector<1x16xf32>,
        %get3A_582 = vector.shape_cast %get3A_581 : vector<1x16xf32> to vector<16xf32>
        %mul3A_583 = arith.constant 8.000000e+00 : f32
        %mul3A_584 = vector.broadcast %mul3A_583 : f32 to vector<16xf32>
        %mul3A_585 = arith.mulf %get3A_582, %mul3A_584 : vector<16xf32>
        %swap3A_586 = arith.index_cast %add3A_566 : i32 to index
        %swap3A_587 = arith.constant 16 : index
        %swap3A_588 = tpu.vector_load %arg6[%swap3A_586, %swap3A_587] {strides = array<i32>} : memref<256x64xf32, #tpu.memory_space<vmem>>, vector<1x16xf32>,
        %swap3A_589 = vector.shape_cast %swap3A_588 : vector<1x16xf32> to vector<16xf32>
        %swap3A_590 = vector.shape_cast %mul3A_585 : vector<16xf32> to vector<1x16xf32>
        tpu.vector_store %arg6[%swap3A_586, %swap3A_587], %swap3A_590 {strides = array<i32>} : memref<256x64xf32, #tpu.memory_space<vmem>>, vector<1x16xf32>,
        %get3A_591 = arith.index_cast %add3A_566 : i32 to index
        %get3A_592 = arith.constant 32 : index
        %get3A_593 = tpu.vector_load %arg6[%get3A_591, %get3A_592] {strides = array<i32>} : memref<256x64xf32, #tpu.memory_space<vmem>>, vector<1x16xf32>,
        %get3A_594 = vector.shape_cast %get3A_593 : vector<1x16xf32> to vector<16xf32>
        %mul3A_595 = arith.constant 8.000000e+00 : f32
        %mul3A_596 = vector.broadcast %mul3A_595 : f32 to vector<16xf32>
        %mul3A_597 = arith.mulf %get3A_594, %mul3A_596 : vector<16xf32>
        %swap3A_598 = arith.index_cast %add3A_566 : i32 to index
        %swap3A_599 = arith.constant 32 : index
        %swap3A_600 = tpu.vector_load %arg6[%swap3A_598, %swap3A_599] {strides = array<i32>} : memref<256x64xf32, #tpu.memory_space<vmem>>, vector<1x16xf32>,
        %swap3A_601 = vector.shape_cast %swap3A_600 : vector<1x16xf32> to vector<16xf32>
        %swap3A_602 = vector.shape_cast %mul3A_597 : vector<16xf32> to vector<1x16xf32>
        tpu.vector_store %arg6[%swap3A_598, %swap3A_599], %swap3A_602 {strides = array<i32>} : memref<256x64xf32, #tpu.memory_space<vmem>>, vector<1x16xf32>,
        %get3A_603 = arith.index_cast %add3A_566 : i32 to index
        %get3A_604 = arith.constant 48 : index
        %get3A_605 = tpu.vector_load %arg6[%get3A_603, %get3A_604] {strides = array<i32>} : memref<256x64xf32, #tpu.memory_space<vmem>>, vector<1x16xf32>,
        %get3A_606 = vector.shape_cast %get3A_605 : vector<1x16xf32> to vector<16xf32>
        %mul3A_607 = arith.constant 8.000000e+00 : f32
        %mul3A_608 = vector.broadcast %mul3A_607 : f32 to vector<16xf32>
        %mul3A_609 = arith.mulf %get3A_606, %mul3A_608 : vector<16xf32>
        %swap3A_610 = arith.index_cast %add3A_566 : i32 to index
        %swap3A_611 = arith.constant 48 : index
        %swap3A_612 = tpu.vector_load %arg6[%swap3A_610, %swap3A_611] {strides = array<i32>} : memref<256x64xf32, #tpu.memory_space<vmem>>, vector<1x16xf32>,
        %swap3A_613 = vector.shape_cast %swap3A_612 : vector<1x16xf32> to vector<16xf32>
        %swap3A_614 = vector.shape_cast %mul3A_609 : vector<16xf32> to vector<1x16xf32>
        tpu.vector_store %arg6[%swap3A_610, %swap3A_611], %swap3A_614 {strides = array<i32>} : memref<256x64xf32, #tpu.memory_space<vmem>>, vector<1x16xf32>,
        %scan3A_615 = arith.constant 6 : i32
        %scan3A_616 = arith.addi %scan3A_294, %scan3A_615 : i32
        %mul3A_617 = arith.constant 1 : i32
        %mul3A_618 = arith.muli %scan3A_616, %mul3A_617 : i32
        %add3A_619 = arith.constant 0 : i32
        %add3A_620 = arith.addi %add3A_619, %mul3A_618 : i32
        %get3A_621 = arith.index_cast %add3A_620 : i32 to index
        %get3A_622 = arith.constant 0 : index
        %get3A_623 = tpu.vector_load %arg6[%get3A_621, %get3A_622] {strides = array<i32>} : memref<256x64xf32, #tpu.memory_space<vmem>>, vector<1x16xf32>,
        %get3A_624 = vector.shape_cast %get3A_623 : vector<1x16xf32> to vector<16xf32>
        %mul3A_625 = arith.constant 8.000000e+00 : f32
        %mul3A_626 = vector.broadcast %mul3A_625 : f32 to vector<16xf32>
        %mul3A_627 = arith.mulf %get3A_624, %mul3A_626 : vector<16xf32>
        %swap3A_628 = arith.index_cast %add3A_620 : i32 to index
        %swap3A_629 = arith.constant 0 : index
        %swap3A_630 = tpu.vector_load %arg6[%swap3A_628, %swap3A_629] {strides = array<i32>} : memref<256x64xf32, #tpu.memory_space<vmem>>, vector<1x16xf32>,
        %swap3A_631 = vector.shape_cast %swap3A_630 : vector<1x16xf32> to vector<16xf32>
        %swap3A_632 = vector.shape_cast %mul3A_627 : vector<16xf32> to vector<1x16xf32>
        tpu.vector_store %arg6[%swap3A_628, %swap3A_629], %swap3A_632 {strides = array<i32>} : memref<256x64xf32, #tpu.memory_space<vmem>>, vector<1x16xf32>,
        %get3A_633 = arith.index_cast %add3A_620 : i32 to index
        %get3A_634 = arith.constant 16 : index
        %get3A_635 = tpu.vector_load %arg6[%get3A_633, %get3A_634] {strides = array<i32>} : memref<256x64xf32, #tpu.memory_space<vmem>>, vector<1x16xf32>,
        %get3A_636 = vector.shape_cast %get3A_635 : vector<1x16xf32> to vector<16xf32>
        %mul3A_637 = arith.constant 8.000000e+00 : f32
        %mul3A_638 = vector.broadcast %mul3A_637 : f32 to vector<16xf32>
        %mul3A_639 = arith.mulf %get3A_636, %mul3A_638 : vector<16xf32>
        %swap3A_640 = arith.index_cast %add3A_620 : i32 to index
        %swap3A_641 = arith.constant 16 : index
        %swap3A_642 = tpu.vector_load %arg6[%swap3A_640, %swap3A_641] {strides = array<i32>} : memref<256x64xf32, #tpu.memory_space<vmem>>, vector<1x16xf32>,
        %swap3A_643 = vector.shape_cast %swap3A_642 : vector<1x16xf32> to vector<16xf32>
        %swap3A_644 = vector.shape_cast %mul3A_639 : vector<16xf32> to vector<1x16xf32>
        tpu.vector_store %arg6[%swap3A_640, %swap3A_641], %swap3A_644 {strides = array<i32>} : memref<256x64xf32, #tpu.memory_space<vmem>>, vector<1x16xf32>,
        %get3A_645 = arith.index_cast %add3A_620 : i32 to index
        %get3A_646 = arith.constant 32 : index
        %get3A_647 = tpu.vector_load %arg6[%get3A_645, %get3A_646] {strides = array<i32>} : memref<256x64xf32, #tpu.memory_space<vmem>>, vector<1x16xf32>,
        %get3A_648 = vector.shape_cast %get3A_647 : vector<1x16xf32> to vector<16xf32>
        %mul3A_649 = arith.constant 8.000000e+00 : f32
        %mul3A_650 = vector.broadcast %mul3A_649 : f32 to vector<16xf32>
        %mul3A_651 = arith.mulf %get3A_648, %mul3A_650 : vector<16xf32>
        %swap3A_652 = arith.index_cast %add3A_620 : i32 to index
        %swap3A_653 = arith.constant 32 : index
        %swap3A_654 = tpu.vector_load %arg6[%swap3A_652, %swap3A_653] {strides = array<i32>} : memref<256x64xf32, #tpu.memory_space<vmem>>, vector<1x16xf32>,
        %swap3A_655 = vector.shape_cast %swap3A_654 : vector<1x16xf32> to vector<16xf32>
        %swap3A_656 = vector.shape_cast %mul3A_651 : vector<16xf32> to vector<1x16xf32>
        tpu.vector_store %arg6[%swap3A_652, %swap3A_653], %swap3A_656 {strides = array<i32>} : memref<256x64xf32, #tpu.memory_space<vmem>>, vector<1x16xf32>,
        %get3A_657 = arith.index_cast %add3A_620 : i32 to index
        %get3A_658 = arith.constant 48 : index
        %get3A_659 = tpu.vector_load %arg6[%get3A_657, %get3A_658] {strides = array<i32>} : memref<256x64xf32, #tpu.memory_space<vmem>>, vector<1x16xf32>,
        %get3A_660 = vector.shape_cast %get3A_659 : vector<1x16xf32> to vector<16xf32>
        %mul3A_661 = arith.constant 8.000000e+00 : f32
        %mul3A_662 = vector.broadcast %mul3A_661 : f32 to vector<16xf32>
        %mul3A_663 = arith.mulf %get3A_660, %mul3A_662 : vector<16xf32>
        %swap3A_664 = arith.index_cast %add3A_620 : i32 to index
        %swap3A_665 = arith.constant 48 : index
        %swap3A_666 = tpu.vector_load %arg6[%swap3A_664, %swap3A_665] {strides = array<i32>} : memref<256x64xf32, #tpu.memory_space<vmem>>, vector<1x16xf32>,
        %swap3A_667 = vector.shape_cast %swap3A_666 : vector<1x16xf32> to vector<16xf32>
        %swap3A_668 = vector.shape_cast %mul3A_663 : vector<16xf32> to vector<1x16xf32>
        tpu.vector_store %arg6[%swap3A_664, %swap3A_665], %swap3A_668 {strides = array<i32>} : memref<256x64xf32, #tpu.memory_space<vmem>>, vector<1x16xf32>,
        %scan3A_669 = arith.constant 7 : i32
        %scan3A_670 = arith.addi %scan3A_294, %scan3A_669 : i32
        %mul3A_671 = arith.constant 1 : i32
        %mul3A_672 = arith.muli %scan3A_670, %mul3A_671 : i32
        %add3A_673 = arith.constant 0 : i32
        %add3A_674 = arith.addi %add3A_673, %mul3A_672 : i32
        %get3A_675 = arith.index_cast %add3A_674 : i32 to index
        %get3A_676 = arith.constant 0 : index
        %get3A_677 = tpu.vector_load %arg6[%get3A_675, %get3A_676] {strides = array<i32>} : memref<256x64xf32, #tpu.memory_space<vmem>>, vector<1x16xf32>,
        %get3A_678 = vector.shape_cast %get3A_677 : vector<1x16xf32> to vector<16xf32>
        %mul3A_679 = arith.constant 8.000000e+00 : f32
        %mul3A_680 = vector.broadcast %mul3A_679 : f32 to vector<16xf32>
        %mul3A_681 = arith.mulf %get3A_678, %mul3A_680 : vector<16xf32>
        %swap3A_682 = arith.index_cast %add3A_674 : i32 to index
        %swap3A_683 = arith.constant 0 : index
        %swap3A_684 = tpu.vector_load %arg6[%swap3A_682, %swap3A_683] {strides = array<i32>} : memref<256x64xf32, #tpu.memory_space<vmem>>, vector<1x16xf32>,
        %swap3A_685 = vector.shape_cast %swap3A_684 : vector<1x16xf32> to vector<16xf32>
        %swap3A_686 = vector.shape_cast %mul3A_681 : vector<16xf32> to vector<1x16xf32>
        tpu.vector_store %arg6[%swap3A_682, %swap3A_683], %swap3A_686 {strides = array<i32>} : memref<256x64xf32, #tpu.memory_space<vmem>>, vector<1x16xf32>,
        %get3A_687 = arith.index_cast %add3A_674 : i32 to index
        %get3A_688 = arith.constant 16 : index
        %get3A_689 = tpu.vector_load %arg6[%get3A_687, %get3A_688] {strides = array<i32>} : memref<256x64xf32, #tpu.memory_space<vmem>>, vector<1x16xf32>,
        %get3A_690 = vector.shape_cast %get3A_689 : vector<1x16xf32> to vector<16xf32>
        %mul3A_691 = arith.constant 8.000000e+00 : f32
        %mul3A_692 = vector.broadcast %mul3A_691 : f32 to vector<16xf32>
        %mul3A_693 = arith.mulf %get3A_690, %mul3A_692 : vector<16xf32>
        %swap3A_694 = arith.index_cast %add3A_674 : i32 to index
        %swap3A_695 = arith.constant 16 : index
        %swap3A_696 = tpu.vector_load %arg6[%swap3A_694, %swap3A_695] {strides = array<i32>} : memref<256x64xf32, #tpu.memory_space<vmem>>, vector<1x16xf32>,
        %swap3A_697 = vector.shape_cast %swap3A_696 : vector<1x16xf32> to vector<16xf32>
        %swap3A_698 = vector.shape_cast %mul3A_693 : vector<16xf32> to vector<1x16xf32>
        tpu.vector_store %arg6[%swap3A_694, %swap3A_695], %swap3A_698 {strides = array<i32>} : memref<256x64xf32, #tpu.memory_space<vmem>>, vector<1x16xf32>,
        %get3A_699 = arith.index_cast %add3A_674 : i32 to index
        %get3A_700 = arith.constant 32 : index
        %get3A_701 = tpu.vector_load %arg6[%get3A_699, %get3A_700] {strides = array<i32>} : memref<256x64xf32, #tpu.memory_space<vmem>>, vector<1x16xf32>,
        %get3A_702 = vector.shape_cast %get3A_701 : vector<1x16xf32> to vector<16xf32>
        %mul3A_703 = arith.constant 8.000000e+00 : f32
        %mul3A_704 = vector.broadcast %mul3A_703 : f32 to vector<16xf32>
        %mul3A_705 = arith.mulf %get3A_702, %mul3A_704 : vector<16xf32>
        %swap3A_706 = arith.index_cast %add3A_674 : i32 to index
        %swap3A_707 = arith.constant 32 : index
        %swap3A_708 = tpu.vector_load %arg6[%swap3A_706, %swap3A_707] {strides = array<i32>} : memref<256x64xf32, #tpu.memory_space<vmem>>, vector<1x16xf32>,
        %swap3A_709 = vector.shape_cast %swap3A_708 : vector<1x16xf32> to vector<16xf32>
        %swap3A_710 = vector.shape_cast %mul3A_705 : vector<16xf32> to vector<1x16xf32>
        tpu.vector_store %arg6[%swap3A_706, %swap3A_707], %swap3A_710 {strides = array<i32>} : memref<256x64xf32, #tpu.memory_space<vmem>>, vector<1x16xf32>,
        %get3A_711 = arith.index_cast %add3A_674 : i32 to index
        %get3A_712 = arith.constant 48 : index
        %get3A_713 = tpu.vector_load %arg6[%get3A_711, %get3A_712] {strides = array<i32>} : memref<256x64xf32, #tpu.memory_space<vmem>>, vector<1x16xf32>,
        %get3A_714 = vector.shape_cast %get3A_713 : vector<1x16xf32> to vector<16xf32>
        %mul3A_715 = arith.constant 8.000000e+00 : f32
        %mul3A_716 = vector.broadcast %mul3A_715 : f32 to vector<16xf32>
        %mul3A_717 = arith.mulf %get3A_714, %mul3A_716 : vector<16xf32>
        %swap3A_718 = arith.index_cast %add3A_674 : i32 to index
        %swap3A_719 = arith.constant 48 : index
        %swap3A_720 = tpu.vector_load %arg6[%swap3A_718, %swap3A_719] {strides = array<i32>} : memref<256x64xf32, #tpu.memory_space<vmem>>, vector<1x16xf32>,
        %swap3A_721 = vector.shape_cast %swap3A_720 : vector<1x16xf32> to vector<16xf32>
        %swap3A_722 = vector.shape_cast %mul3A_717 : vector<16xf32> to vector<1x16xf32>
        tpu.vector_store %arg6[%swap3A_718, %swap3A_719], %swap3A_722 {strides = array<i32>} : memref<256x64xf32, #tpu.memory_space<vmem>>, vector<1x16xf32>,
      }
      %scan3A_128 = arith.constant 256 : i32
      %add3A_129 = arith.constant 4 : i32
      %add3A_130 = arith.addi %add3A_97, %add3A_129 : i32
      %sub3A = arith.constant 1 : i32
      %sub3A_131 = arith.subi %add3A_130, %sub3A : i32
      %lt3A = arith.constant 100 : i32
      %lt3A_132 = arith.cmpi slt, %sub3A_131, %lt3A : i32
      %convert_element_type3A = arith.extui %lt3A_132 : i1 to i32
      %cond3A = arith.constant 0 : i32
      %cond3A_133 = arith.cmpi ne, %convert_element_type3A, %cond3A : i32
      scf.if %cond3A_133 {
        %ge3A = arith.constant 1 : i32
        %ge3A_294 = arith.cmpi sge, %add3A_97, %ge3A : i32
        %convert_element_type3A_295 = arith.extui %ge3A_294 : i1 to i32
        %cond3A_296 = arith.constant 0 : i32
        %cond3A_297 = arith.cmpi ne, %convert_element_type3A_295, %cond3A_296 : i32
        scf.if %cond3A_297 {
          %sub3A_324 = arith.constant 4 : i32
          %sub3A_325 = arith.subi %sub3A_131, %sub3A_324 : i32
          %mul3A_326 = arith.constant 256 : i32
          %mul3A_327 = arith.muli %sub3A_325, %mul3A_326 : i32
          %add3A_328 = arith.addi %mul3A_2, %mul3A_327 : i32
          %dma_wait3A_329 = arith.constant 0 : i32
          %dma_wait3A_330 = tpu.memref_slice %arg4[%add3A_328, %dma_wait3A_329] : memref<819200x64xf32, #tpu.memory_space<hbm>> -> memref<256x64xf32, #tpu.memory_space<hbm>>
          %dma_wait3A_331 = arith.constant 0 : i32
          %dma_wait3A_332 = tpu.memref_slice %arg4[%add3A_328, %dma_wait3A_331] : memref<819200x64xf32, #tpu.memory_space<hbm>> -> memref<256x64xf32, #tpu.memory_space<hbm>>
          tpu.wait_dma2 semaphore(%arg17 : memref<!tpu.dma_semaphore, #tpu.memory_space<semaphore_mem>>) src(%arg9 : memref<256x64xf32, #tpu.memory_space<vmem>>) dst(%dma_wait3A_332 : memref<256x64xf32, #tpu.memory_space<hbm>>)
        } else {
        }
        %mul3A_298 = arith.constant 2 : i32
        %mul3A_299 = arith.muli %sub3A_131, %mul3A_298 : i32
        %add3A_300 = arith.constant 0 : i32
        %add3A_301 = arith.addi %mul3A_299, %add3A_300 : i32
        %dma_start3A_302 = arith.constant 0 : i32
        %dma_start3A_303 = arith.constant 0 : i32
        %dma_start3A_304 = tpu.memref_slice %arg9[%dma_start3A_302, %dma_start3A_303] : memref<256x64xf32, #tpu.memory_space<vmem>> -> memref<128x64xf32, #tpu.memory_space<vmem>>
        %dma_start3A_305 = arith.constant 0 : i32
        %dma_start3A_306 = tpu.memref_slice %arg5[%add3A_301, %dma_start3A_305] : memref<200x128xi32, #tpu.memory_space<vmem>> -> memref<1x128xi32, #tpu.memory_space<vmem>>
        %dma_start3A_307 = tpu.memref_squeeze %dma_start3A_306 : memref<1x128xi32, #tpu.memory_space<vmem>> -> memref<128xi32, #tpu.memory_space<vmem>>
        %dma_start3A_308 = arith.constant 0 : i32
        %dma_start3A_309 = arith.constant 0 : i32
        %dma_start3A_310 = tpu.memref_slice %arg3[%dma_start3A_308, %dma_start3A_309] : memref<1000000x64xf32, #tpu.memory_space<hbm>> -> memref<1000000x64xf32, #tpu.memory_space<hbm>>
        tpu.enqueue_indirect_dma source(%dma_start3A_310 : memref<1000000x64xf32, #tpu.memory_space<hbm>>) target(%dma_start3A_304 : memref<128x64xf32, #tpu.memory_space<vmem>>) offsets(%dma_start3A_307 : memref<128xi32, #tpu.memory_space<vmem>>) semaphore(%arg13 : memref<!tpu.dma_semaphore, #tpu.memory_space<semaphore_mem>>)
        %mul3A_311 = arith.constant 2 : i32
        %mul3A_312 = arith.muli %sub3A_131, %mul3A_311 : i32
        %add3A_313 = arith.constant 1 : i32
        %add3A_314 = arith.addi %mul3A_312, %add3A_313 : i32
        %dma_start3A_315 = arith.constant 128 : i32
        %dma_start3A_316 = arith.constant 0 : i32
        %dma_start3A_317 = tpu.memref_slice %arg9[%dma_start3A_315, %dma_start3A_316] : memref<256x64xf32, #tpu.memory_space<vmem>> -> memref<128x64xf32, #tpu.memory_space<vmem>>
        %dma_start3A_318 = arith.constant 0 : i32
        %dma_start3A_319 = tpu.memref_slice %arg5[%add3A_314, %dma_start3A_318] : memref<200x128xi32, #tpu.memory_space<vmem>> -> memref<1x128xi32, #tpu.memory_space<vmem>>
        %dma_start3A_320 = tpu.memref_squeeze %dma_start3A_319 : memref<1x128xi32, #tpu.memory_space<vmem>> -> memref<128xi32, #tpu.memory_space<vmem>>
        %dma_start3A_321 = arith.constant 0 : i32
        %dma_start3A_322 = arith.constant 0 : i32
        %dma_start3A_323 = tpu.memref_slice %arg3[%dma_start3A_321, %dma_start3A_322] : memref<1000000x64xf32, #tpu.memory_space<hbm>> -> memref<1000000x64xf32, #tpu.memory_space<hbm>>
        tpu.enqueue_indirect_dma source(%dma_start3A_323 : memref<1000000x64xf32, #tpu.memory_space<hbm>>) target(%dma_start3A_317 : memref<128x64xf32, #tpu.memory_space<vmem>>) offsets(%dma_start3A_320 : memref<128xi32, #tpu.memory_space<vmem>>) semaphore(%arg13 : memref<!tpu.dma_semaphore, #tpu.memory_space<semaphore_mem>>)
      } else {
      }
      %mul3A_134 = arith.constant 256 : i32
      %mul3A_135 = arith.muli %add3A_97, %mul3A_134 : i32
      %add3A_136 = arith.addi %mul3A_2, %mul3A_135 : i32
      %dma_start3A_137 = arith.constant 0 : i32
      %dma_start3A_138 = tpu.memref_slice %arg4[%add3A_136, %dma_start3A_137] : memref<819200x64xf32, #tpu.memory_space<hbm>> -> memref<256x64xf32, #tpu.memory_space<hbm>>
      %dma_start3A_139 = arith.constant 0 : i32
      %dma_start3A_140 = tpu.memref_slice %arg4[%add3A_136, %dma_start3A_139] : memref<819200x64xf32, #tpu.memory_space<hbm>> -> memref<256x64xf32, #tpu.memory_space<hbm>>
      tpu.enqueue_dma source(%arg6 : memref<256x64xf32, #tpu.memory_space<vmem>>) target(%dma_start3A_140 : memref<256x64xf32, #tpu.memory_space<hbm>>) target_semaphore(%arg14 : memref<!tpu.dma_semaphore, #tpu.memory_space<semaphore_mem>>)
      %mul3A_141 = arith.constant 4 : i32
      %mul3A_142 = arith.muli %add3A_93, %mul3A_141 : i32
      %add3A_143 = arith.constant 1 : i32
      %add3A_144 = arith.addi %mul3A_142, %add3A_143 : i32
      %mul3A_145 = arith.constant 2 : i32
      %mul3A_146 = arith.muli %add3A_144, %mul3A_145 : i32
      %add3A_147 = arith.constant 0 : i32
      %add3A_148 = arith.addi %mul3A_146, %add3A_147 : i32
      %dma_wait3A_149 = arith.constant 0 : i32
      %dma_wait3A_150 = arith.constant 0 : i32
      %dma_wait3A_151 = tpu.memref_slice %arg7[%dma_wait3A_149, %dma_wait3A_150] : memref<256x64xf32, #tpu.memory_space<vmem>> -> memref<128x64xf32, #tpu.memory_space<vmem>>
      %dma_wait3A_152 = arith.constant 0 : i32
      %dma_wait3A_153 = tpu.memref_slice %arg5[%add3A_148, %dma_wait3A_152] : memref<200x128xi32, #tpu.memory_space<vmem>> -> memref<1x128xi32, #tpu.memory_space<vmem>>
      %dma_wait3A_154 = tpu.memref_squeeze %dma_wait3A_153 : memref<1x128xi32, #tpu.memory_space<vmem>> -> memref<128xi32, #tpu.memory_space<vmem>>
      %dma_wait3A_155 = arith.constant 0 : i32
      %dma_wait3A_156 = arith.constant 0 : i32
      %dma_wait3A_157 = tpu.memref_slice %arg3[%dma_wait3A_155, %dma_wait3A_156] : memref<1000000x64xf32, #tpu.memory_space<hbm>> -> memref<1000000x64xf32, #tpu.memory_space<hbm>>
      tpu.wait_indirect_dma semaphore(%arg11 : memref<!tpu.dma_semaphore, #tpu.memory_space<semaphore_mem>>) src(%dma_wait3A_157 : memref<1000000x64xf32, #tpu.memory_space<hbm>>) dst(%dma_wait3A_151 : memref<128x64xf32, #tpu.memory_space<vmem>>)
      %mul3A_158 = arith.constant 2 : i32
      %mul3A_159 = arith.muli %add3A_144, %mul3A_158 : i32
      %add3A_160 = arith.constant 1 : i32
      %add3A_161 = arith.addi %mul3A_159, %add3A_160 : i32
      %dma_wait3A_162 = arith.constant 128 : i32
      %dma_wait3A_163 = arith.constant 0 : i32
      %dma_wait3A_164 = tpu.memref_slice %arg7[%dma_wait3A_162, %dma_wait3A_163] : memref<256x64xf32, #tpu.memory_space<vmem>> -> memref<128x64xf32, #tpu.memory_space<vmem>>
      %dma_wait3A_165 = arith.constant 0 : i32
      %dma_wait3A_166 = tpu.memref_slice %arg5[%add3A_161, %dma_wait3A_165] : memref<200x128xi32, #tpu.memory_space<vmem>> -> memref<1x128xi32, #tpu.memory_space<vmem>>
      %dma_wait3A_167 = tpu.memref_squeeze %dma_wait3A_166 : memref<1x128xi32, #tpu.memory_space<vmem>> -> memref<128xi32, #tpu.memory_space<vmem>>
      %dma_wait3A_168 = arith.constant 0 : i32
      %dma_wait3A_169 = arith.constant 0 : i32
      %dma_wait3A_170 = tpu.memref_slice %arg3[%dma_wait3A_168, %dma_wait3A_169] : memref<1000000x64xf32, #tpu.memory_space<hbm>> -> memref<1000000x64xf32, #tpu.memory_space<hbm>>
      tpu.wait_indirect_dma semaphore(%arg11 : memref<!tpu.dma_semaphore, #tpu.memory_space<semaphore_mem>>) src(%dma_wait3A_170 : memref<1000000x64xf32, #tpu.memory_space<hbm>>) dst(%dma_wait3A_164 : memref<128x64xf32, #tpu.memory_space<vmem>>)
      %scan3A_171 = arith.constant 0 : i32
      %scan3A_172 = arith.constant 256 : i32
      %scan3A_173 = arith.addi %scan3A_171, %scan3A_172 : i32
      %scan3A_174 = arith.constant 8 : i32
      scf.for %scan3A_294 = %scan3A_171 to %scan3A_173 step %scan3A_174  : i32 {
        %mul3A_295 = arith.constant 1 : i32
        %mul3A_296 = arith.muli %scan3A_294, %mul3A_295 : i32
        %add3A_297 = arith.constant 0 : i32
        %add3A_298 = arith.addi %add3A_297, %mul3A_296 : i32
        %get3A = arith.index_cast %add3A_298 : i32 to index
        %get3A_299 = arith.constant 0 : index
        %get3A_300 = tpu.vector_load %arg7[%get3A, %get3A_299] {strides = array<i32>} : memref<256x64xf32, #tpu.memory_space<vmem>>, vector<1x16xf32>,
        %get3A_301 = vector.shape_cast %get3A_300 : vector<1x16xf32> to vector<16xf32>
        %mul3A_302 = arith.constant 8.000000e+00 : f32
        %mul3A_303 = vector.broadcast %mul3A_302 : f32 to vector<16xf32>
        %mul3A_304 = arith.mulf %get3A_301, %mul3A_303 : vector<16xf32>
        %swap3A = arith.index_cast %add3A_298 : i32 to index
        %swap3A_305 = arith.constant 0 : index
        %swap3A_306 = tpu.vector_load %arg7[%swap3A, %swap3A_305] {strides = array<i32>} : memref<256x64xf32, #tpu.memory_space<vmem>>, vector<1x16xf32>,
        %swap3A_307 = vector.shape_cast %swap3A_306 : vector<1x16xf32> to vector<16xf32>
        %swap3A_308 = vector.shape_cast %mul3A_304 : vector<16xf32> to vector<1x16xf32>
        tpu.vector_store %arg7[%swap3A, %swap3A_305], %swap3A_308 {strides = array<i32>} : memref<256x64xf32, #tpu.memory_space<vmem>>, vector<1x16xf32>,
        %get3A_309 = arith.index_cast %add3A_298 : i32 to index
        %get3A_310 = arith.constant 16 : index
        %get3A_311 = tpu.vector_load %arg7[%get3A_309, %get3A_310] {strides = array<i32>} : memref<256x64xf32, #tpu.memory_space<vmem>>, vector<1x16xf32>,
        %get3A_312 = vector.shape_cast %get3A_311 : vector<1x16xf32> to vector<16xf32>
        %mul3A_313 = arith.constant 8.000000e+00 : f32
        %mul3A_314 = vector.broadcast %mul3A_313 : f32 to vector<16xf32>
        %mul3A_315 = arith.mulf %get3A_312, %mul3A_314 : vector<16xf32>
        %swap3A_316 = arith.index_cast %add3A_298 : i32 to index
        %swap3A_317 = arith.constant 16 : index
        %swap3A_318 = tpu.vector_load %arg7[%swap3A_316, %swap3A_317] {strides = array<i32>} : memref<256x64xf32, #tpu.memory_space<vmem>>, vector<1x16xf32>,
        %swap3A_319 = vector.shape_cast %swap3A_318 : vector<1x16xf32> to vector<16xf32>
        %swap3A_320 = vector.shape_cast %mul3A_315 : vector<16xf32> to vector<1x16xf32>
        tpu.vector_store %arg7[%swap3A_316, %swap3A_317], %swap3A_320 {strides = array<i32>} : memref<256x64xf32, #tpu.memory_space<vmem>>, vector<1x16xf32>,
        %get3A_321 = arith.index_cast %add3A_298 : i32 to index
        %get3A_322 = arith.constant 32 : index
        %get3A_323 = tpu.vector_load %arg7[%get3A_321, %get3A_322] {strides = array<i32>} : memref<256x64xf32, #tpu.memory_space<vmem>>, vector<1x16xf32>,
        %get3A_324 = vector.shape_cast %get3A_323 : vector<1x16xf32> to vector<16xf32>
        %mul3A_325 = arith.constant 8.000000e+00 : f32
        %mul3A_326 = vector.broadcast %mul3A_325 : f32 to vector<16xf32>
        %mul3A_327 = arith.mulf %get3A_324, %mul3A_326 : vector<16xf32>
        %swap3A_328 = arith.index_cast %add3A_298 : i32 to index
        %swap3A_329 = arith.constant 32 : index
        %swap3A_330 = tpu.vector_load %arg7[%swap3A_328, %swap3A_329] {strides = array<i32>} : memref<256x64xf32, #tpu.memory_space<vmem>>, vector<1x16xf32>,
        %swap3A_331 = vector.shape_cast %swap3A_330 : vector<1x16xf32> to vector<16xf32>
        %swap3A_332 = vector.shape_cast %mul3A_327 : vector<16xf32> to vector<1x16xf32>
        tpu.vector_store %arg7[%swap3A_328, %swap3A_329], %swap3A_332 {strides = array<i32>} : memref<256x64xf32, #tpu.memory_space<vmem>>, vector<1x16xf32>,
        %get3A_333 = arith.index_cast %add3A_298 : i32 to index
        %get3A_334 = arith.constant 48 : index
        %get3A_335 = tpu.vector_load %arg7[%get3A_333, %get3A_334] {strides = array<i32>} : memref<256x64xf32, #tpu.memory_space<vmem>>, vector<1x16xf32>,
        %get3A_336 = vector.shape_cast %get3A_335 : vector<1x16xf32> to vector<16xf32>
        %mul3A_337 = arith.constant 8.000000e+00 : f32
        %mul3A_338 = vector.broadcast %mul3A_337 : f32 to vector<16xf32>
        %mul3A_339 = arith.mulf %get3A_336, %mul3A_338 : vector<16xf32>
        %swap3A_340 = arith.index_cast %add3A_298 : i32 to index
        %swap3A_341 = arith.constant 48 : index
        %swap3A_342 = tpu.vector_load %arg7[%swap3A_340, %swap3A_341] {strides = array<i32>} : memref<256x64xf32, #tpu.memory_space<vmem>>, vector<1x16xf32>,
        %swap3A_343 = vector.shape_cast %swap3A_342 : vector<1x16xf32> to vector<16xf32>
        %swap3A_344 = vector.shape_cast %mul3A_339 : vector<16xf32> to vector<1x16xf32>
        tpu.vector_store %arg7[%swap3A_340, %swap3A_341], %swap3A_344 {strides = array<i32>} : memref<256x64xf32, #tpu.memory_space<vmem>>, vector<1x16xf32>,
        %scan3A_345 = arith.constant 1 : i32
        %scan3A_346 = arith.addi %scan3A_294, %scan3A_345 : i32
        %mul3A_347 = arith.constant 1 : i32
        %mul3A_348 = arith.muli %scan3A_346, %mul3A_347 : i32
        %add3A_349 = arith.constant 0 : i32
        %add3A_350 = arith.addi %add3A_349, %mul3A_348 : i32
        %get3A_351 = arith.index_cast %add3A_350 : i32 to index
        %get3A_352 = arith.constant 0 : index
        %get3A_353 = tpu.vector_load %arg7[%get3A_351, %get3A_352] {strides = array<i32>} : memref<256x64xf32, #tpu.memory_space<vmem>>, vector<1x16xf32>,
        %get3A_354 = vector.shape_cast %get3A_353 : vector<1x16xf32> to vector<16xf32>
        %mul3A_355 = arith.constant 8.000000e+00 : f32
        %mul3A_356 = vector.broadcast %mul3A_355 : f32 to vector<16xf32>
        %mul3A_357 = arith.mulf %get3A_354, %mul3A_356 : vector<16xf32>
        %swap3A_358 = arith.index_cast %add3A_350 : i32 to index
        %swap3A_359 = arith.constant 0 : index
        %swap3A_360 = tpu.vector_load %arg7[%swap3A_358, %swap3A_359] {strides = array<i32>} : memref<256x64xf32, #tpu.memory_space<vmem>>, vector<1x16xf32>,
        %swap3A_361 = vector.shape_cast %swap3A_360 : vector<1x16xf32> to vector<16xf32>
        %swap3A_362 = vector.shape_cast %mul3A_357 : vector<16xf32> to vector<1x16xf32>
        tpu.vector_store %arg7[%swap3A_358, %swap3A_359], %swap3A_362 {strides = array<i32>} : memref<256x64xf32, #tpu.memory_space<vmem>>, vector<1x16xf32>,
        %get3A_363 = arith.index_cast %add3A_350 : i32 to index
        %get3A_364 = arith.constant 16 : index
        %get3A_365 = tpu.vector_load %arg7[%get3A_363, %get3A_364] {strides = array<i32>} : memref<256x64xf32, #tpu.memory_space<vmem>>, vector<1x16xf32>,
        %get3A_366 = vector.shape_cast %get3A_365 : vector<1x16xf32> to vector<16xf32>
        %mul3A_367 = arith.constant 8.000000e+00 : f32
        %mul3A_368 = vector.broadcast %mul3A_367 : f32 to vector<16xf32>
        %mul3A_369 = arith.mulf %get3A_366, %mul3A_368 : vector<16xf32>
        %swap3A_370 = arith.index_cast %add3A_350 : i32 to index
        %swap3A_371 = arith.constant 16 : index
        %swap3A_372 = tpu.vector_load %arg7[%swap3A_370, %swap3A_371] {strides = array<i32>} : memref<256x64xf32, #tpu.memory_space<vmem>>, vector<1x16xf32>,
        %swap3A_373 = vector.shape_cast %swap3A_372 : vector<1x16xf32> to vector<16xf32>
        %swap3A_374 = vector.shape_cast %mul3A_369 : vector<16xf32> to vector<1x16xf32>
        tpu.vector_store %arg7[%swap3A_370, %swap3A_371], %swap3A_374 {strides = array<i32>} : memref<256x64xf32, #tpu.memory_space<vmem>>, vector<1x16xf32>,
        %get3A_375 = arith.index_cast %add3A_350 : i32 to index
        %get3A_376 = arith.constant 32 : index
        %get3A_377 = tpu.vector_load %arg7[%get3A_375, %get3A_376] {strides = array<i32>} : memref<256x64xf32, #tpu.memory_space<vmem>>, vector<1x16xf32>,
        %get3A_378 = vector.shape_cast %get3A_377 : vector<1x16xf32> to vector<16xf32>
        %mul3A_379 = arith.constant 8.000000e+00 : f32
        %mul3A_380 = vector.broadcast %mul3A_379 : f32 to vector<16xf32>
        %mul3A_381 = arith.mulf %get3A_378, %mul3A_380 : vector<16xf32>
        %swap3A_382 = arith.index_cast %add3A_350 : i32 to index
        %swap3A_383 = arith.constant 32 : index
        %swap3A_384 = tpu.vector_load %arg7[%swap3A_382, %swap3A_383] {strides = array<i32>} : memref<256x64xf32, #tpu.memory_space<vmem>>, vector<1x16xf32>,
        %swap3A_385 = vector.shape_cast %swap3A_384 : vector<1x16xf32> to vector<16xf32>
        %swap3A_386 = vector.shape_cast %mul3A_381 : vector<16xf32> to vector<1x16xf32>
        tpu.vector_store %arg7[%swap3A_382, %swap3A_383], %swap3A_386 {strides = array<i32>} : memref<256x64xf32, #tpu.memory_space<vmem>>, vector<1x16xf32>,
        %get3A_387 = arith.index_cast %add3A_350 : i32 to index
        %get3A_388 = arith.constant 48 : index
        %get3A_389 = tpu.vector_load %arg7[%get3A_387, %get3A_388] {strides = array<i32>} : memref<256x64xf32, #tpu.memory_space<vmem>>, vector<1x16xf32>,
        %get3A_390 = vector.shape_cast %get3A_389 : vector<1x16xf32> to vector<16xf32>
        %mul3A_391 = arith.constant 8.000000e+00 : f32
        %mul3A_392 = vector.broadcast %mul3A_391 : f32 to vector<16xf32>
        %mul3A_393 = arith.mulf %get3A_390, %mul3A_392 : vector<16xf32>
        %swap3A_394 = arith.index_cast %add3A_350 : i32 to index
        %swap3A_395 = arith.constant 48 : index
        %swap3A_396 = tpu.vector_load %arg7[%swap3A_394, %swap3A_395] {strides = array<i32>} : memref<256x64xf32, #tpu.memory_space<vmem>>, vector<1x16xf32>,
        %swap3A_397 = vector.shape_cast %swap3A_396 : vector<1x16xf32> to vector<16xf32>
        %swap3A_398 = vector.shape_cast %mul3A_393 : vector<16xf32> to vector<1x16xf32>
        tpu.vector_store %arg7[%swap3A_394, %swap3A_395], %swap3A_398 {strides = array<i32>} : memref<256x64xf32, #tpu.memory_space<vmem>>, vector<1x16xf32>,
        %scan3A_399 = arith.constant 2 : i32
        %scan3A_400 = arith.addi %scan3A_294, %scan3A_399 : i32
        %mul3A_401 = arith.constant 1 : i32
        %mul3A_402 = arith.muli %scan3A_400, %mul3A_401 : i32
        %add3A_403 = arith.constant 0 : i32
        %add3A_404 = arith.addi %add3A_403, %mul3A_402 : i32
        %get3A_405 = arith.index_cast %add3A_404 : i32 to index
        %get3A_406 = arith.constant 0 : index
        %get3A_407 = tpu.vector_load %arg7[%get3A_405, %get3A_406] {strides = array<i32>} : memref<256x64xf32, #tpu.memory_space<vmem>>, vector<1x16xf32>,
        %get3A_408 = vector.shape_cast %get3A_407 : vector<1x16xf32> to vector<16xf32>
        %mul3A_409 = arith.constant 8.000000e+00 : f32
        %mul3A_410 = vector.broadcast %mul3A_409 : f32 to vector<16xf32>
        %mul3A_411 = arith.mulf %get3A_408, %mul3A_410 : vector<16xf32>
        %swap3A_412 = arith.index_cast %add3A_404 : i32 to index
        %swap3A_413 = arith.constant 0 : index
        %swap3A_414 = tpu.vector_load %arg7[%swap3A_412, %swap3A_413] {strides = array<i32>} : memref<256x64xf32, #tpu.memory_space<vmem>>, vector<1x16xf32>,
        %swap3A_415 = vector.shape_cast %swap3A_414 : vector<1x16xf32> to vector<16xf32>
        %swap3A_416 = vector.shape_cast %mul3A_411 : vector<16xf32> to vector<1x16xf32>
        tpu.vector_store %arg7[%swap3A_412, %swap3A_413], %swap3A_416 {strides = array<i32>} : memref<256x64xf32, #tpu.memory_space<vmem>>, vector<1x16xf32>,
        %get3A_417 = arith.index_cast %add3A_404 : i32 to index
        %get3A_418 = arith.constant 16 : index
        %get3A_419 = tpu.vector_load %arg7[%get3A_417, %get3A_418] {strides = array<i32>} : memref<256x64xf32, #tpu.memory_space<vmem>>, vector<1x16xf32>,
        %get3A_420 = vector.shape_cast %get3A_419 : vector<1x16xf32> to vector<16xf32>
        %mul3A_421 = arith.constant 8.000000e+00 : f32
        %mul3A_422 = vector.broadcast %mul3A_421 : f32 to vector<16xf32>
        %mul3A_423 = arith.mulf %get3A_420, %mul3A_422 : vector<16xf32>
        %swap3A_424 = arith.index_cast %add3A_404 : i32 to index
        %swap3A_425 = arith.constant 16 : index
        %swap3A_426 = tpu.vector_load %arg7[%swap3A_424, %swap3A_425] {strides = array<i32>} : memref<256x64xf32, #tpu.memory_space<vmem>>, vector<1x16xf32>,
        %swap3A_427 = vector.shape_cast %swap3A_426 : vector<1x16xf32> to vector<16xf32>
        %swap3A_428 = vector.shape_cast %mul3A_423 : vector<16xf32> to vector<1x16xf32>
        tpu.vector_store %arg7[%swap3A_424, %swap3A_425], %swap3A_428 {strides = array<i32>} : memref<256x64xf32, #tpu.memory_space<vmem>>, vector<1x16xf32>,
        %get3A_429 = arith.index_cast %add3A_404 : i32 to index
        %get3A_430 = arith.constant 32 : index
        %get3A_431 = tpu.vector_load %arg7[%get3A_429, %get3A_430] {strides = array<i32>} : memref<256x64xf32, #tpu.memory_space<vmem>>, vector<1x16xf32>,
        %get3A_432 = vector.shape_cast %get3A_431 : vector<1x16xf32> to vector<16xf32>
        %mul3A_433 = arith.constant 8.000000e+00 : f32
        %mul3A_434 = vector.broadcast %mul3A_433 : f32 to vector<16xf32>
        %mul3A_435 = arith.mulf %get3A_432, %mul3A_434 : vector<16xf32>
        %swap3A_436 = arith.index_cast %add3A_404 : i32 to index
        %swap3A_437 = arith.constant 32 : index
        %swap3A_438 = tpu.vector_load %arg7[%swap3A_436, %swap3A_437] {strides = array<i32>} : memref<256x64xf32, #tpu.memory_space<vmem>>, vector<1x16xf32>,
        %swap3A_439 = vector.shape_cast %swap3A_438 : vector<1x16xf32> to vector<16xf32>
        %swap3A_440 = vector.shape_cast %mul3A_435 : vector<16xf32> to vector<1x16xf32>
        tpu.vector_store %arg7[%swap3A_436, %swap3A_437], %swap3A_440 {strides = array<i32>} : memref<256x64xf32, #tpu.memory_space<vmem>>, vector<1x16xf32>,
        %get3A_441 = arith.index_cast %add3A_404 : i32 to index
        %get3A_442 = arith.constant 48 : index
        %get3A_443 = tpu.vector_load %arg7[%get3A_441, %get3A_442] {strides = array<i32>} : memref<256x64xf32, #tpu.memory_space<vmem>>, vector<1x16xf32>,
        %get3A_444 = vector.shape_cast %get3A_443 : vector<1x16xf32> to vector<16xf32>
        %mul3A_445 = arith.constant 8.000000e+00 : f32
        %mul3A_446 = vector.broadcast %mul3A_445 : f32 to vector<16xf32>
        %mul3A_447 = arith.mulf %get3A_444, %mul3A_446 : vector<16xf32>
        %swap3A_448 = arith.index_cast %add3A_404 : i32 to index
        %swap3A_449 = arith.constant 48 : index
        %swap3A_450 = tpu.vector_load %arg7[%swap3A_448, %swap3A_449] {strides = array<i32>} : memref<256x64xf32, #tpu.memory_space<vmem>>, vector<1x16xf32>,
        %swap3A_451 = vector.shape_cast %swap3A_450 : vector<1x16xf32> to vector<16xf32>
        %swap3A_452 = vector.shape_cast %mul3A_447 : vector<16xf32> to vector<1x16xf32>
        tpu.vector_store %arg7[%swap3A_448, %swap3A_449], %swap3A_452 {strides = array<i32>} : memref<256x64xf32, #tpu.memory_space<vmem>>, vector<1x16xf32>,
        %scan3A_453 = arith.constant 3 : i32
        %scan3A_454 = arith.addi %scan3A_294, %scan3A_453 : i32
        %mul3A_455 = arith.constant 1 : i32
        %mul3A_456 = arith.muli %scan3A_454, %mul3A_455 : i32
        %add3A_457 = arith.constant 0 : i32
        %add3A_458 = arith.addi %add3A_457, %mul3A_456 : i32
        %get3A_459 = arith.index_cast %add3A_458 : i32 to index
        %get3A_460 = arith.constant 0 : index
        %get3A_461 = tpu.vector_load %arg7[%get3A_459, %get3A_460] {strides = array<i32>} : memref<256x64xf32, #tpu.memory_space<vmem>>, vector<1x16xf32>,
        %get3A_462 = vector.shape_cast %get3A_461 : vector<1x16xf32> to vector<16xf32>
        %mul3A_463 = arith.constant 8.000000e+00 : f32
        %mul3A_464 = vector.broadcast %mul3A_463 : f32 to vector<16xf32>
        %mul3A_465 = arith.mulf %get3A_462, %mul3A_464 : vector<16xf32>
        %swap3A_466 = arith.index_cast %add3A_458 : i32 to index
        %swap3A_467 = arith.constant 0 : index
        %swap3A_468 = tpu.vector_load %arg7[%swap3A_466, %swap3A_467] {strides = array<i32>} : memref<256x64xf32, #tpu.memory_space<vmem>>, vector<1x16xf32>,
        %swap3A_469 = vector.shape_cast %swap3A_468 : vector<1x16xf32> to vector<16xf32>
        %swap3A_470 = vector.shape_cast %mul3A_465 : vector<16xf32> to vector<1x16xf32>
        tpu.vector_store %arg7[%swap3A_466, %swap3A_467], %swap3A_470 {strides = array<i32>} : memref<256x64xf32, #tpu.memory_space<vmem>>, vector<1x16xf32>,
        %get3A_471 = arith.index_cast %add3A_458 : i32 to index
        %get3A_472 = arith.constant 16 : index
        %get3A_473 = tpu.vector_load %arg7[%get3A_471, %get3A_472] {strides = array<i32>} : memref<256x64xf32, #tpu.memory_space<vmem>>, vector<1x16xf32>,
        %get3A_474 = vector.shape_cast %get3A_473 : vector<1x16xf32> to vector<16xf32>
        %mul3A_475 = arith.constant 8.000000e+00 : f32
        %mul3A_476 = vector.broadcast %mul3A_475 : f32 to vector<16xf32>
        %mul3A_477 = arith.mulf %get3A_474, %mul3A_476 : vector<16xf32>
        %swap3A_478 = arith.index_cast %add3A_458 : i32 to index
        %swap3A_479 = arith.constant 16 : index
        %swap3A_480 = tpu.vector_load %arg7[%swap3A_478, %swap3A_479] {strides = array<i32>} : memref<256x64xf32, #tpu.memory_space<vmem>>, vector<1x16xf32>,
        %swap3A_481 = vector.shape_cast %swap3A_480 : vector<1x16xf32> to vector<16xf32>
        %swap3A_482 = vector.shape_cast %mul3A_477 : vector<16xf32> to vector<1x16xf32>
        tpu.vector_store %arg7[%swap3A_478, %swap3A_479], %swap3A_482 {strides = array<i32>} : memref<256x64xf32, #tpu.memory_space<vmem>>, vector<1x16xf32>,
        %get3A_483 = arith.index_cast %add3A_458 : i32 to index
        %get3A_484 = arith.constant 32 : index
        %get3A_485 = tpu.vector_load %arg7[%get3A_483, %get3A_484] {strides = array<i32>} : memref<256x64xf32, #tpu.memory_space<vmem>>, vector<1x16xf32>,
        %get3A_486 = vector.shape_cast %get3A_485 : vector<1x16xf32> to vector<16xf32>
        %mul3A_487 = arith.constant 8.000000e+00 : f32
        %mul3A_488 = vector.broadcast %mul3A_487 : f32 to vector<16xf32>
        %mul3A_489 = arith.mulf %get3A_486, %mul3A_488 : vector<16xf32>
        %swap3A_490 = arith.index_cast %add3A_458 : i32 to index
        %swap3A_491 = arith.constant 32 : index
        %swap3A_492 = tpu.vector_load %arg7[%swap3A_490, %swap3A_491] {strides = array<i32>} : memref<256x64xf32, #tpu.memory_space<vmem>>, vector<1x16xf32>,
        %swap3A_493 = vector.shape_cast %swap3A_492 : vector<1x16xf32> to vector<16xf32>
        %swap3A_494 = vector.shape_cast %mul3A_489 : vector<16xf32> to vector<1x16xf32>
        tpu.vector_store %arg7[%swap3A_490, %swap3A_491], %swap3A_494 {strides = array<i32>} : memref<256x64xf32, #tpu.memory_space<vmem>>, vector<1x16xf32>,
        %get3A_495 = arith.index_cast %add3A_458 : i32 to index
        %get3A_496 = arith.constant 48 : index
        %get3A_497 = tpu.vector_load %arg7[%get3A_495, %get3A_496] {strides = array<i32>} : memref<256x64xf32, #tpu.memory_space<vmem>>, vector<1x16xf32>,
        %get3A_498 = vector.shape_cast %get3A_497 : vector<1x16xf32> to vector<16xf32>
        %mul3A_499 = arith.constant 8.000000e+00 : f32
        %mul3A_500 = vector.broadcast %mul3A_499 : f32 to vector<16xf32>
        %mul3A_501 = arith.mulf %get3A_498, %mul3A_500 : vector<16xf32>
        %swap3A_502 = arith.index_cast %add3A_458 : i32 to index
        %swap3A_503 = arith.constant 48 : index
        %swap3A_504 = tpu.vector_load %arg7[%swap3A_502, %swap3A_503] {strides = array<i32>} : memref<256x64xf32, #tpu.memory_space<vmem>>, vector<1x16xf32>,
        %swap3A_505 = vector.shape_cast %swap3A_504 : vector<1x16xf32> to vector<16xf32>
        %swap3A_506 = vector.shape_cast %mul3A_501 : vector<16xf32> to vector<1x16xf32>
        tpu.vector_store %arg7[%swap3A_502, %swap3A_503], %swap3A_506 {strides = array<i32>} : memref<256x64xf32, #tpu.memory_space<vmem>>, vector<1x16xf32>,
        %scan3A_507 = arith.constant 4 : i32
        %scan3A_508 = arith.addi %scan3A_294, %scan3A_507 : i32
        %mul3A_509 = arith.constant 1 : i32
        %mul3A_510 = arith.muli %scan3A_508, %mul3A_509 : i32
        %add3A_511 = arith.constant 0 : i32
        %add3A_512 = arith.addi %add3A_511, %mul3A_510 : i32
        %get3A_513 = arith.index_cast %add3A_512 : i32 to index
        %get3A_514 = arith.constant 0 : index
        %get3A_515 = tpu.vector_load %arg7[%get3A_513, %get3A_514] {strides = array<i32>} : memref<256x64xf32, #tpu.memory_space<vmem>>, vector<1x16xf32>,
        %get3A_516 = vector.shape_cast %get3A_515 : vector<1x16xf32> to vector<16xf32>
        %mul3A_517 = arith.constant 8.000000e+00 : f32
        %mul3A_518 = vector.broadcast %mul3A_517 : f32 to vector<16xf32>
        %mul3A_519 = arith.mulf %get3A_516, %mul3A_518 : vector<16xf32>
        %swap3A_520 = arith.index_cast %add3A_512 : i32 to index
        %swap3A_521 = arith.constant 0 : index
        %swap3A_522 = tpu.vector_load %arg7[%swap3A_520, %swap3A_521] {strides = array<i32>} : memref<256x64xf32, #tpu.memory_space<vmem>>, vector<1x16xf32>,
        %swap3A_523 = vector.shape_cast %swap3A_522 : vector<1x16xf32> to vector<16xf32>
        %swap3A_524 = vector.shape_cast %mul3A_519 : vector<16xf32> to vector<1x16xf32>
        tpu.vector_store %arg7[%swap3A_520, %swap3A_521], %swap3A_524 {strides = array<i32>} : memref<256x64xf32, #tpu.memory_space<vmem>>, vector<1x16xf32>,
        %get3A_525 = arith.index_cast %add3A_512 : i32 to index
        %get3A_526 = arith.constant 16 : index
        %get3A_527 = tpu.vector_load %arg7[%get3A_525, %get3A_526] {strides = array<i32>} : memref<256x64xf32, #tpu.memory_space<vmem>>, vector<1x16xf32>,
        %get3A_528 = vector.shape_cast %get3A_527 : vector<1x16xf32> to vector<16xf32>
        %mul3A_529 = arith.constant 8.000000e+00 : f32
        %mul3A_530 = vector.broadcast %mul3A_529 : f32 to vector<16xf32>
        %mul3A_531 = arith.mulf %get3A_528, %mul3A_530 : vector<16xf32>
        %swap3A_532 = arith.index_cast %add3A_512 : i32 to index
        %swap3A_533 = arith.constant 16 : index
        %swap3A_534 = tpu.vector_load %arg7[%swap3A_532, %swap3A_533] {strides = array<i32>} : memref<256x64xf32, #tpu.memory_space<vmem>>, vector<1x16xf32>,
        %swap3A_535 = vector.shape_cast %swap3A_534 : vector<1x16xf32> to vector<16xf32>
        %swap3A_536 = vector.shape_cast %mul3A_531 : vector<16xf32> to vector<1x16xf32>
        tpu.vector_store %arg7[%swap3A_532, %swap3A_533], %swap3A_536 {strides = array<i32>} : memref<256x64xf32, #tpu.memory_space<vmem>>, vector<1x16xf32>,
        %get3A_537 = arith.index_cast %add3A_512 : i32 to index
        %get3A_538 = arith.constant 32 : index
        %get3A_539 = tpu.vector_load %arg7[%get3A_537, %get3A_538] {strides = array<i32>} : memref<256x64xf32, #tpu.memory_space<vmem>>, vector<1x16xf32>,
        %get3A_540 = vector.shape_cast %get3A_539 : vector<1x16xf32> to vector<16xf32>
        %mul3A_541 = arith.constant 8.000000e+00 : f32
        %mul3A_542 = vector.broadcast %mul3A_541 : f32 to vector<16xf32>
        %mul3A_543 = arith.mulf %get3A_540, %mul3A_542 : vector<16xf32>
        %swap3A_544 = arith.index_cast %add3A_512 : i32 to index
        %swap3A_545 = arith.constant 32 : index
        %swap3A_546 = tpu.vector_load %arg7[%swap3A_544, %swap3A_545] {strides = array<i32>} : memref<256x64xf32, #tpu.memory_space<vmem>>, vector<1x16xf32>,
        %swap3A_547 = vector.shape_cast %swap3A_546 : vector<1x16xf32> to vector<16xf32>
        %swap3A_548 = vector.shape_cast %mul3A_543 : vector<16xf32> to vector<1x16xf32>
        tpu.vector_store %arg7[%swap3A_544, %swap3A_545], %swap3A_548 {strides = array<i32>} : memref<256x64xf32, #tpu.memory_space<vmem>>, vector<1x16xf32>,
        %get3A_549 = arith.index_cast %add3A_512 : i32 to index
        %get3A_550 = arith.constant 48 : index
        %get3A_551 = tpu.vector_load %arg7[%get3A_549, %get3A_550] {strides = array<i32>} : memref<256x64xf32, #tpu.memory_space<vmem>>, vector<1x16xf32>,
        %get3A_552 = vector.shape_cast %get3A_551 : vector<1x16xf32> to vector<16xf32>
        %mul3A_553 = arith.constant 8.000000e+00 : f32
        %mul3A_554 = vector.broadcast %mul3A_553 : f32 to vector<16xf32>
        %mul3A_555 = arith.mulf %get3A_552, %mul3A_554 : vector<16xf32>
        %swap3A_556 = arith.index_cast %add3A_512 : i32 to index
        %swap3A_557 = arith.constant 48 : index
        %swap3A_558 = tpu.vector_load %arg7[%swap3A_556, %swap3A_557] {strides = array<i32>} : memref<256x64xf32, #tpu.memory_space<vmem>>, vector<1x16xf32>,
        %swap3A_559 = vector.shape_cast %swap3A_558 : vector<1x16xf32> to vector<16xf32>
        %swap3A_560 = vector.shape_cast %mul3A_555 : vector<16xf32> to vector<1x16xf32>
        tpu.vector_store %arg7[%swap3A_556, %swap3A_557], %swap3A_560 {strides = array<i32>} : memref<256x64xf32, #tpu.memory_space<vmem>>, vector<1x16xf32>,
        %scan3A_561 = arith.constant 5 : i32
        %scan3A_562 = arith.addi %scan3A_294, %scan3A_561 : i32
        %mul3A_563 = arith.constant 1 : i32
        %mul3A_564 = arith.muli %scan3A_562, %mul3A_563 : i32
        %add3A_565 = arith.constant 0 : i32
        %add3A_566 = arith.addi %add3A_565, %mul3A_564 : i32
        %get3A_567 = arith.index_cast %add3A_566 : i32 to index
        %get3A_568 = arith.constant 0 : index
        %get3A_569 = tpu.vector_load %arg7[%get3A_567, %get3A_568] {strides = array<i32>} : memref<256x64xf32, #tpu.memory_space<vmem>>, vector<1x16xf32>,
        %get3A_570 = vector.shape_cast %get3A_569 : vector<1x16xf32> to vector<16xf32>
        %mul3A_571 = arith.constant 8.000000e+00 : f32
        %mul3A_572 = vector.broadcast %mul3A_571 : f32 to vector<16xf32>
        %mul3A_573 = arith.mulf %get3A_570, %mul3A_572 : vector<16xf32>
        %swap3A_574 = arith.index_cast %add3A_566 : i32 to index
        %swap3A_575 = arith.constant 0 : index
        %swap3A_576 = tpu.vector_load %arg7[%swap3A_574, %swap3A_575] {strides = array<i32>} : memref<256x64xf32, #tpu.memory_space<vmem>>, vector<1x16xf32>,
        %swap3A_577 = vector.shape_cast %swap3A_576 : vector<1x16xf32> to vector<16xf32>
        %swap3A_578 = vector.shape_cast %mul3A_573 : vector<16xf32> to vector<1x16xf32>
        tpu.vector_store %arg7[%swap3A_574, %swap3A_575], %swap3A_578 {strides = array<i32>} : memref<256x64xf32, #tpu.memory_space<vmem>>, vector<1x16xf32>,
        %get3A_579 = arith.index_cast %add3A_566 : i32 to index
        %get3A_580 = arith.constant 16 : index
        %get3A_581 = tpu.vector_load %arg7[%get3A_579, %get3A_580] {strides = array<i32>} : memref<256x64xf32, #tpu.memory_space<vmem>>, vector<1x16xf32>,
        %get3A_582 = vector.shape_cast %get3A_581 : vector<1x16xf32> to vector<16xf32>
        %mul3A_583 = arith.constant 8.000000e+00 : f32
        %mul3A_584 = vector.broadcast %mul3A_583 : f32 to vector<16xf32>
        %mul3A_585 = arith.mulf %get3A_582, %mul3A_584 : vector<16xf32>
        %swap3A_586 = arith.index_cast %add3A_566 : i32 to index
        %swap3A_587 = arith.constant 16 : index
        %swap3A_588 = tpu.vector_load %arg7[%swap3A_586, %swap3A_587] {strides = array<i32>} : memref<256x64xf32, #tpu.memory_space<vmem>>, vector<1x16xf32>,
        %swap3A_589 = vector.shape_cast %swap3A_588 : vector<1x16xf32> to vector<16xf32>
        %swap3A_590 = vector.shape_cast %mul3A_585 : vector<16xf32> to vector<1x16xf32>
        tpu.vector_store %arg7[%swap3A_586, %swap3A_587], %swap3A_590 {strides = array<i32>} : memref<256x64xf32, #tpu.memory_space<vmem>>, vector<1x16xf32>,
        %get3A_591 = arith.index_cast %add3A_566 : i32 to index
        %get3A_592 = arith.constant 32 : index
        %get3A_593 = tpu.vector_load %arg7[%get3A_591, %get3A_592] {strides = array<i32>} : memref<256x64xf32, #tpu.memory_space<vmem>>, vector<1x16xf32>,
        %get3A_594 = vector.shape_cast %get3A_593 : vector<1x16xf32> to vector<16xf32>
        %mul3A_595 = arith.constant 8.000000e+00 : f32
        %mul3A_596 = vector.broadcast %mul3A_595 : f32 to vector<16xf32>
        %mul3A_597 = arith.mulf %get3A_594, %mul3A_596 : vector<16xf32>
        %swap3A_598 = arith.index_cast %add3A_566 : i32 to index
        %swap3A_599 = arith.constant 32 : index
        %swap3A_600 = tpu.vector_load %arg7[%swap3A_598, %swap3A_599] {strides = array<i32>} : memref<256x64xf32, #tpu.memory_space<vmem>>, vector<1x16xf32>,
        %swap3A_601 = vector.shape_cast %swap3A_600 : vector<1x16xf32> to vector<16xf32>
        %swap3A_602 = vector.shape_cast %mul3A_597 : vector<16xf32> to vector<1x16xf32>
        tpu.vector_store %arg7[%swap3A_598, %swap3A_599], %swap3A_602 {strides = array<i32>} : memref<256x64xf32, #tpu.memory_space<vmem>>, vector<1x16xf32>,
        %get3A_603 = arith.index_cast %add3A_566 : i32 to index
        %get3A_604 = arith.constant 48 : index
        %get3A_605 = tpu.vector_load %arg7[%get3A_603, %get3A_604] {strides = array<i32>} : memref<256x64xf32, #tpu.memory_space<vmem>>, vector<1x16xf32>,
        %get3A_606 = vector.shape_cast %get3A_605 : vector<1x16xf32> to vector<16xf32>
        %mul3A_607 = arith.constant 8.000000e+00 : f32
        %mul3A_608 = vector.broadcast %mul3A_607 : f32 to vector<16xf32>
        %mul3A_609 = arith.mulf %get3A_606, %mul3A_608 : vector<16xf32>
        %swap3A_610 = arith.index_cast %add3A_566 : i32 to index
        %swap3A_611 = arith.constant 48 : index
        %swap3A_612 = tpu.vector_load %arg7[%swap3A_610, %swap3A_611] {strides = array<i32>} : memref<256x64xf32, #tpu.memory_space<vmem>>, vector<1x16xf32>,
        %swap3A_613 = vector.shape_cast %swap3A_612 : vector<1x16xf32> to vector<16xf32>
        %swap3A_614 = vector.shape_cast %mul3A_609 : vector<16xf32> to vector<1x16xf32>
        tpu.vector_store %arg7[%swap3A_610, %swap3A_611], %swap3A_614 {strides = array<i32>} : memref<256x64xf32, #tpu.memory_space<vmem>>, vector<1x16xf32>,
        %scan3A_615 = arith.constant 6 : i32
        %scan3A_616 = arith.addi %scan3A_294, %scan3A_615 : i32
        %mul3A_617 = arith.constant 1 : i32
        %mul3A_618 = arith.muli %scan3A_616, %mul3A_617 : i32
        %add3A_619 = arith.constant 0 : i32
        %add3A_620 = arith.addi %add3A_619, %mul3A_618 : i32
        %get3A_621 = arith.index_cast %add3A_620 : i32 to index
        %get3A_622 = arith.constant 0 : index
        %get3A_623 = tpu.vector_load %arg7[%get3A_621, %get3A_622] {strides = array<i32>} : memref<256x64xf32, #tpu.memory_space<vmem>>, vector<1x16xf32>,
        %get3A_624 = vector.shape_cast %get3A_623 : vector<1x16xf32> to vector<16xf32>
        %mul3A_625 = arith.constant 8.000000e+00 : f32
        %mul3A_626 = vector.broadcast %mul3A_625 : f32 to vector<16xf32>
        %mul3A_627 = arith.mulf %get3A_624, %mul3A_626 : vector<16xf32>
        %swap3A_628 = arith.index_cast %add3A_620 : i32 to index
        %swap3A_629 = arith.constant 0 : index
        %swap3A_630 = tpu.vector_load %arg7[%swap3A_628, %swap3A_629] {strides = array<i32>} : memref<256x64xf32, #tpu.memory_space<vmem>>, vector<1x16xf32>,
        %swap3A_631 = vector.shape_cast %swap3A_630 : vector<1x16xf32> to vector<16xf32>
        %swap3A_632 = vector.shape_cast %mul3A_627 : vector<16xf32> to vector<1x16xf32>
        tpu.vector_store %arg7[%swap3A_628, %swap3A_629], %swap3A_632 {strides = array<i32>} : memref<256x64xf32, #tpu.memory_space<vmem>>, vector<1x16xf32>,
        %get3A_633 = arith.index_cast %add3A_620 : i32 to index
        %get3A_634 = arith.constant 16 : index
        %get3A_635 = tpu.vector_load %arg7[%get3A_633, %get3A_634] {strides = array<i32>} : memref<256x64xf32, #tpu.memory_space<vmem>>, vector<1x16xf32>,
        %get3A_636 = vector.shape_cast %get3A_635 : vector<1x16xf32> to vector<16xf32>
        %mul3A_637 = arith.constant 8.000000e+00 : f32
        %mul3A_638 = vector.broadcast %mul3A_637 : f32 to vector<16xf32>
        %mul3A_639 = arith.mulf %get3A_636, %mul3A_638 : vector<16xf32>
        %swap3A_640 = arith.index_cast %add3A_620 : i32 to index
        %swap3A_641 = arith.constant 16 : index
        %swap3A_642 = tpu.vector_load %arg7[%swap3A_640, %swap3A_641] {strides = array<i32>} : memref<256x64xf32, #tpu.memory_space<vmem>>, vector<1x16xf32>,
        %swap3A_643 = vector.shape_cast %swap3A_642 : vector<1x16xf32> to vector<16xf32>
        %swap3A_644 = vector.shape_cast %mul3A_639 : vector<16xf32> to vector<1x16xf32>
        tpu.vector_store %arg7[%swap3A_640, %swap3A_641], %swap3A_644 {strides = array<i32>} : memref<256x64xf32, #tpu.memory_space<vmem>>, vector<1x16xf32>,
        %get3A_645 = arith.index_cast %add3A_620 : i32 to index
        %get3A_646 = arith.constant 32 : index
        %get3A_647 = tpu.vector_load %arg7[%get3A_645, %get3A_646] {strides = array<i32>} : memref<256x64xf32, #tpu.memory_space<vmem>>, vector<1x16xf32>,
        %get3A_648 = vector.shape_cast %get3A_647 : vector<1x16xf32> to vector<16xf32>
        %mul3A_649 = arith.constant 8.000000e+00 : f32
        %mul3A_650 = vector.broadcast %mul3A_649 : f32 to vector<16xf32>
        %mul3A_651 = arith.mulf %get3A_648, %mul3A_650 : vector<16xf32>
        %swap3A_652 = arith.index_cast %add3A_620 : i32 to index
        %swap3A_653 = arith.constant 32 : index
        %swap3A_654 = tpu.vector_load %arg7[%swap3A_652, %swap3A_653] {strides = array<i32>} : memref<256x64xf32, #tpu.memory_space<vmem>>, vector<1x16xf32>,
        %swap3A_655 = vector.shape_cast %swap3A_654 : vector<1x16xf32> to vector<16xf32>
        %swap3A_656 = vector.shape_cast %mul3A_651 : vector<16xf32> to vector<1x16xf32>
        tpu.vector_store %arg7[%swap3A_652, %swap3A_653], %swap3A_656 {strides = array<i32>} : memref<256x64xf32, #tpu.memory_space<vmem>>, vector<1x16xf32>,
        %get3A_657 = arith.index_cast %add3A_620 : i32 to index
        %get3A_658 = arith.constant 48 : index
        %get3A_659 = tpu.vector_load %arg7[%get3A_657, %get3A_658] {strides = array<i32>} : memref<256x64xf32, #tpu.memory_space<vmem>>, vector<1x16xf32>,
        %get3A_660 = vector.shape_cast %get3A_659 : vector<1x16xf32> to vector<16xf32>
        %mul3A_661 = arith.constant 8.000000e+00 : f32
        %mul3A_662 = vector.broadcast %mul3A_661 : f32 to vector<16xf32>
        %mul3A_663 = arith.mulf %get3A_660, %mul3A_662 : vector<16xf32>
        %swap3A_664 = arith.index_cast %add3A_620 : i32 to index
        %swap3A_665 = arith.constant 48 : index
        %swap3A_666 = tpu.vector_load %arg7[%swap3A_664, %swap3A_665] {strides = array<i32>} : memref<256x64xf32, #tpu.memory_space<vmem>>, vector<1x16xf32>,
        %swap3A_667 = vector.shape_cast %swap3A_666 : vector<1x16xf32> to vector<16xf32>
        %swap3A_668 = vector.shape_cast %mul3A_663 : vector<16xf32> to vector<1x16xf32>
        tpu.vector_store %arg7[%swap3A_664, %swap3A_665], %swap3A_668 {strides = array<i32>} : memref<256x64xf32, #tpu.memory_space<vmem>>, vector<1x16xf32>,
        %scan3A_669 = arith.constant 7 : i32
        %scan3A_670 = arith.addi %scan3A_294, %scan3A_669 : i32
        %mul3A_671 = arith.constant 1 : i32
        %mul3A_672 = arith.muli %scan3A_670, %mul3A_671 : i32
        %add3A_673 = arith.constant 0 : i32
        %add3A_674 = arith.addi %add3A_673, %mul3A_672 : i32
        %get3A_675 = arith.index_cast %add3A_674 : i32 to index
        %get3A_676 = arith.constant 0 : index
        %get3A_677 = tpu.vector_load %arg7[%get3A_675, %get3A_676] {strides = array<i32>} : memref<256x64xf32, #tpu.memory_space<vmem>>, vector<1x16xf32>,
        %get3A_678 = vector.shape_cast %get3A_677 : vector<1x16xf32> to vector<16xf32>
        %mul3A_679 = arith.constant 8.000000e+00 : f32
        %mul3A_680 = vector.broadcast %mul3A_679 : f32 to vector<16xf32>
        %mul3A_681 = arith.mulf %get3A_678, %mul3A_680 : vector<16xf32>
        %swap3A_682 = arith.index_cast %add3A_674 : i32 to index
        %swap3A_683 = arith.constant 0 : index
        %swap3A_684 = tpu.vector_load %arg7[%swap3A_682, %swap3A_683] {strides = array<i32>} : memref<256x64xf32, #tpu.memory_space<vmem>>, vector<1x16xf32>,
        %swap3A_685 = vector.shape_cast %swap3A_684 : vector<1x16xf32> to vector<16xf32>
        %swap3A_686 = vector.shape_cast %mul3A_681 : vector<16xf32> to vector<1x16xf32>
        tpu.vector_store %arg7[%swap3A_682, %swap3A_683], %swap3A_686 {strides = array<i32>} : memref<256x64xf32, #tpu.memory_space<vmem>>, vector<1x16xf32>,
        %get3A_687 = arith.index_cast %add3A_674 : i32 to index
        %get3A_688 = arith.constant 16 : index
        %get3A_689 = tpu.vector_load %arg7[%get3A_687, %get3A_688] {strides = array<i32>} : memref<256x64xf32, #tpu.memory_space<vmem>>, vector<1x16xf32>,
        %get3A_690 = vector.shape_cast %get3A_689 : vector<1x16xf32> to vector<16xf32>
        %mul3A_691 = arith.constant 8.000000e+00 : f32
        %mul3A_692 = vector.broadcast %mul3A_691 : f32 to vector<16xf32>
        %mul3A_693 = arith.mulf %get3A_690, %mul3A_692 : vector<16xf32>
        %swap3A_694 = arith.index_cast %add3A_674 : i32 to index
        %swap3A_695 = arith.constant 16 : index
        %swap3A_696 = tpu.vector_load %arg7[%swap3A_694, %swap3A_695] {strides = array<i32>} : memref<256x64xf32, #tpu.memory_space<vmem>>, vector<1x16xf32>,
        %swap3A_697 = vector.shape_cast %swap3A_696 : vector<1x16xf32> to vector<16xf32>
        %swap3A_698 = vector.shape_cast %mul3A_693 : vector<16xf32> to vector<1x16xf32>
        tpu.vector_store %arg7[%swap3A_694, %swap3A_695], %swap3A_698 {strides = array<i32>} : memref<256x64xf32, #tpu.memory_space<vmem>>, vector<1x16xf32>,
        %get3A_699 = arith.index_cast %add3A_674 : i32 to index
        %get3A_700 = arith.constant 32 : index
        %get3A_701 = tpu.vector_load %arg7[%get3A_699, %get3A_700] {strides = array<i32>} : memref<256x64xf32, #tpu.memory_space<vmem>>, vector<1x16xf32>,
        %get3A_702 = vector.shape_cast %get3A_701 : vector<1x16xf32> to vector<16xf32>
        %mul3A_703 = arith.constant 8.000000e+00 : f32
        %mul3A_704 = vector.broadcast %mul3A_703 : f32 to vector<16xf32>
        %mul3A_705 = arith.mulf %get3A_702, %mul3A_704 : vector<16xf32>
        %swap3A_706 = arith.index_cast %add3A_674 : i32 to index
        %swap3A_707 = arith.constant 32 : index
        %swap3A_708 = tpu.vector_load %arg7[%swap3A_706, %swap3A_707] {strides = array<i32>} : memref<256x64xf32, #tpu.memory_space<vmem>>, vector<1x16xf32>,
        %swap3A_709 = vector.shape_cast %swap3A_708 : vector<1x16xf32> to vector<16xf32>
        %swap3A_710 = vector.shape_cast %mul3A_705 : vector<16xf32> to vector<1x16xf32>
        tpu.vector_store %arg7[%swap3A_706, %swap3A_707], %swap3A_710 {strides = array<i32>} : memref<256x64xf32, #tpu.memory_space<vmem>>, vector<1x16xf32>,
        %get3A_711 = arith.index_cast %add3A_674 : i32 to index
        %get3A_712 = arith.constant 48 : index
        %get3A_713 = tpu.vector_load %arg7[%get3A_711, %get3A_712] {strides = array<i32>} : memref<256x64xf32, #tpu.memory_space<vmem>>, vector<1x16xf32>,
        %get3A_714 = vector.shape_cast %get3A_713 : vector<1x16xf32> to vector<16xf32>
        %mul3A_715 = arith.constant 8.000000e+00 : f32
        %mul3A_716 = vector.broadcast %mul3A_715 : f32 to vector<16xf32>
        %mul3A_717 = arith.mulf %get3A_714, %mul3A_716 : vector<16xf32>
        %swap3A_718 = arith.index_cast %add3A_674 : i32 to index
        %swap3A_719 = arith.constant 48 : index
        %swap3A_720 = tpu.vector_load %arg7[%swap3A_718, %swap3A_719] {strides = array<i32>} : memref<256x64xf32, #tpu.memory_space<vmem>>, vector<1x16xf32>,
        %swap3A_721 = vector.shape_cast %swap3A_720 : vector<1x16xf32> to vector<16xf32>
        %swap3A_722 = vector.shape_cast %mul3A_717 : vector<16xf32> to vector<1x16xf32>
        tpu.vector_store %arg7[%swap3A_718, %swap3A_719], %swap3A_722 {strides = array<i32>} : memref<256x64xf32, #tpu.memory_space<vmem>>, vector<1x16xf32>,
      }
      %scan3A_175 = arith.constant 256 : i32
      %add3A_176 = arith.constant 4 : i32
      %add3A_177 = arith.addi %add3A_144, %add3A_176 : i32
      %sub3A_178 = arith.constant 1 : i32
      %sub3A_179 = arith.subi %add3A_177, %sub3A_178 : i32
      %lt3A_180 = arith.constant 100 : i32
      %lt3A_181 = arith.cmpi slt, %sub3A_179, %lt3A_180 : i32
      %convert_element_type3A_182 = arith.extui %lt3A_181 : i1 to i32
      %cond3A_183 = arith.constant 0 : i32
      %cond3A_184 = arith.cmpi ne, %convert_element_type3A_182, %cond3A_183 : i32
      scf.if %cond3A_184 {
        %ge3A = arith.constant 1 : i32
        %ge3A_294 = arith.cmpi sge, %add3A_144, %ge3A : i32
        %convert_element_type3A_295 = arith.extui %ge3A_294 : i1 to i32
        %cond3A_296 = arith.constant 0 : i32
        %cond3A_297 = arith.cmpi ne, %convert_element_type3A_295, %cond3A_296 : i32
        scf.if %cond3A_297 {
          %sub3A_324 = arith.constant 4 : i32
          %sub3A_325 = arith.subi %sub3A_179, %sub3A_324 : i32
          %mul3A_326 = arith.constant 256 : i32
          %mul3A_327 = arith.muli %sub3A_325, %mul3A_326 : i32
          %add3A_328 = arith.addi %mul3A_2, %mul3A_327 : i32
          %dma_wait3A_329 = arith.constant 0 : i32
          %dma_wait3A_330 = tpu.memref_slice %arg4[%add3A_328, %dma_wait3A_329] : memref<819200x64xf32, #tpu.memory_space<hbm>> -> memref<256x64xf32, #tpu.memory_space<hbm>>
          %dma_wait3A_331 = arith.constant 0 : i32
          %dma_wait3A_332 = tpu.memref_slice %arg4[%add3A_328, %dma_wait3A_331] : memref<819200x64xf32, #tpu.memory_space<hbm>> -> memref<256x64xf32, #tpu.memory_space<hbm>>
          tpu.wait_dma2 semaphore(%arg14 : memref<!tpu.dma_semaphore, #tpu.memory_space<semaphore_mem>>) src(%arg6 : memref<256x64xf32, #tpu.memory_space<vmem>>) dst(%dma_wait3A_332 : memref<256x64xf32, #tpu.memory_space<hbm>>)
        } else {
        }
        %mul3A_298 = arith.constant 2 : i32
        %mul3A_299 = arith.muli %sub3A_179, %mul3A_298 : i32
        %add3A_300 = arith.constant 0 : i32
        %add3A_301 = arith.addi %mul3A_299, %add3A_300 : i32
        %dma_start3A_302 = arith.constant 0 : i32
        %dma_start3A_303 = arith.constant 0 : i32
        %dma_start3A_304 = tpu.memref_slice %arg6[%dma_start3A_302, %dma_start3A_303] : memref<256x64xf32, #tpu.memory_space<vmem>> -> memref<128x64xf32, #tpu.memory_space<vmem>>
        %dma_start3A_305 = arith.constant 0 : i32
        %dma_start3A_306 = tpu.memref_slice %arg5[%add3A_301, %dma_start3A_305] : memref<200x128xi32, #tpu.memory_space<vmem>> -> memref<1x128xi32, #tpu.memory_space<vmem>>
        %dma_start3A_307 = tpu.memref_squeeze %dma_start3A_306 : memref<1x128xi32, #tpu.memory_space<vmem>> -> memref<128xi32, #tpu.memory_space<vmem>>
        %dma_start3A_308 = arith.constant 0 : i32
        %dma_start3A_309 = arith.constant 0 : i32
        %dma_start3A_310 = tpu.memref_slice %arg3[%dma_start3A_308, %dma_start3A_309] : memref<1000000x64xf32, #tpu.memory_space<hbm>> -> memref<1000000x64xf32, #tpu.memory_space<hbm>>
        tpu.enqueue_indirect_dma source(%dma_start3A_310 : memref<1000000x64xf32, #tpu.memory_space<hbm>>) target(%dma_start3A_304 : memref<128x64xf32, #tpu.memory_space<vmem>>) offsets(%dma_start3A_307 : memref<128xi32, #tpu.memory_space<vmem>>) semaphore(%arg10 : memref<!tpu.dma_semaphore, #tpu.memory_space<semaphore_mem>>)
        %mul3A_311 = arith.constant 2 : i32
        %mul3A_312 = arith.muli %sub3A_179, %mul3A_311 : i32
        %add3A_313 = arith.constant 1 : i32
        %add3A_314 = arith.addi %mul3A_312, %add3A_313 : i32
        %dma_start3A_315 = arith.constant 128 : i32
        %dma_start3A_316 = arith.constant 0 : i32
        %dma_start3A_317 = tpu.memref_slice %arg6[%dma_start3A_315, %dma_start3A_316] : memref<256x64xf32, #tpu.memory_space<vmem>> -> memref<128x64xf32, #tpu.memory_space<vmem>>
        %dma_start3A_318 = arith.constant 0 : i32
        %dma_start3A_319 = tpu.memref_slice %arg5[%add3A_314, %dma_start3A_318] : memref<200x128xi32, #tpu.memory_space<vmem>> -> memref<1x128xi32, #tpu.memory_space<vmem>>
        %dma_start3A_320 = tpu.memref_squeeze %dma_start3A_319 : memref<1x128xi32, #tpu.memory_space<vmem>> -> memref<128xi32, #tpu.memory_space<vmem>>
        %dma_start3A_321 = arith.constant 0 : i32
        %dma_start3A_322 = arith.constant 0 : i32
        %dma_start3A_323 = tpu.memref_slice %arg3[%dma_start3A_321, %dma_start3A_322] : memref<1000000x64xf32, #tpu.memory_space<hbm>> -> memref<1000000x64xf32, #tpu.memory_space<hbm>>
        tpu.enqueue_indirect_dma source(%dma_start3A_323 : memref<1000000x64xf32, #tpu.memory_space<hbm>>) target(%dma_start3A_317 : memref<128x64xf32, #tpu.memory_space<vmem>>) offsets(%dma_start3A_320 : memref<128xi32, #tpu.memory_space<vmem>>) semaphore(%arg10 : memref<!tpu.dma_semaphore, #tpu.memory_space<semaphore_mem>>)
      } else {
      }
      %mul3A_185 = arith.constant 256 : i32
      %mul3A_186 = arith.muli %add3A_144, %mul3A_185 : i32
      %add3A_187 = arith.addi %mul3A_2, %mul3A_186 : i32
      %dma_start3A_188 = arith.constant 0 : i32
      %dma_start3A_189 = tpu.memref_slice %arg4[%add3A_187, %dma_start3A_188] : memref<819200x64xf32, #tpu.memory_space<hbm>> -> memref<256x64xf32, #tpu.memory_space<hbm>>
      %dma_start3A_190 = arith.constant 0 : i32
      %dma_start3A_191 = tpu.memref_slice %arg4[%add3A_187, %dma_start3A_190] : memref<819200x64xf32, #tpu.memory_space<hbm>> -> memref<256x64xf32, #tpu.memory_space<hbm>>
      tpu.enqueue_dma source(%arg7 : memref<256x64xf32, #tpu.memory_space<vmem>>) target(%dma_start3A_191 : memref<256x64xf32, #tpu.memory_space<hbm>>) target_semaphore(%arg15 : memref<!tpu.dma_semaphore, #tpu.memory_space<semaphore_mem>>)
      %mul3A_192 = arith.constant 4 : i32
      %mul3A_193 = arith.muli %add3A_93, %mul3A_192 : i32
      %add3A_194 = arith.constant 2 : i32
      %add3A_195 = arith.addi %mul3A_193, %add3A_194 : i32
      %mul3A_196 = arith.constant 2 : i32
      %mul3A_197 = arith.muli %add3A_195, %mul3A_196 : i32
      %add3A_198 = arith.constant 0 : i32
      %add3A_199 = arith.addi %mul3A_197, %add3A_198 : i32
      %dma_wait3A_200 = arith.constant 0 : i32
      %dma_wait3A_201 = arith.constant 0 : i32
      %dma_wait3A_202 = tpu.memref_slice %arg8[%dma_wait3A_200, %dma_wait3A_201] : memref<256x64xf32, #tpu.memory_space<vmem>> -> memref<128x64xf32, #tpu.memory_space<vmem>>
      %dma_wait3A_203 = arith.constant 0 : i32
      %dma_wait3A_204 = tpu.memref_slice %arg5[%add3A_199, %dma_wait3A_203] : memref<200x128xi32, #tpu.memory_space<vmem>> -> memref<1x128xi32, #tpu.memory_space<vmem>>
      %dma_wait3A_205 = tpu.memref_squeeze %dma_wait3A_204 : memref<1x128xi32, #tpu.memory_space<vmem>> -> memref<128xi32, #tpu.memory_space<vmem>>
      %dma_wait3A_206 = arith.constant 0 : i32
      %dma_wait3A_207 = arith.constant 0 : i32
      %dma_wait3A_208 = tpu.memref_slice %arg3[%dma_wait3A_206, %dma_wait3A_207] : memref<1000000x64xf32, #tpu.memory_space<hbm>> -> memref<1000000x64xf32, #tpu.memory_space<hbm>>
      tpu.wait_indirect_dma semaphore(%arg12 : memref<!tpu.dma_semaphore, #tpu.memory_space<semaphore_mem>>) src(%dma_wait3A_208 : memref<1000000x64xf32, #tpu.memory_space<hbm>>) dst(%dma_wait3A_202 : memref<128x64xf32, #tpu.memory_space<vmem>>)
      %mul3A_209 = arith.constant 2 : i32
      %mul3A_210 = arith.muli %add3A_195, %mul3A_209 : i32
      %add3A_211 = arith.constant 1 : i32
      %add3A_212 = arith.addi %mul3A_210, %add3A_211 : i32
      %dma_wait3A_213 = arith.constant 128 : i32
      %dma_wait3A_214 = arith.constant 0 : i32
      %dma_wait3A_215 = tpu.memref_slice %arg8[%dma_wait3A_213, %dma_wait3A_214] : memref<256x64xf32, #tpu.memory_space<vmem>> -> memref<128x64xf32, #tpu.memory_space<vmem>>
      %dma_wait3A_216 = arith.constant 0 : i32
      %dma_wait3A_217 = tpu.memref_slice %arg5[%add3A_212, %dma_wait3A_216] : memref<200x128xi32, #tpu.memory_space<vmem>> -> memref<1x128xi32, #tpu.memory_space<vmem>>
      %dma_wait3A_218 = tpu.memref_squeeze %dma_wait3A_217 : memref<1x128xi32, #tpu.memory_space<vmem>> -> memref<128xi32, #tpu.memory_space<vmem>>
      %dma_wait3A_219 = arith.constant 0 : i32
      %dma_wait3A_220 = arith.constant 0 : i32
      %dma_wait3A_221 = tpu.memref_slice %arg3[%dma_wait3A_219, %dma_wait3A_220] : memref<1000000x64xf32, #tpu.memory_space<hbm>> -> memref<1000000x64xf32, #tpu.memory_space<hbm>>
      tpu.wait_indirect_dma semaphore(%arg12 : memref<!tpu.dma_semaphore, #tpu.memory_space<semaphore_mem>>) src(%dma_wait3A_221 : memref<1000000x64xf32, #tpu.memory_space<hbm>>) dst(%dma_wait3A_215 : memref<128x64xf32, #tpu.memory_space<vmem>>)
      %scan3A_222 = arith.constant 0 : i32
      %scan3A_223 = arith.constant 256 : i32
      %scan3A_224 = arith.addi %scan3A_222, %scan3A_223 : i32
      %scan3A_225 = arith.constant 8 : i32
      scf.for %scan3A_294 = %scan3A_222 to %scan3A_224 step %scan3A_225  : i32 {
        %mul3A_295 = arith.constant 1 : i32
        %mul3A_296 = arith.muli %scan3A_294, %mul3A_295 : i32
        %add3A_297 = arith.constant 0 : i32
        %add3A_298 = arith.addi %add3A_297, %mul3A_296 : i32
        %get3A = arith.index_cast %add3A_298 : i32 to index
        %get3A_299 = arith.constant 0 : index
        %get3A_300 = tpu.vector_load %arg8[%get3A, %get3A_299] {strides = array<i32>} : memref<256x64xf32, #tpu.memory_space<vmem>>, vector<1x16xf32>,
        %get3A_301 = vector.shape_cast %get3A_300 : vector<1x16xf32> to vector<16xf32>
        %mul3A_302 = arith.constant 8.000000e+00 : f32
        %mul3A_303 = vector.broadcast %mul3A_302 : f32 to vector<16xf32>
        %mul3A_304 = arith.mulf %get3A_301, %mul3A_303 : vector<16xf32>
        %swap3A = arith.index_cast %add3A_298 : i32 to index
        %swap3A_305 = arith.constant 0 : index
        %swap3A_306 = tpu.vector_load %arg8[%swap3A, %swap3A_305] {strides = array<i32>} : memref<256x64xf32, #tpu.memory_space<vmem>>, vector<1x16xf32>,
        %swap3A_307 = vector.shape_cast %swap3A_306 : vector<1x16xf32> to vector<16xf32>
        %swap3A_308 = vector.shape_cast %mul3A_304 : vector<16xf32> to vector<1x16xf32>
        tpu.vector_store %arg8[%swap3A, %swap3A_305], %swap3A_308 {strides = array<i32>} : memref<256x64xf32, #tpu.memory_space<vmem>>, vector<1x16xf32>,
        %get3A_309 = arith.index_cast %add3A_298 : i32 to index
        %get3A_310 = arith.constant 16 : index
        %get3A_311 = tpu.vector_load %arg8[%get3A_309, %get3A_310] {strides = array<i32>} : memref<256x64xf32, #tpu.memory_space<vmem>>, vector<1x16xf32>,
        %get3A_312 = vector.shape_cast %get3A_311 : vector<1x16xf32> to vector<16xf32>
        %mul3A_313 = arith.constant 8.000000e+00 : f32
        %mul3A_314 = vector.broadcast %mul3A_313 : f32 to vector<16xf32>
        %mul3A_315 = arith.mulf %get3A_312, %mul3A_314 : vector<16xf32>
        %swap3A_316 = arith.index_cast %add3A_298 : i32 to index
        %swap3A_317 = arith.constant 16 : index
        %swap3A_318 = tpu.vector_load %arg8[%swap3A_316, %swap3A_317] {strides = array<i32>} : memref<256x64xf32, #tpu.memory_space<vmem>>, vector<1x16xf32>,
        %swap3A_319 = vector.shape_cast %swap3A_318 : vector<1x16xf32> to vector<16xf32>
        %swap3A_320 = vector.shape_cast %mul3A_315 : vector<16xf32> to vector<1x16xf32>
        tpu.vector_store %arg8[%swap3A_316, %swap3A_317], %swap3A_320 {strides = array<i32>} : memref<256x64xf32, #tpu.memory_space<vmem>>, vector<1x16xf32>,
        %get3A_321 = arith.index_cast %add3A_298 : i32 to index
        %get3A_322 = arith.constant 32 : index
        %get3A_323 = tpu.vector_load %arg8[%get3A_321, %get3A_322] {strides = array<i32>} : memref<256x64xf32, #tpu.memory_space<vmem>>, vector<1x16xf32>,
        %get3A_324 = vector.shape_cast %get3A_323 : vector<1x16xf32> to vector<16xf32>
        %mul3A_325 = arith.constant 8.000000e+00 : f32
        %mul3A_326 = vector.broadcast %mul3A_325 : f32 to vector<16xf32>
        %mul3A_327 = arith.mulf %get3A_324, %mul3A_326 : vector<16xf32>
        %swap3A_328 = arith.index_cast %add3A_298 : i32 to index
        %swap3A_329 = arith.constant 32 : index
        %swap3A_330 = tpu.vector_load %arg8[%swap3A_328, %swap3A_329] {strides = array<i32>} : memref<256x64xf32, #tpu.memory_space<vmem>>, vector<1x16xf32>,
        %swap3A_331 = vector.shape_cast %swap3A_330 : vector<1x16xf32> to vector<16xf32>
        %swap3A_332 = vector.shape_cast %mul3A_327 : vector<16xf32> to vector<1x16xf32>
        tpu.vector_store %arg8[%swap3A_328, %swap3A_329], %swap3A_332 {strides = array<i32>} : memref<256x64xf32, #tpu.memory_space<vmem>>, vector<1x16xf32>,
        %get3A_333 = arith.index_cast %add3A_298 : i32 to index
        %get3A_334 = arith.constant 48 : index
        %get3A_335 = tpu.vector_load %arg8[%get3A_333, %get3A_334] {strides = array<i32>} : memref<256x64xf32, #tpu.memory_space<vmem>>, vector<1x16xf32>,
        %get3A_336 = vector.shape_cast %get3A_335 : vector<1x16xf32> to vector<16xf32>
        %mul3A_337 = arith.constant 8.000000e+00 : f32
        %mul3A_338 = vector.broadcast %mul3A_337 : f32 to vector<16xf32>
        %mul3A_339 = arith.mulf %get3A_336, %mul3A_338 : vector<16xf32>
        %swap3A_340 = arith.index_cast %add3A_298 : i32 to index
        %swap3A_341 = arith.constant 48 : index
        %swap3A_342 = tpu.vector_load %arg8[%swap3A_340, %swap3A_341] {strides = array<i32>} : memref<256x64xf32, #tpu.memory_space<vmem>>, vector<1x16xf32>,
        %swap3A_343 = vector.shape_cast %swap3A_342 : vector<1x16xf32> to vector<16xf32>
        %swap3A_344 = vector.shape_cast %mul3A_339 : vector<16xf32> to vector<1x16xf32>
        tpu.vector_store %arg8[%swap3A_340, %swap3A_341], %swap3A_344 {strides = array<i32>} : memref<256x64xf32, #tpu.memory_space<vmem>>, vector<1x16xf32>,
        %scan3A_345 = arith.constant 1 : i32
        %scan3A_346 = arith.addi %scan3A_294, %scan3A_345 : i32
        %mul3A_347 = arith.constant 1 : i32
        %mul3A_348 = arith.muli %scan3A_346, %mul3A_347 : i32
        %add3A_349 = arith.constant 0 : i32
        %add3A_350 = arith.addi %add3A_349, %mul3A_348 : i32
        %get3A_351 = arith.index_cast %add3A_350 : i32 to index
        %get3A_352 = arith.constant 0 : index
        %get3A_353 = tpu.vector_load %arg8[%get3A_351, %get3A_352] {strides = array<i32>} : memref<256x64xf32, #tpu.memory_space<vmem>>, vector<1x16xf32>,
        %get3A_354 = vector.shape_cast %get3A_353 : vector<1x16xf32> to vector<16xf32>
        %mul3A_355 = arith.constant 8.000000e+00 : f32
        %mul3A_356 = vector.broadcast %mul3A_355 : f32 to vector<16xf32>
        %mul3A_357 = arith.mulf %get3A_354, %mul3A_356 : vector<16xf32>
        %swap3A_358 = arith.index_cast %add3A_350 : i32 to index
        %swap3A_359 = arith.constant 0 : index
        %swap3A_360 = tpu.vector_load %arg8[%swap3A_358, %swap3A_359] {strides = array<i32>} : memref<256x64xf32, #tpu.memory_space<vmem>>, vector<1x16xf32>,
        %swap3A_361 = vector.shape_cast %swap3A_360 : vector<1x16xf32> to vector<16xf32>
        %swap3A_362 = vector.shape_cast %mul3A_357 : vector<16xf32> to vector<1x16xf32>
        tpu.vector_store %arg8[%swap3A_358, %swap3A_359], %swap3A_362 {strides = array<i32>} : memref<256x64xf32, #tpu.memory_space<vmem>>, vector<1x16xf32>,
        %get3A_363 = arith.index_cast %add3A_350 : i32 to index
        %get3A_364 = arith.constant 16 : index
        %get3A_365 = tpu.vector_load %arg8[%get3A_363, %get3A_364] {strides = array<i32>} : memref<256x64xf32, #tpu.memory_space<vmem>>, vector<1x16xf32>,
        %get3A_366 = vector.shape_cast %get3A_365 : vector<1x16xf32> to vector<16xf32>
        %mul3A_367 = arith.constant 8.000000e+00 : f32
        %mul3A_368 = vector.broadcast %mul3A_367 : f32 to vector<16xf32>
        %mul3A_369 = arith.mulf %get3A_366, %mul3A_368 : vector<16xf32>
        %swap3A_370 = arith.index_cast %add3A_350 : i32 to index
        %swap3A_371 = arith.constant 16 : index
        %swap3A_372 = tpu.vector_load %arg8[%swap3A_370, %swap3A_371] {strides = array<i32>} : memref<256x64xf32, #tpu.memory_space<vmem>>, vector<1x16xf32>,
        %swap3A_373 = vector.shape_cast %swap3A_372 : vector<1x16xf32> to vector<16xf32>
        %swap3A_374 = vector.shape_cast %mul3A_369 : vector<16xf32> to vector<1x16xf32>
        tpu.vector_store %arg8[%swap3A_370, %swap3A_371], %swap3A_374 {strides = array<i32>} : memref<256x64xf32, #tpu.memory_space<vmem>>, vector<1x16xf32>,
        %get3A_375 = arith.index_cast %add3A_350 : i32 to index
        %get3A_376 = arith.constant 32 : index
        %get3A_377 = tpu.vector_load %arg8[%get3A_375, %get3A_376] {strides = array<i32>} : memref<256x64xf32, #tpu.memory_space<vmem>>, vector<1x16xf32>,
        %get3A_378 = vector.shape_cast %get3A_377 : vector<1x16xf32> to vector<16xf32>
        %mul3A_379 = arith.constant 8.000000e+00 : f32
        %mul3A_380 = vector.broadcast %mul3A_379 : f32 to vector<16xf32>
        %mul3A_381 = arith.mulf %get3A_378, %mul3A_380 : vector<16xf32>
        %swap3A_382 = arith.index_cast %add3A_350 : i32 to index
        %swap3A_383 = arith.constant 32 : index
        %swap3A_384 = tpu.vector_load %arg8[%swap3A_382, %swap3A_383] {strides = array<i32>} : memref<256x64xf32, #tpu.memory_space<vmem>>, vector<1x16xf32>,
        %swap3A_385 = vector.shape_cast %swap3A_384 : vector<1x16xf32> to vector<16xf32>
        %swap3A_386 = vector.shape_cast %mul3A_381 : vector<16xf32> to vector<1x16xf32>
        tpu.vector_store %arg8[%swap3A_382, %swap3A_383], %swap3A_386 {strides = array<i32>} : memref<256x64xf32, #tpu.memory_space<vmem>>, vector<1x16xf32>,
        %get3A_387 = arith.index_cast %add3A_350 : i32 to index
        %get3A_388 = arith.constant 48 : index
        %get3A_389 = tpu.vector_load %arg8[%get3A_387, %get3A_388] {strides = array<i32>} : memref<256x64xf32, #tpu.memory_space<vmem>>, vector<1x16xf32>,
        %get3A_390 = vector.shape_cast %get3A_389 : vector<1x16xf32> to vector<16xf32>
        %mul3A_391 = arith.constant 8.000000e+00 : f32
        %mul3A_392 = vector.broadcast %mul3A_391 : f32 to vector<16xf32>
        %mul3A_393 = arith.mulf %get3A_390, %mul3A_392 : vector<16xf32>
        %swap3A_394 = arith.index_cast %add3A_350 : i32 to index
        %swap3A_395 = arith.constant 48 : index
        %swap3A_396 = tpu.vector_load %arg8[%swap3A_394, %swap3A_395] {strides = array<i32>} : memref<256x64xf32, #tpu.memory_space<vmem>>, vector<1x16xf32>,
        %swap3A_397 = vector.shape_cast %swap3A_396 : vector<1x16xf32> to vector<16xf32>
        %swap3A_398 = vector.shape_cast %mul3A_393 : vector<16xf32> to vector<1x16xf32>
        tpu.vector_store %arg8[%swap3A_394, %swap3A_395], %swap3A_398 {strides = array<i32>} : memref<256x64xf32, #tpu.memory_space<vmem>>, vector<1x16xf32>,
        %scan3A_399 = arith.constant 2 : i32
        %scan3A_400 = arith.addi %scan3A_294, %scan3A_399 : i32
        %mul3A_401 = arith.constant 1 : i32
        %mul3A_402 = arith.muli %scan3A_400, %mul3A_401 : i32
        %add3A_403 = arith.constant 0 : i32
        %add3A_404 = arith.addi %add3A_403, %mul3A_402 : i32
        %get3A_405 = arith.index_cast %add3A_404 : i32 to index
        %get3A_406 = arith.constant 0 : index
        %get3A_407 = tpu.vector_load %arg8[%get3A_405, %get3A_406] {strides = array<i32>} : memref<256x64xf32, #tpu.memory_space<vmem>>, vector<1x16xf32>,
        %get3A_408 = vector.shape_cast %get3A_407 : vector<1x16xf32> to vector<16xf32>
        %mul3A_409 = arith.constant 8.000000e+00 : f32
        %mul3A_410 = vector.broadcast %mul3A_409 : f32 to vector<16xf32>
        %mul3A_411 = arith.mulf %get3A_408, %mul3A_410 : vector<16xf32>
        %swap3A_412 = arith.index_cast %add3A_404 : i32 to index
        %swap3A_413 = arith.constant 0 : index
        %swap3A_414 = tpu.vector_load %arg8[%swap3A_412, %swap3A_413] {strides = array<i32>} : memref<256x64xf32, #tpu.memory_space<vmem>>, vector<1x16xf32>,
        %swap3A_415 = vector.shape_cast %swap3A_414 : vector<1x16xf32> to vector<16xf32>
        %swap3A_416 = vector.shape_cast %mul3A_411 : vector<16xf32> to vector<1x16xf32>
        tpu.vector_store %arg8[%swap3A_412, %swap3A_413], %swap3A_416 {strides = array<i32>} : memref<256x64xf32, #tpu.memory_space<vmem>>, vector<1x16xf32>,
        %get3A_417 = arith.index_cast %add3A_404 : i32 to index
        %get3A_418 = arith.constant 16 : index
        %get3A_419 = tpu.vector_load %arg8[%get3A_417, %get3A_418] {strides = array<i32>} : memref<256x64xf32, #tpu.memory_space<vmem>>, vector<1x16xf32>,
        %get3A_420 = vector.shape_cast %get3A_419 : vector<1x16xf32> to vector<16xf32>
        %mul3A_421 = arith.constant 8.000000e+00 : f32
        %mul3A_422 = vector.broadcast %mul3A_421 : f32 to vector<16xf32>
        %mul3A_423 = arith.mulf %get3A_420, %mul3A_422 : vector<16xf32>
        %swap3A_424 = arith.index_cast %add3A_404 : i32 to index
        %swap3A_425 = arith.constant 16 : index
        %swap3A_426 = tpu.vector_load %arg8[%swap3A_424, %swap3A_425] {strides = array<i32>} : memref<256x64xf32, #tpu.memory_space<vmem>>, vector<1x16xf32>,
        %swap3A_427 = vector.shape_cast %swap3A_426 : vector<1x16xf32> to vector<16xf32>
        %swap3A_428 = vector.shape_cast %mul3A_423 : vector<16xf32> to vector<1x16xf32>
        tpu.vector_store %arg8[%swap3A_424, %swap3A_425], %swap3A_428 {strides = array<i32>} : memref<256x64xf32, #tpu.memory_space<vmem>>, vector<1x16xf32>,
        %get3A_429 = arith.index_cast %add3A_404 : i32 to index
        %get3A_430 = arith.constant 32 : index
        %get3A_431 = tpu.vector_load %arg8[%get3A_429, %get3A_430] {strides = array<i32>} : memref<256x64xf32, #tpu.memory_space<vmem>>, vector<1x16xf32>,
        %get3A_432 = vector.shape_cast %get3A_431 : vector<1x16xf32> to vector<16xf32>
        %mul3A_433 = arith.constant 8.000000e+00 : f32
        %mul3A_434 = vector.broadcast %mul3A_433 : f32 to vector<16xf32>
        %mul3A_435 = arith.mulf %get3A_432, %mul3A_434 : vector<16xf32>
        %swap3A_436 = arith.index_cast %add3A_404 : i32 to index
        %swap3A_437 = arith.constant 32 : index
        %swap3A_438 = tpu.vector_load %arg8[%swap3A_436, %swap3A_437] {strides = array<i32>} : memref<256x64xf32, #tpu.memory_space<vmem>>, vector<1x16xf32>,
        %swap3A_439 = vector.shape_cast %swap3A_438 : vector<1x16xf32> to vector<16xf32>
        %swap3A_440 = vector.shape_cast %mul3A_435 : vector<16xf32> to vector<1x16xf32>
        tpu.vector_store %arg8[%swap3A_436, %swap3A_437], %swap3A_440 {strides = array<i32>} : memref<256x64xf32, #tpu.memory_space<vmem>>, vector<1x16xf32>,
        %get3A_441 = arith.index_cast %add3A_404 : i32 to index
        %get3A_442 = arith.constant 48 : index
        %get3A_443 = tpu.vector_load %arg8[%get3A_441, %get3A_442] {strides = array<i32>} : memref<256x64xf32, #tpu.memory_space<vmem>>, vector<1x16xf32>,
        %get3A_444 = vector.shape_cast %get3A_443 : vector<1x16xf32> to vector<16xf32>
        %mul3A_445 = arith.constant 8.000000e+00 : f32
        %mul3A_446 = vector.broadcast %mul3A_445 : f32 to vector<16xf32>
        %mul3A_447 = arith.mulf %get3A_444, %mul3A_446 : vector<16xf32>
        %swap3A_448 = arith.index_cast %add3A_404 : i32 to index
        %swap3A_449 = arith.constant 48 : index
        %swap3A_450 = tpu.vector_load %arg8[%swap3A_448, %swap3A_449] {strides = array<i32>} : memref<256x64xf32, #tpu.memory_space<vmem>>, vector<1x16xf32>,
        %swap3A_451 = vector.shape_cast %swap3A_450 : vector<1x16xf32> to vector<16xf32>
        %swap3A_452 = vector.shape_cast %mul3A_447 : vector<16xf32> to vector<1x16xf32>
        tpu.vector_store %arg8[%swap3A_448, %swap3A_449], %swap3A_452 {strides = array<i32>} : memref<256x64xf32, #tpu.memory_space<vmem>>, vector<1x16xf32>,
        %scan3A_453 = arith.constant 3 : i32
        %scan3A_454 = arith.addi %scan3A_294, %scan3A_453 : i32
        %mul3A_455 = arith.constant 1 : i32
        %mul3A_456 = arith.muli %scan3A_454, %mul3A_455 : i32
        %add3A_457 = arith.constant 0 : i32
        %add3A_458 = arith.addi %add3A_457, %mul3A_456 : i32
        %get3A_459 = arith.index_cast %add3A_458 : i32 to index
        %get3A_460 = arith.constant 0 : index
        %get3A_461 = tpu.vector_load %arg8[%get3A_459, %get3A_460] {strides = array<i32>} : memref<256x64xf32, #tpu.memory_space<vmem>>, vector<1x16xf32>,
        %get3A_462 = vector.shape_cast %get3A_461 : vector<1x16xf32> to vector<16xf32>
        %mul3A_463 = arith.constant 8.000000e+00 : f32
        %mul3A_464 = vector.broadcast %mul3A_463 : f32 to vector<16xf32>
        %mul3A_465 = arith.mulf %get3A_462, %mul3A_464 : vector<16xf32>
        %swap3A_466 = arith.index_cast %add3A_458 : i32 to index
        %swap3A_467 = arith.constant 0 : index
        %swap3A_468 = tpu.vector_load %arg8[%swap3A_466, %swap3A_467] {strides = array<i32>} : memref<256x64xf32, #tpu.memory_space<vmem>>, vector<1x16xf32>,
        %swap3A_469 = vector.shape_cast %swap3A_468 : vector<1x16xf32> to vector<16xf32>
        %swap3A_470 = vector.shape_cast %mul3A_465 : vector<16xf32> to vector<1x16xf32>
        tpu.vector_store %arg8[%swap3A_466, %swap3A_467], %swap3A_470 {strides = array<i32>} : memref<256x64xf32, #tpu.memory_space<vmem>>, vector<1x16xf32>,
        %get3A_471 = arith.index_cast %add3A_458 : i32 to index
        %get3A_472 = arith.constant 16 : index
        %get3A_473 = tpu.vector_load %arg8[%get3A_471, %get3A_472] {strides = array<i32>} : memref<256x64xf32, #tpu.memory_space<vmem>>, vector<1x16xf32>,
        %get3A_474 = vector.shape_cast %get3A_473 : vector<1x16xf32> to vector<16xf32>
        %mul3A_475 = arith.constant 8.000000e+00 : f32
        %mul3A_476 = vector.broadcast %mul3A_475 : f32 to vector<16xf32>
        %mul3A_477 = arith.mulf %get3A_474, %mul3A_476 : vector<16xf32>
        %swap3A_478 = arith.index_cast %add3A_458 : i32 to index
        %swap3A_479 = arith.constant 16 : index
        %swap3A_480 = tpu.vector_load %arg8[%swap3A_478, %swap3A_479] {strides = array<i32>} : memref<256x64xf32, #tpu.memory_space<vmem>>, vector<1x16xf32>,
        %swap3A_481 = vector.shape_cast %swap3A_480 : vector<1x16xf32> to vector<16xf32>
        %swap3A_482 = vector.shape_cast %mul3A_477 : vector<16xf32> to vector<1x16xf32>
        tpu.vector_store %arg8[%swap3A_478, %swap3A_479], %swap3A_482 {strides = array<i32>} : memref<256x64xf32, #tpu.memory_space<vmem>>, vector<1x16xf32>,
        %get3A_483 = arith.index_cast %add3A_458 : i32 to index
        %get3A_484 = arith.constant 32 : index
        %get3A_485 = tpu.vector_load %arg8[%get3A_483, %get3A_484] {strides = array<i32>} : memref<256x64xf32, #tpu.memory_space<vmem>>, vector<1x16xf32>,
        %get3A_486 = vector.shape_cast %get3A_485 : vector<1x16xf32> to vector<16xf32>
        %mul3A_487 = arith.constant 8.000000e+00 : f32
        %mul3A_488 = vector.broadcast %mul3A_487 : f32 to vector<16xf32>
        %mul3A_489 = arith.mulf %get3A_486, %mul3A_488 : vector<16xf32>
        %swap3A_490 = arith.index_cast %add3A_458 : i32 to index
        %swap3A_491 = arith.constant 32 : index
        %swap3A_492 = tpu.vector_load %arg8[%swap3A_490, %swap3A_491] {strides = array<i32>} : memref<256x64xf32, #tpu.memory_space<vmem>>, vector<1x16xf32>,
        %swap3A_493 = vector.shape_cast %swap3A_492 : vector<1x16xf32> to vector<16xf32>
        %swap3A_494 = vector.shape_cast %mul3A_489 : vector<16xf32> to vector<1x16xf32>
        tpu.vector_store %arg8[%swap3A_490, %swap3A_491], %swap3A_494 {strides = array<i32>} : memref<256x64xf32, #tpu.memory_space<vmem>>, vector<1x16xf32>,
        %get3A_495 = arith.index_cast %add3A_458 : i32 to index
        %get3A_496 = arith.constant 48 : index
        %get3A_497 = tpu.vector_load %arg8[%get3A_495, %get3A_496] {strides = array<i32>} : memref<256x64xf32, #tpu.memory_space<vmem>>, vector<1x16xf32>,
        %get3A_498 = vector.shape_cast %get3A_497 : vector<1x16xf32> to vector<16xf32>
        %mul3A_499 = arith.constant 8.000000e+00 : f32
        %mul3A_500 = vector.broadcast %mul3A_499 : f32 to vector<16xf32>
        %mul3A_501 = arith.mulf %get3A_498, %mul3A_500 : vector<16xf32>
        %swap3A_502 = arith.index_cast %add3A_458 : i32 to index
        %swap3A_503 = arith.constant 48 : index
        %swap3A_504 = tpu.vector_load %arg8[%swap3A_502, %swap3A_503] {strides = array<i32>} : memref<256x64xf32, #tpu.memory_space<vmem>>, vector<1x16xf32>,
        %swap3A_505 = vector.shape_cast %swap3A_504 : vector<1x16xf32> to vector<16xf32>
        %swap3A_506 = vector.shape_cast %mul3A_501 : vector<16xf32> to vector<1x16xf32>
        tpu.vector_store %arg8[%swap3A_502, %swap3A_503], %swap3A_506 {strides = array<i32>} : memref<256x64xf32, #tpu.memory_space<vmem>>, vector<1x16xf32>,
        %scan3A_507 = arith.constant 4 : i32
        %scan3A_508 = arith.addi %scan3A_294, %scan3A_507 : i32
        %mul3A_509 = arith.constant 1 : i32
        %mul3A_510 = arith.muli %scan3A_508, %mul3A_509 : i32
        %add3A_511 = arith.constant 0 : i32
        %add3A_512 = arith.addi %add3A_511, %mul3A_510 : i32
        %get3A_513 = arith.index_cast %add3A_512 : i32 to index
        %get3A_514 = arith.constant 0 : index
        %get3A_515 = tpu.vector_load %arg8[%get3A_513, %get3A_514] {strides = array<i32>} : memref<256x64xf32, #tpu.memory_space<vmem>>, vector<1x16xf32>,
        %get3A_516 = vector.shape_cast %get3A_515 : vector<1x16xf32> to vector<16xf32>
        %mul3A_517 = arith.constant 8.000000e+00 : f32
        %mul3A_518 = vector.broadcast %mul3A_517 : f32 to vector<16xf32>
        %mul3A_519 = arith.mulf %get3A_516, %mul3A_518 : vector<16xf32>
        %swap3A_520 = arith.index_cast %add3A_512 : i32 to index
        %swap3A_521 = arith.constant 0 : index
        %swap3A_522 = tpu.vector_load %arg8[%swap3A_520, %swap3A_521] {strides = array<i32>} : memref<256x64xf32, #tpu.memory_space<vmem>>, vector<1x16xf32>,
        %swap3A_523 = vector.shape_cast %swap3A_522 : vector<1x16xf32> to vector<16xf32>
        %swap3A_524 = vector.shape_cast %mul3A_519 : vector<16xf32> to vector<1x16xf32>
        tpu.vector_store %arg8[%swap3A_520, %swap3A_521], %swap3A_524 {strides = array<i32>} : memref<256x64xf32, #tpu.memory_space<vmem>>, vector<1x16xf32>,
        %get3A_525 = arith.index_cast %add3A_512 : i32 to index
        %get3A_526 = arith.constant 16 : index
        %get3A_527 = tpu.vector_load %arg8[%get3A_525, %get3A_526] {strides = array<i32>} : memref<256x64xf32, #tpu.memory_space<vmem>>, vector<1x16xf32>,
        %get3A_528 = vector.shape_cast %get3A_527 : vector<1x16xf32> to vector<16xf32>
        %mul3A_529 = arith.constant 8.000000e+00 : f32
        %mul3A_530 = vector.broadcast %mul3A_529 : f32 to vector<16xf32>
        %mul3A_531 = arith.mulf %get3A_528, %mul3A_530 : vector<16xf32>
        %swap3A_532 = arith.index_cast %add3A_512 : i32 to index
        %swap3A_533 = arith.constant 16 : index
        %swap3A_534 = tpu.vector_load %arg8[%swap3A_532, %swap3A_533] {strides = array<i32>} : memref<256x64xf32, #tpu.memory_space<vmem>>, vector<1x16xf32>,
        %swap3A_535 = vector.shape_cast %swap3A_534 : vector<1x16xf32> to vector<16xf32>
        %swap3A_536 = vector.shape_cast %mul3A_531 : vector<16xf32> to vector<1x16xf32>
        tpu.vector_store %arg8[%swap3A_532, %swap3A_533], %swap3A_536 {strides = array<i32>} : memref<256x64xf32, #tpu.memory_space<vmem>>, vector<1x16xf32>,
        %get3A_537 = arith.index_cast %add3A_512 : i32 to index
        %get3A_538 = arith.constant 32 : index
        %get3A_539 = tpu.vector_load %arg8[%get3A_537, %get3A_538] {strides = array<i32>} : memref<256x64xf32, #tpu.memory_space<vmem>>, vector<1x16xf32>,
        %get3A_540 = vector.shape_cast %get3A_539 : vector<1x16xf32> to vector<16xf32>
        %mul3A_541 = arith.constant 8.000000e+00 : f32
        %mul3A_542 = vector.broadcast %mul3A_541 : f32 to vector<16xf32>
        %mul3A_543 = arith.mulf %get3A_540, %mul3A_542 : vector<16xf32>
        %swap3A_544 = arith.index_cast %add3A_512 : i32 to index
        %swap3A_545 = arith.constant 32 : index
        %swap3A_546 = tpu.vector_load %arg8[%swap3A_544, %swap3A_545] {strides = array<i32>} : memref<256x64xf32, #tpu.memory_space<vmem>>, vector<1x16xf32>,
        %swap3A_547 = vector.shape_cast %swap3A_546 : vector<1x16xf32> to vector<16xf32>
        %swap3A_548 = vector.shape_cast %mul3A_543 : vector<16xf32> to vector<1x16xf32>
        tpu.vector_store %arg8[%swap3A_544, %swap3A_545], %swap3A_548 {strides = array<i32>} : memref<256x64xf32, #tpu.memory_space<vmem>>, vector<1x16xf32>,
        %get3A_549 = arith.index_cast %add3A_512 : i32 to index
        %get3A_550 = arith.constant 48 : index
        %get3A_551 = tpu.vector_load %arg8[%get3A_549, %get3A_550] {strides = array<i32>} : memref<256x64xf32, #tpu.memory_space<vmem>>, vector<1x16xf32>,
        %get3A_552 = vector.shape_cast %get3A_551 : vector<1x16xf32> to vector<16xf32>
        %mul3A_553 = arith.constant 8.000000e+00 : f32
        %mul3A_554 = vector.broadcast %mul3A_553 : f32 to vector<16xf32>
        %mul3A_555 = arith.mulf %get3A_552, %mul3A_554 : vector<16xf32>
        %swap3A_556 = arith.index_cast %add3A_512 : i32 to index
        %swap3A_557 = arith.constant 48 : index
        %swap3A_558 = tpu.vector_load %arg8[%swap3A_556, %swap3A_557] {strides = array<i32>} : memref<256x64xf32, #tpu.memory_space<vmem>>, vector<1x16xf32>,
        %swap3A_559 = vector.shape_cast %swap3A_558 : vector<1x16xf32> to vector<16xf32>
        %swap3A_560 = vector.shape_cast %mul3A_555 : vector<16xf32> to vector<1x16xf32>
        tpu.vector_store %arg8[%swap3A_556, %swap3A_557], %swap3A_560 {strides = array<i32>} : memref<256x64xf32, #tpu.memory_space<vmem>>, vector<1x16xf32>,
        %scan3A_561 = arith.constant 5 : i32
        %scan3A_562 = arith.addi %scan3A_294, %scan3A_561 : i32
        %mul3A_563 = arith.constant 1 : i32
        %mul3A_564 = arith.muli %scan3A_562, %mul3A_563 : i32
        %add3A_565 = arith.constant 0 : i32
        %add3A_566 = arith.addi %add3A_565, %mul3A_564 : i32
        %get3A_567 = arith.index_cast %add3A_566 : i32 to index
        %get3A_568 = arith.constant 0 : index
        %get3A_569 = tpu.vector_load %arg8[%get3A_567, %get3A_568] {strides = array<i32>} : memref<256x64xf32, #tpu.memory_space<vmem>>, vector<1x16xf32>,
        %get3A_570 = vector.shape_cast %get3A_569 : vector<1x16xf32> to vector<16xf32>
        %mul3A_571 = arith.constant 8.000000e+00 : f32
        %mul3A_572 = vector.broadcast %mul3A_571 : f32 to vector<16xf32>
        %mul3A_573 = arith.mulf %get3A_570, %mul3A_572 : vector<16xf32>
        %swap3A_574 = arith.index_cast %add3A_566 : i32 to index
        %swap3A_575 = arith.constant 0 : index
        %swap3A_576 = tpu.vector_load %arg8[%swap3A_574, %swap3A_575] {strides = array<i32>} : memref<256x64xf32, #tpu.memory_space<vmem>>, vector<1x16xf32>,
        %swap3A_577 = vector.shape_cast %swap3A_576 : vector<1x16xf32> to vector<16xf32>
        %swap3A_578 = vector.shape_cast %mul3A_573 : vector<16xf32> to vector<1x16xf32>
        tpu.vector_store %arg8[%swap3A_574, %swap3A_575], %swap3A_578 {strides = array<i32>} : memref<256x64xf32, #tpu.memory_space<vmem>>, vector<1x16xf32>,
        %get3A_579 = arith.index_cast %add3A_566 : i32 to index
        %get3A_580 = arith.constant 16 : index
        %get3A_581 = tpu.vector_load %arg8[%get3A_579, %get3A_580] {strides = array<i32>} : memref<256x64xf32, #tpu.memory_space<vmem>>, vector<1x16xf32>,
        %get3A_582 = vector.shape_cast %get3A_581 : vector<1x16xf32> to vector<16xf32>
        %mul3A_583 = arith.constant 8.000000e+00 : f32
        %mul3A_584 = vector.broadcast %mul3A_583 : f32 to vector<16xf32>
        %mul3A_585 = arith.mulf %get3A_582, %mul3A_584 : vector<16xf32>
        %swap3A_586 = arith.index_cast %add3A_566 : i32 to index
        %swap3A_587 = arith.constant 16 : index
        %swap3A_588 = tpu.vector_load %arg8[%swap3A_586, %swap3A_587] {strides = array<i32>} : memref<256x64xf32, #tpu.memory_space<vmem>>, vector<1x16xf32>,
        %swap3A_589 = vector.shape_cast %swap3A_588 : vector<1x16xf32> to vector<16xf32>
        %swap3A_590 = vector.shape_cast %mul3A_585 : vector<16xf32> to vector<1x16xf32>
        tpu.vector_store %arg8[%swap3A_586, %swap3A_587], %swap3A_590 {strides = array<i32>} : memref<256x64xf32, #tpu.memory_space<vmem>>, vector<1x16xf32>,
        %get3A_591 = arith.index_cast %add3A_566 : i32 to index
        %get3A_592 = arith.constant 32 : index
        %get3A_593 = tpu.vector_load %arg8[%get3A_591, %get3A_592] {strides = array<i32>} : memref<256x64xf32, #tpu.memory_space<vmem>>, vector<1x16xf32>,
        %get3A_594 = vector.shape_cast %get3A_593 : vector<1x16xf32> to vector<16xf32>
        %mul3A_595 = arith.constant 8.000000e+00 : f32
        %mul3A_596 = vector.broadcast %mul3A_595 : f32 to vector<16xf32>
        %mul3A_597 = arith.mulf %get3A_594, %mul3A_596 : vector<16xf32>
        %swap3A_598 = arith.index_cast %add3A_566 : i32 to index
        %swap3A_599 = arith.constant 32 : index
        %swap3A_600 = tpu.vector_load %arg8[%swap3A_598, %swap3A_599] {strides = array<i32>} : memref<256x64xf32, #tpu.memory_space<vmem>>, vector<1x16xf32>,
        %swap3A_601 = vector.shape_cast %swap3A_600 : vector<1x16xf32> to vector<16xf32>
        %swap3A_602 = vector.shape_cast %mul3A_597 : vector<16xf32> to vector<1x16xf32>
        tpu.vector_store %arg8[%swap3A_598, %swap3A_599], %swap3A_602 {strides = array<i32>} : memref<256x64xf32, #tpu.memory_space<vmem>>, vector<1x16xf32>,
        %get3A_603 = arith.index_cast %add3A_566 : i32 to index
        %get3A_604 = arith.constant 48 : index
        %get3A_605 = tpu.vector_load %arg8[%get3A_603, %get3A_604] {strides = array<i32>} : memref<256x64xf32, #tpu.memory_space<vmem>>, vector<1x16xf32>,
        %get3A_606 = vector.shape_cast %get3A_605 : vector<1x16xf32> to vector<16xf32>
        %mul3A_607 = arith.constant 8.000000e+00 : f32
        %mul3A_608 = vector.broadcast %mul3A_607 : f32 to vector<16xf32>
        %mul3A_609 = arith.mulf %get3A_606, %mul3A_608 : vector<16xf32>
        %swap3A_610 = arith.index_cast %add3A_566 : i32 to index
        %swap3A_611 = arith.constant 48 : index
        %swap3A_612 = tpu.vector_load %arg8[%swap3A_610, %swap3A_611] {strides = array<i32>} : memref<256x64xf32, #tpu.memory_space<vmem>>, vector<1x16xf32>,
        %swap3A_613 = vector.shape_cast %swap3A_612 : vector<1x16xf32> to vector<16xf32>
        %swap3A_614 = vector.shape_cast %mul3A_609 : vector<16xf32> to vector<1x16xf32>
        tpu.vector_store %arg8[%swap3A_610, %swap3A_611], %swap3A_614 {strides = array<i32>} : memref<256x64xf32, #tpu.memory_space<vmem>>, vector<1x16xf32>,
        %scan3A_615 = arith.constant 6 : i32
        %scan3A_616 = arith.addi %scan3A_294, %scan3A_615 : i32
        %mul3A_617 = arith.constant 1 : i32
        %mul3A_618 = arith.muli %scan3A_616, %mul3A_617 : i32
        %add3A_619 = arith.constant 0 : i32
        %add3A_620 = arith.addi %add3A_619, %mul3A_618 : i32
        %get3A_621 = arith.index_cast %add3A_620 : i32 to index
        %get3A_622 = arith.constant 0 : index
        %get3A_623 = tpu.vector_load %arg8[%get3A_621, %get3A_622] {strides = array<i32>} : memref<256x64xf32, #tpu.memory_space<vmem>>, vector<1x16xf32>,
        %get3A_624 = vector.shape_cast %get3A_623 : vector<1x16xf32> to vector<16xf32>
        %mul3A_625 = arith.constant 8.000000e+00 : f32
        %mul3A_626 = vector.broadcast %mul3A_625 : f32 to vector<16xf32>
        %mul3A_627 = arith.mulf %get3A_624, %mul3A_626 : vector<16xf32>
        %swap3A_628 = arith.index_cast %add3A_620 : i32 to index
        %swap3A_629 = arith.constant 0 : index
        %swap3A_630 = tpu.vector_load %arg8[%swap3A_628, %swap3A_629] {strides = array<i32>} : memref<256x64xf32, #tpu.memory_space<vmem>>, vector<1x16xf32>,
        %swap3A_631 = vector.shape_cast %swap3A_630 : vector<1x16xf32> to vector<16xf32>
        %swap3A_632 = vector.shape_cast %mul3A_627 : vector<16xf32> to vector<1x16xf32>
        tpu.vector_store %arg8[%swap3A_628, %swap3A_629], %swap3A_632 {strides = array<i32>} : memref<256x64xf32, #tpu.memory_space<vmem>>, vector<1x16xf32>,
        %get3A_633 = arith.index_cast %add3A_620 : i32 to index
        %get3A_634 = arith.constant 16 : index
        %get3A_635 = tpu.vector_load %arg8[%get3A_633, %get3A_634] {strides = array<i32>} : memref<256x64xf32, #tpu.memory_space<vmem>>, vector<1x16xf32>,
        %get3A_636 = vector.shape_cast %get3A_635 : vector<1x16xf32> to vector<16xf32>
        %mul3A_637 = arith.constant 8.000000e+00 : f32
        %mul3A_638 = vector.broadcast %mul3A_637 : f32 to vector<16xf32>
        %mul3A_639 = arith.mulf %get3A_636, %mul3A_638 : vector<16xf32>
        %swap3A_640 = arith.index_cast %add3A_620 : i32 to index
        %swap3A_641 = arith.constant 16 : index
        %swap3A_642 = tpu.vector_load %arg8[%swap3A_640, %swap3A_641] {strides = array<i32>} : memref<256x64xf32, #tpu.memory_space<vmem>>, vector<1x16xf32>,
        %swap3A_643 = vector.shape_cast %swap3A_642 : vector<1x16xf32> to vector<16xf32>
        %swap3A_644 = vector.shape_cast %mul3A_639 : vector<16xf32> to vector<1x16xf32>
        tpu.vector_store %arg8[%swap3A_640, %swap3A_641], %swap3A_644 {strides = array<i32>} : memref<256x64xf32, #tpu.memory_space<vmem>>, vector<1x16xf32>,
        %get3A_645 = arith.index_cast %add3A_620 : i32 to index
        %get3A_646 = arith.constant 32 : index
        %get3A_647 = tpu.vector_load %arg8[%get3A_645, %get3A_646] {strides = array<i32>} : memref<256x64xf32, #tpu.memory_space<vmem>>, vector<1x16xf32>,
        %get3A_648 = vector.shape_cast %get3A_647 : vector<1x16xf32> to vector<16xf32>
        %mul3A_649 = arith.constant 8.000000e+00 : f32
        %mul3A_650 = vector.broadcast %mul3A_649 : f32 to vector<16xf32>
        %mul3A_651 = arith.mulf %get3A_648, %mul3A_650 : vector<16xf32>
        %swap3A_652 = arith.index_cast %add3A_620 : i32 to index
        %swap3A_653 = arith.constant 32 : index
        %swap3A_654 = tpu.vector_load %arg8[%swap3A_652, %swap3A_653] {strides = array<i32>} : memref<256x64xf32, #tpu.memory_space<vmem>>, vector<1x16xf32>,
        %swap3A_655 = vector.shape_cast %swap3A_654 : vector<1x16xf32> to vector<16xf32>
        %swap3A_656 = vector.shape_cast %mul3A_651 : vector<16xf32> to vector<1x16xf32>
        tpu.vector_store %arg8[%swap3A_652, %swap3A_653], %swap3A_656 {strides = array<i32>} : memref<256x64xf32, #tpu.memory_space<vmem>>, vector<1x16xf32>,
        %get3A_657 = arith.index_cast %add3A_620 : i32 to index
        %get3A_658 = arith.constant 48 : index
        %get3A_659 = tpu.vector_load %arg8[%get3A_657, %get3A_658] {strides = array<i32>} : memref<256x64xf32, #tpu.memory_space<vmem>>, vector<1x16xf32>,
        %get3A_660 = vector.shape_cast %get3A_659 : vector<1x16xf32> to vector<16xf32>
        %mul3A_661 = arith.constant 8.000000e+00 : f32
        %mul3A_662 = vector.broadcast %mul3A_661 : f32 to vector<16xf32>
        %mul3A_663 = arith.mulf %get3A_660, %mul3A_662 : vector<16xf32>
        %swap3A_664 = arith.index_cast %add3A_620 : i32 to index
        %swap3A_665 = arith.constant 48 : index
        %swap3A_666 = tpu.vector_load %arg8[%swap3A_664, %swap3A_665] {strides = array<i32>} : memref<256x64xf32, #tpu.memory_space<vmem>>, vector<1x16xf32>,
        %swap3A_667 = vector.shape_cast %swap3A_666 : vector<1x16xf32> to vector<16xf32>
        %swap3A_668 = vector.shape_cast %mul3A_663 : vector<16xf32> to vector<1x16xf32>
        tpu.vector_store %arg8[%swap3A_664, %swap3A_665], %swap3A_668 {strides = array<i32>} : memref<256x64xf32, #tpu.memory_space<vmem>>, vector<1x16xf32>,
        %scan3A_669 = arith.constant 7 : i32
        %scan3A_670 = arith.addi %scan3A_294, %scan3A_669 : i32
        %mul3A_671 = arith.constant 1 : i32
        %mul3A_672 = arith.muli %scan3A_670, %mul3A_671 : i32
        %add3A_673 = arith.constant 0 : i32
        %add3A_674 = arith.addi %add3A_673, %mul3A_672 : i32
        %get3A_675 = arith.index_cast %add3A_674 : i32 to index
        %get3A_676 = arith.constant 0 : index
        %get3A_677 = tpu.vector_load %arg8[%get3A_675, %get3A_676] {strides = array<i32>} : memref<256x64xf32, #tpu.memory_space<vmem>>, vector<1x16xf32>,
        %get3A_678 = vector.shape_cast %get3A_677 : vector<1x16xf32> to vector<16xf32>
        %mul3A_679 = arith.constant 8.000000e+00 : f32
        %mul3A_680 = vector.broadcast %mul3A_679 : f32 to vector<16xf32>
        %mul3A_681 = arith.mulf %get3A_678, %mul3A_680 : vector<16xf32>
        %swap3A_682 = arith.index_cast %add3A_674 : i32 to index
        %swap3A_683 = arith.constant 0 : index
        %swap3A_684 = tpu.vector_load %arg8[%swap3A_682, %swap3A_683] {strides = array<i32>} : memref<256x64xf32, #tpu.memory_space<vmem>>, vector<1x16xf32>,
        %swap3A_685 = vector.shape_cast %swap3A_684 : vector<1x16xf32> to vector<16xf32>
        %swap3A_686 = vector.shape_cast %mul3A_681 : vector<16xf32> to vector<1x16xf32>
        tpu.vector_store %arg8[%swap3A_682, %swap3A_683], %swap3A_686 {strides = array<i32>} : memref<256x64xf32, #tpu.memory_space<vmem>>, vector<1x16xf32>,
        %get3A_687 = arith.index_cast %add3A_674 : i32 to index
        %get3A_688 = arith.constant 16 : index
        %get3A_689 = tpu.vector_load %arg8[%get3A_687, %get3A_688] {strides = array<i32>} : memref<256x64xf32, #tpu.memory_space<vmem>>, vector<1x16xf32>,
        %get3A_690 = vector.shape_cast %get3A_689 : vector<1x16xf32> to vector<16xf32>
        %mul3A_691 = arith.constant 8.000000e+00 : f32
        %mul3A_692 = vector.broadcast %mul3A_691 : f32 to vector<16xf32>
        %mul3A_693 = arith.mulf %get3A_690, %mul3A_692 : vector<16xf32>
        %swap3A_694 = arith.index_cast %add3A_674 : i32 to index
        %swap3A_695 = arith.constant 16 : index
        %swap3A_696 = tpu.vector_load %arg8[%swap3A_694, %swap3A_695] {strides = array<i32>} : memref<256x64xf32, #tpu.memory_space<vmem>>, vector<1x16xf32>,
        %swap3A_697 = vector.shape_cast %swap3A_696 : vector<1x16xf32> to vector<16xf32>
        %swap3A_698 = vector.shape_cast %mul3A_693 : vector<16xf32> to vector<1x16xf32>
        tpu.vector_store %arg8[%swap3A_694, %swap3A_695], %swap3A_698 {strides = array<i32>} : memref<256x64xf32, #tpu.memory_space<vmem>>, vector<1x16xf32>,
        %get3A_699 = arith.index_cast %add3A_674 : i32 to index
        %get3A_700 = arith.constant 32 : index
        %get3A_701 = tpu.vector_load %arg8[%get3A_699, %get3A_700] {strides = array<i32>} : memref<256x64xf32, #tpu.memory_space<vmem>>, vector<1x16xf32>,
        %get3A_702 = vector.shape_cast %get3A_701 : vector<1x16xf32> to vector<16xf32>
        %mul3A_703 = arith.constant 8.000000e+00 : f32
        %mul3A_704 = vector.broadcast %mul3A_703 : f32 to vector<16xf32>
        %mul3A_705 = arith.mulf %get3A_702, %mul3A_704 : vector<16xf32>
        %swap3A_706 = arith.index_cast %add3A_674 : i32 to index
        %swap3A_707 = arith.constant 32 : index
        %swap3A_708 = tpu.vector_load %arg8[%swap3A_706, %swap3A_707] {strides = array<i32>} : memref<256x64xf32, #tpu.memory_space<vmem>>, vector<1x16xf32>,
        %swap3A_709 = vector.shape_cast %swap3A_708 : vector<1x16xf32> to vector<16xf32>
        %swap3A_710 = vector.shape_cast %mul3A_705 : vector<16xf32> to vector<1x16xf32>
        tpu.vector_store %arg8[%swap3A_706, %swap3A_707], %swap3A_710 {strides = array<i32>} : memref<256x64xf32, #tpu.memory_space<vmem>>, vector<1x16xf32>,
        %get3A_711 = arith.index_cast %add3A_674 : i32 to index
        %get3A_712 = arith.constant 48 : index
        %get3A_713 = tpu.vector_load %arg8[%get3A_711, %get3A_712] {strides = array<i32>} : memref<256x64xf32, #tpu.memory_space<vmem>>, vector<1x16xf32>,
        %get3A_714 = vector.shape_cast %get3A_713 : vector<1x16xf32> to vector<16xf32>
        %mul3A_715 = arith.constant 8.000000e+00 : f32
        %mul3A_716 = vector.broadcast %mul3A_715 : f32 to vector<16xf32>
        %mul3A_717 = arith.mulf %get3A_714, %mul3A_716 : vector<16xf32>
        %swap3A_718 = arith.index_cast %add3A_674 : i32 to index
        %swap3A_719 = arith.constant 48 : index
        %swap3A_720 = tpu.vector_load %arg8[%swap3A_718, %swap3A_719] {strides = array<i32>} : memref<256x64xf32, #tpu.memory_space<vmem>>, vector<1x16xf32>,
        %swap3A_721 = vector.shape_cast %swap3A_720 : vector<1x16xf32> to vector<16xf32>
        %swap3A_722 = vector.shape_cast %mul3A_717 : vector<16xf32> to vector<1x16xf32>
        tpu.vector_store %arg8[%swap3A_718, %swap3A_719], %swap3A_722 {strides = array<i32>} : memref<256x64xf32, #tpu.memory_space<vmem>>, vector<1x16xf32>,
      }
      %scan3A_226 = arith.constant 256 : i32
      %add3A_227 = arith.constant 4 : i32
      %add3A_228 = arith.addi %add3A_195, %add3A_227 : i32
      %sub3A_229 = arith.constant 1 : i32
      %sub3A_230 = arith.subi %add3A_228, %sub3A_229 : i32
      %lt3A_231 = arith.constant 100 : i32
      %lt3A_232 = arith.cmpi slt, %sub3A_230, %lt3A_231 : i32
      %convert_element_type3A_233 = arith.extui %lt3A_232 : i1 to i32
      %cond3A_234 = arith.constant 0 : i32
      %cond3A_235 = arith.cmpi ne, %convert_element_type3A_233, %cond3A_234 : i32
      scf.if %cond3A_235 {
        %ge3A = arith.constant 1 : i32
        %ge3A_294 = arith.cmpi sge, %add3A_195, %ge3A : i32
        %convert_element_type3A_295 = arith.extui %ge3A_294 : i1 to i32
        %cond3A_296 = arith.constant 0 : i32
        %cond3A_297 = arith.cmpi ne, %convert_element_type3A_295, %cond3A_296 : i32
        scf.if %cond3A_297 {
          %sub3A_324 = arith.constant 4 : i32
          %sub3A_325 = arith.subi %sub3A_230, %sub3A_324 : i32
          %mul3A_326 = arith.constant 256 : i32
          %mul3A_327 = arith.muli %sub3A_325, %mul3A_326 : i32
          %add3A_328 = arith.addi %mul3A_2, %mul3A_327 : i32
          %dma_wait3A_329 = arith.constant 0 : i32
          %dma_wait3A_330 = tpu.memref_slice %arg4[%add3A_328, %dma_wait3A_329] : memref<819200x64xf32, #tpu.memory_space<hbm>> -> memref<256x64xf32, #tpu.memory_space<hbm>>
          %dma_wait3A_331 = arith.constant 0 : i32
          %dma_wait3A_332 = tpu.memref_slice %arg4[%add3A_328, %dma_wait3A_331] : memref<819200x64xf32, #tpu.memory_space<hbm>> -> memref<256x64xf32, #tpu.memory_space<hbm>>
          tpu.wait_dma2 semaphore(%arg15 : memref<!tpu.dma_semaphore, #tpu.memory_space<semaphore_mem>>) src(%arg7 : memref<256x64xf32, #tpu.memory_space<vmem>>) dst(%dma_wait3A_332 : memref<256x64xf32, #tpu.memory_space<hbm>>)
        } else {
        }
        %mul3A_298 = arith.constant 2 : i32
        %mul3A_299 = arith.muli %sub3A_230, %mul3A_298 : i32
        %add3A_300 = arith.constant 0 : i32
        %add3A_301 = arith.addi %mul3A_299, %add3A_300 : i32
        %dma_start3A_302 = arith.constant 0 : i32
        %dma_start3A_303 = arith.constant 0 : i32
        %dma_start3A_304 = tpu.memref_slice %arg7[%dma_start3A_302, %dma_start3A_303] : memref<256x64xf32, #tpu.memory_space<vmem>> -> memref<128x64xf32, #tpu.memory_space<vmem>>
        %dma_start3A_305 = arith.constant 0 : i32
        %dma_start3A_306 = tpu.memref_slice %arg5[%add3A_301, %dma_start3A_305] : memref<200x128xi32, #tpu.memory_space<vmem>> -> memref<1x128xi32, #tpu.memory_space<vmem>>
        %dma_start3A_307 = tpu.memref_squeeze %dma_start3A_306 : memref<1x128xi32, #tpu.memory_space<vmem>> -> memref<128xi32, #tpu.memory_space<vmem>>
        %dma_start3A_308 = arith.constant 0 : i32
        %dma_start3A_309 = arith.constant 0 : i32
        %dma_start3A_310 = tpu.memref_slice %arg3[%dma_start3A_308, %dma_start3A_309] : memref<1000000x64xf32, #tpu.memory_space<hbm>> -> memref<1000000x64xf32, #tpu.memory_space<hbm>>
        tpu.enqueue_indirect_dma source(%dma_start3A_310 : memref<1000000x64xf32, #tpu.memory_space<hbm>>) target(%dma_start3A_304 : memref<128x64xf32, #tpu.memory_space<vmem>>) offsets(%dma_start3A_307 : memref<128xi32, #tpu.memory_space<vmem>>) semaphore(%arg11 : memref<!tpu.dma_semaphore, #tpu.memory_space<semaphore_mem>>)
        %mul3A_311 = arith.constant 2 : i32
        %mul3A_312 = arith.muli %sub3A_230, %mul3A_311 : i32
        %add3A_313 = arith.constant 1 : i32
        %add3A_314 = arith.addi %mul3A_312, %add3A_313 : i32
        %dma_start3A_315 = arith.constant 128 : i32
        %dma_start3A_316 = arith.constant 0 : i32
        %dma_start3A_317 = tpu.memref_slice %arg7[%dma_start3A_315, %dma_start3A_316] : memref<256x64xf32, #tpu.memory_space<vmem>> -> memref<128x64xf32, #tpu.memory_space<vmem>>
        %dma_start3A_318 = arith.constant 0 : i32
        %dma_start3A_319 = tpu.memref_slice %arg5[%add3A_314, %dma_start3A_318] : memref<200x128xi32, #tpu.memory_space<vmem>> -> memref<1x128xi32, #tpu.memory_space<vmem>>
        %dma_start3A_320 = tpu.memref_squeeze %dma_start3A_319 : memref<1x128xi32, #tpu.memory_space<vmem>> -> memref<128xi32, #tpu.memory_space<vmem>>
        %dma_start3A_321 = arith.constant 0 : i32
        %dma_start3A_322 = arith.constant 0 : i32
        %dma_start3A_323 = tpu.memref_slice %arg3[%dma_start3A_321, %dma_start3A_322] : memref<1000000x64xf32, #tpu.memory_space<hbm>> -> memref<1000000x64xf32, #tpu.memory_space<hbm>>
        tpu.enqueue_indirect_dma source(%dma_start3A_323 : memref<1000000x64xf32, #tpu.memory_space<hbm>>) target(%dma_start3A_317 : memref<128x64xf32, #tpu.memory_space<vmem>>) offsets(%dma_start3A_320 : memref<128xi32, #tpu.memory_space<vmem>>) semaphore(%arg11 : memref<!tpu.dma_semaphore, #tpu.memory_space<semaphore_mem>>)
      } else {
      }
      %mul3A_236 = arith.constant 256 : i32
      %mul3A_237 = arith.muli %add3A_195, %mul3A_236 : i32
      %add3A_238 = arith.addi %mul3A_2, %mul3A_237 : i32
      %dma_start3A_239 = arith.constant 0 : i32
      %dma_start3A_240 = tpu.memref_slice %arg4[%add3A_238, %dma_start3A_239] : memref<819200x64xf32, #tpu.memory_space<hbm>> -> memref<256x64xf32, #tpu.memory_space<hbm>>
      %dma_start3A_241 = arith.constant 0 : i32
      %dma_start3A_242 = tpu.memref_slice %arg4[%add3A_238, %dma_start3A_241] : memref<819200x64xf32, #tpu.memory_space<hbm>> -> memref<256x64xf32, #tpu.memory_space<hbm>>
      tpu.enqueue_dma source(%arg8 : memref<256x64xf32, #tpu.memory_space<vmem>>) target(%dma_start3A_242 : memref<256x64xf32, #tpu.memory_space<hbm>>) target_semaphore(%arg16 : memref<!tpu.dma_semaphore, #tpu.memory_space<semaphore_mem>>)
      %mul3A_243 = arith.constant 4 : i32
      %mul3A_244 = arith.muli %add3A_93, %mul3A_243 : i32
      %add3A_245 = arith.constant 3 : i32
      %add3A_246 = arith.addi %mul3A_244, %add3A_245 : i32
      %mul3A_247 = arith.constant 2 : i32
      %mul3A_248 = arith.muli %add3A_246, %mul3A_247 : i32
      %add3A_249 = arith.constant 0 : i32
      %add3A_250 = arith.addi %mul3A_248, %add3A_249 : i32
      %dma_wait3A_251 = arith.constant 0 : i32
      %dma_wait3A_252 = arith.constant 0 : i32
      %dma_wait3A_253 = tpu.memref_slice %arg9[%dma_wait3A_251, %dma_wait3A_252] : memref<256x64xf32, #tpu.memory_space<vmem>> -> memref<128x64xf32, #tpu.memory_space<vmem>>
      %dma_wait3A_254 = arith.constant 0 : i32
      %dma_wait3A_255 = tpu.memref_slice %arg5[%add3A_250, %dma_wait3A_254] : memref<200x128xi32, #tpu.memory_space<vmem>> -> memref<1x128xi32, #tpu.memory_space<vmem>>
      %dma_wait3A_256 = tpu.memref_squeeze %dma_wait3A_255 : memref<1x128xi32, #tpu.memory_space<vmem>> -> memref<128xi32, #tpu.memory_space<vmem>>
      %dma_wait3A_257 = arith.constant 0 : i32
      %dma_wait3A_258 = arith.constant 0 : i32
      %dma_wait3A_259 = tpu.memref_slice %arg3[%dma_wait3A_257, %dma_wait3A_258] : memref<1000000x64xf32, #tpu.memory_space<hbm>> -> memref<1000000x64xf32, #tpu.memory_space<hbm>>
      tpu.wait_indirect_dma semaphore(%arg13 : memref<!tpu.dma_semaphore, #tpu.memory_space<semaphore_mem>>) src(%dma_wait3A_259 : memref<1000000x64xf32, #tpu.memory_space<hbm>>) dst(%dma_wait3A_253 : memref<128x64xf32, #tpu.memory_space<vmem>>)
      %mul3A_260 = arith.constant 2 : i32
      %mul3A_261 = arith.muli %add3A_246, %mul3A_260 : i32
      %add3A_262 = arith.constant 1 : i32
      %add3A_263 = arith.addi %mul3A_261, %add3A_262 : i32
      %dma_wait3A_264 = arith.constant 128 : i32
      %dma_wait3A_265 = arith.constant 0 : i32
      %dma_wait3A_266 = tpu.memref_slice %arg9[%dma_wait3A_264, %dma_wait3A_265] : memref<256x64xf32, #tpu.memory_space<vmem>> -> memref<128x64xf32, #tpu.memory_space<vmem>>
      %dma_wait3A_267 = arith.constant 0 : i32
      %dma_wait3A_268 = tpu.memref_slice %arg5[%add3A_263, %dma_wait3A_267] : memref<200x128xi32, #tpu.memory_space<vmem>> -> memref<1x128xi32, #tpu.memory_space<vmem>>
      %dma_wait3A_269 = tpu.memref_squeeze %dma_wait3A_268 : memref<1x128xi32, #tpu.memory_space<vmem>> -> memref<128xi32, #tpu.memory_space<vmem>>
      %dma_wait3A_270 = arith.constant 0 : i32
      %dma_wait3A_271 = arith.constant 0 : i32
      %dma_wait3A_272 = tpu.memref_slice %arg3[%dma_wait3A_270, %dma_wait3A_271] : memref<1000000x64xf32, #tpu.memory_space<hbm>> -> memref<1000000x64xf32, #tpu.memory_space<hbm>>
      tpu.wait_indirect_dma semaphore(%arg13 : memref<!tpu.dma_semaphore, #tpu.memory_space<semaphore_mem>>) src(%dma_wait3A_272 : memref<1000000x64xf32, #tpu.memory_space<hbm>>) dst(%dma_wait3A_266 : memref<128x64xf32, #tpu.memory_space<vmem>>)
      %scan3A_273 = arith.constant 0 : i32
      %scan3A_274 = arith.constant 256 : i32
      %scan3A_275 = arith.addi %scan3A_273, %scan3A_274 : i32
      %scan3A_276 = arith.constant 8 : i32
      scf.for %scan3A_294 = %scan3A_273 to %scan3A_275 step %scan3A_276  : i32 {
        %mul3A_295 = arith.constant 1 : i32
        %mul3A_296 = arith.muli %scan3A_294, %mul3A_295 : i32
        %add3A_297 = arith.constant 0 : i32
        %add3A_298 = arith.addi %add3A_297, %mul3A_296 : i32
        %get3A = arith.index_cast %add3A_298 : i32 to index
        %get3A_299 = arith.constant 0 : index
        %get3A_300 = tpu.vector_load %arg9[%get3A, %get3A_299] {strides = array<i32>} : memref<256x64xf32, #tpu.memory_space<vmem>>, vector<1x16xf32>,
        %get3A_301 = vector.shape_cast %get3A_300 : vector<1x16xf32> to vector<16xf32>
        %mul3A_302 = arith.constant 8.000000e+00 : f32
        %mul3A_303 = vector.broadcast %mul3A_302 : f32 to vector<16xf32>
        %mul3A_304 = arith.mulf %get3A_301, %mul3A_303 : vector<16xf32>
        %swap3A = arith.index_cast %add3A_298 : i32 to index
        %swap3A_305 = arith.constant 0 : index
        %swap3A_306 = tpu.vector_load %arg9[%swap3A, %swap3A_305] {strides = array<i32>} : memref<256x64xf32, #tpu.memory_space<vmem>>, vector<1x16xf32>,
        %swap3A_307 = vector.shape_cast %swap3A_306 : vector<1x16xf32> to vector<16xf32>
        %swap3A_308 = vector.shape_cast %mul3A_304 : vector<16xf32> to vector<1x16xf32>
        tpu.vector_store %arg9[%swap3A, %swap3A_305], %swap3A_308 {strides = array<i32>} : memref<256x64xf32, #tpu.memory_space<vmem>>, vector<1x16xf32>,
        %get3A_309 = arith.index_cast %add3A_298 : i32 to index
        %get3A_310 = arith.constant 16 : index
        %get3A_311 = tpu.vector_load %arg9[%get3A_309, %get3A_310] {strides = array<i32>} : memref<256x64xf32, #tpu.memory_space<vmem>>, vector<1x16xf32>,
        %get3A_312 = vector.shape_cast %get3A_311 : vector<1x16xf32> to vector<16xf32>
        %mul3A_313 = arith.constant 8.000000e+00 : f32
        %mul3A_314 = vector.broadcast %mul3A_313 : f32 to vector<16xf32>
        %mul3A_315 = arith.mulf %get3A_312, %mul3A_314 : vector<16xf32>
        %swap3A_316 = arith.index_cast %add3A_298 : i32 to index
        %swap3A_317 = arith.constant 16 : index
        %swap3A_318 = tpu.vector_load %arg9[%swap3A_316, %swap3A_317] {strides = array<i32>} : memref<256x64xf32, #tpu.memory_space<vmem>>, vector<1x16xf32>,
        %swap3A_319 = vector.shape_cast %swap3A_318 : vector<1x16xf32> to vector<16xf32>
        %swap3A_320 = vector.shape_cast %mul3A_315 : vector<16xf32> to vector<1x16xf32>
        tpu.vector_store %arg9[%swap3A_316, %swap3A_317], %swap3A_320 {strides = array<i32>} : memref<256x64xf32, #tpu.memory_space<vmem>>, vector<1x16xf32>,
        %get3A_321 = arith.index_cast %add3A_298 : i32 to index
        %get3A_322 = arith.constant 32 : index
        %get3A_323 = tpu.vector_load %arg9[%get3A_321, %get3A_322] {strides = array<i32>} : memref<256x64xf32, #tpu.memory_space<vmem>>, vector<1x16xf32>,
        %get3A_324 = vector.shape_cast %get3A_323 : vector<1x16xf32> to vector<16xf32>
        %mul3A_325 = arith.constant 8.000000e+00 : f32
        %mul3A_326 = vector.broadcast %mul3A_325 : f32 to vector<16xf32>
        %mul3A_327 = arith.mulf %get3A_324, %mul3A_326 : vector<16xf32>
        %swap3A_328 = arith.index_cast %add3A_298 : i32 to index
        %swap3A_329 = arith.constant 32 : index
        %swap3A_330 = tpu.vector_load %arg9[%swap3A_328, %swap3A_329] {strides = array<i32>} : memref<256x64xf32, #tpu.memory_space<vmem>>, vector<1x16xf32>,
        %swap3A_331 = vector.shape_cast %swap3A_330 : vector<1x16xf32> to vector<16xf32>
        %swap3A_332 = vector.shape_cast %mul3A_327 : vector<16xf32> to vector<1x16xf32>
        tpu.vector_store %arg9[%swap3A_328, %swap3A_329], %swap3A_332 {strides = array<i32>} : memref<256x64xf32, #tpu.memory_space<vmem>>, vector<1x16xf32>,
        %get3A_333 = arith.index_cast %add3A_298 : i32 to index
        %get3A_334 = arith.constant 48 : index
        %get3A_335 = tpu.vector_load %arg9[%get3A_333, %get3A_334] {strides = array<i32>} : memref<256x64xf32, #tpu.memory_space<vmem>>, vector<1x16xf32>,
        %get3A_336 = vector.shape_cast %get3A_335 : vector<1x16xf32> to vector<16xf32>
        %mul3A_337 = arith.constant 8.000000e+00 : f32
        %mul3A_338 = vector.broadcast %mul3A_337 : f32 to vector<16xf32>
        %mul3A_339 = arith.mulf %get3A_336, %mul3A_338 : vector<16xf32>
        %swap3A_340 = arith.index_cast %add3A_298 : i32 to index
        %swap3A_341 = arith.constant 48 : index
        %swap3A_342 = tpu.vector_load %arg9[%swap3A_340, %swap3A_341] {strides = array<i32>} : memref<256x64xf32, #tpu.memory_space<vmem>>, vector<1x16xf32>,
        %swap3A_343 = vector.shape_cast %swap3A_342 : vector<1x16xf32> to vector<16xf32>
        %swap3A_344 = vector.shape_cast %mul3A_339 : vector<16xf32> to vector<1x16xf32>
        tpu.vector_store %arg9[%swap3A_340, %swap3A_341], %swap3A_344 {strides = array<i32>} : memref<256x64xf32, #tpu.memory_space<vmem>>, vector<1x16xf32>,
        %scan3A_345 = arith.constant 1 : i32
        %scan3A_346 = arith.addi %scan3A_294, %scan3A_345 : i32
        %mul3A_347 = arith.constant 1 : i32
        %mul3A_348 = arith.muli %scan3A_346, %mul3A_347 : i32
        %add3A_349 = arith.constant 0 : i32
        %add3A_350 = arith.addi %add3A_349, %mul3A_348 : i32
        %get3A_351 = arith.index_cast %add3A_350 : i32 to index
        %get3A_352 = arith.constant 0 : index
        %get3A_353 = tpu.vector_load %arg9[%get3A_351, %get3A_352] {strides = array<i32>} : memref<256x64xf32, #tpu.memory_space<vmem>>, vector<1x16xf32>,
        %get3A_354 = vector.shape_cast %get3A_353 : vector<1x16xf32> to vector<16xf32>
        %mul3A_355 = arith.constant 8.000000e+00 : f32
        %mul3A_356 = vector.broadcast %mul3A_355 : f32 to vector<16xf32>
        %mul3A_357 = arith.mulf %get3A_354, %mul3A_356 : vector<16xf32>
        %swap3A_358 = arith.index_cast %add3A_350 : i32 to index
        %swap3A_359 = arith.constant 0 : index
        %swap3A_360 = tpu.vector_load %arg9[%swap3A_358, %swap3A_359] {strides = array<i32>} : memref<256x64xf32, #tpu.memory_space<vmem>>, vector<1x16xf32>,
        %swap3A_361 = vector.shape_cast %swap3A_360 : vector<1x16xf32> to vector<16xf32>
        %swap3A_362 = vector.shape_cast %mul3A_357 : vector<16xf32> to vector<1x16xf32>
        tpu.vector_store %arg9[%swap3A_358, %swap3A_359], %swap3A_362 {strides = array<i32>} : memref<256x64xf32, #tpu.memory_space<vmem>>, vector<1x16xf32>,
        %get3A_363 = arith.index_cast %add3A_350 : i32 to index
        %get3A_364 = arith.constant 16 : index
        %get3A_365 = tpu.vector_load %arg9[%get3A_363, %get3A_364] {strides = array<i32>} : memref<256x64xf32, #tpu.memory_space<vmem>>, vector<1x16xf32>,
        %get3A_366 = vector.shape_cast %get3A_365 : vector<1x16xf32> to vector<16xf32>
        %mul3A_367 = arith.constant 8.000000e+00 : f32
        %mul3A_368 = vector.broadcast %mul3A_367 : f32 to vector<16xf32>
        %mul3A_369 = arith.mulf %get3A_366, %mul3A_368 : vector<16xf32>
        %swap3A_370 = arith.index_cast %add3A_350 : i32 to index
        %swap3A_371 = arith.constant 16 : index
        %swap3A_372 = tpu.vector_load %arg9[%swap3A_370, %swap3A_371] {strides = array<i32>} : memref<256x64xf32, #tpu.memory_space<vmem>>, vector<1x16xf32>,
        %swap3A_373 = vector.shape_cast %swap3A_372 : vector<1x16xf32> to vector<16xf32>
        %swap3A_374 = vector.shape_cast %mul3A_369 : vector<16xf32> to vector<1x16xf32>
        tpu.vector_store %arg9[%swap3A_370, %swap3A_371], %swap3A_374 {strides = array<i32>} : memref<256x64xf32, #tpu.memory_space<vmem>>, vector<1x16xf32>,
        %get3A_375 = arith.index_cast %add3A_350 : i32 to index
        %get3A_376 = arith.constant 32 : index
        %get3A_377 = tpu.vector_load %arg9[%get3A_375, %get3A_376] {strides = array<i32>} : memref<256x64xf32, #tpu.memory_space<vmem>>, vector<1x16xf32>,
        %get3A_378 = vector.shape_cast %get3A_377 : vector<1x16xf32> to vector<16xf32>
        %mul3A_379 = arith.constant 8.000000e+00 : f32
        %mul3A_380 = vector.broadcast %mul3A_379 : f32 to vector<16xf32>
        %mul3A_381 = arith.mulf %get3A_378, %mul3A_380 : vector<16xf32>
        %swap3A_382 = arith.index_cast %add3A_350 : i32 to index
        %swap3A_383 = arith.constant 32 : index
        %swap3A_384 = tpu.vector_load %arg9[%swap3A_382, %swap3A_383] {strides = array<i32>} : memref<256x64xf32, #tpu.memory_space<vmem>>, vector<1x16xf32>,
        %swap3A_385 = vector.shape_cast %swap3A_384 : vector<1x16xf32> to vector<16xf32>
        %swap3A_386 = vector.shape_cast %mul3A_381 : vector<16xf32> to vector<1x16xf32>
        tpu.vector_store %arg9[%swap3A_382, %swap3A_383], %swap3A_386 {strides = array<i32>} : memref<256x64xf32, #tpu.memory_space<vmem>>, vector<1x16xf32>,
        %get3A_387 = arith.index_cast %add3A_350 : i32 to index
        %get3A_388 = arith.constant 48 : index
        %get3A_389 = tpu.vector_load %arg9[%get3A_387, %get3A_388] {strides = array<i32>} : memref<256x64xf32, #tpu.memory_space<vmem>>, vector<1x16xf32>,
        %get3A_390 = vector.shape_cast %get3A_389 : vector<1x16xf32> to vector<16xf32>
        %mul3A_391 = arith.constant 8.000000e+00 : f32
        %mul3A_392 = vector.broadcast %mul3A_391 : f32 to vector<16xf32>
        %mul3A_393 = arith.mulf %get3A_390, %mul3A_392 : vector<16xf32>
        %swap3A_394 = arith.index_cast %add3A_350 : i32 to index
        %swap3A_395 = arith.constant 48 : index
        %swap3A_396 = tpu.vector_load %arg9[%swap3A_394, %swap3A_395] {strides = array<i32>} : memref<256x64xf32, #tpu.memory_space<vmem>>, vector<1x16xf32>,
        %swap3A_397 = vector.shape_cast %swap3A_396 : vector<1x16xf32> to vector<16xf32>
        %swap3A_398 = vector.shape_cast %mul3A_393 : vector<16xf32> to vector<1x16xf32>
        tpu.vector_store %arg9[%swap3A_394, %swap3A_395], %swap3A_398 {strides = array<i32>} : memref<256x64xf32, #tpu.memory_space<vmem>>, vector<1x16xf32>,
        %scan3A_399 = arith.constant 2 : i32
        %scan3A_400 = arith.addi %scan3A_294, %scan3A_399 : i32
        %mul3A_401 = arith.constant 1 : i32
        %mul3A_402 = arith.muli %scan3A_400, %mul3A_401 : i32
        %add3A_403 = arith.constant 0 : i32
        %add3A_404 = arith.addi %add3A_403, %mul3A_402 : i32
        %get3A_405 = arith.index_cast %add3A_404 : i32 to index
        %get3A_406 = arith.constant 0 : index
        %get3A_407 = tpu.vector_load %arg9[%get3A_405, %get3A_406] {strides = array<i32>} : memref<256x64xf32, #tpu.memory_space<vmem>>, vector<1x16xf32>,
        %get3A_408 = vector.shape_cast %get3A_407 : vector<1x16xf32> to vector<16xf32>
        %mul3A_409 = arith.constant 8.000000e+00 : f32
        %mul3A_410 = vector.broadcast %mul3A_409 : f32 to vector<16xf32>
        %mul3A_411 = arith.mulf %get3A_408, %mul3A_410 : vector<16xf32>
        %swap3A_412 = arith.index_cast %add3A_404 : i32 to index
        %swap3A_413 = arith.constant 0 : index
        %swap3A_414 = tpu.vector_load %arg9[%swap3A_412, %swap3A_413] {strides = array<i32>} : memref<256x64xf32, #tpu.memory_space<vmem>>, vector<1x16xf32>,
        %swap3A_415 = vector.shape_cast %swap3A_414 : vector<1x16xf32> to vector<16xf32>
        %swap3A_416 = vector.shape_cast %mul3A_411 : vector<16xf32> to vector<1x16xf32>
        tpu.vector_store %arg9[%swap3A_412, %swap3A_413], %swap3A_416 {strides = array<i32>} : memref<256x64xf32, #tpu.memory_space<vmem>>, vector<1x16xf32>,
        %get3A_417 = arith.index_cast %add3A_404 : i32 to index
        %get3A_418 = arith.constant 16 : index
        %get3A_419 = tpu.vector_load %arg9[%get3A_417, %get3A_418] {strides = array<i32>} : memref<256x64xf32, #tpu.memory_space<vmem>>, vector<1x16xf32>,
        %get3A_420 = vector.shape_cast %get3A_419 : vector<1x16xf32> to vector<16xf32>
        %mul3A_421 = arith.constant 8.000000e+00 : f32
        %mul3A_422 = vector.broadcast %mul3A_421 : f32 to vector<16xf32>
        %mul3A_423 = arith.mulf %get3A_420, %mul3A_422 : vector<16xf32>
        %swap3A_424 = arith.index_cast %add3A_404 : i32 to index
        %swap3A_425 = arith.constant 16 : index
        %swap3A_426 = tpu.vector_load %arg9[%swap3A_424, %swap3A_425] {strides = array<i32>} : memref<256x64xf32, #tpu.memory_space<vmem>>, vector<1x16xf32>,
        %swap3A_427 = vector.shape_cast %swap3A_426 : vector<1x16xf32> to vector<16xf32>
        %swap3A_428 = vector.shape_cast %mul3A_423 : vector<16xf32> to vector<1x16xf32>
        tpu.vector_store %arg9[%swap3A_424, %swap3A_425], %swap3A_428 {strides = array<i32>} : memref<256x64xf32, #tpu.memory_space<vmem>>, vector<1x16xf32>,
        %get3A_429 = arith.index_cast %add3A_404 : i32 to index
        %get3A_430 = arith.constant 32 : index
        %get3A_431 = tpu.vector_load %arg9[%get3A_429, %get3A_430] {strides = array<i32>} : memref<256x64xf32, #tpu.memory_space<vmem>>, vector<1x16xf32>,
        %get3A_432 = vector.shape_cast %get3A_431 : vector<1x16xf32> to vector<16xf32>
        %mul3A_433 = arith.constant 8.000000e+00 : f32
        %mul3A_434 = vector.broadcast %mul3A_433 : f32 to vector<16xf32>
        %mul3A_435 = arith.mulf %get3A_432, %mul3A_434 : vector<16xf32>
        %swap3A_436 = arith.index_cast %add3A_404 : i32 to index
        %swap3A_437 = arith.constant 32 : index
        %swap3A_438 = tpu.vector_load %arg9[%swap3A_436, %swap3A_437] {strides = array<i32>} : memref<256x64xf32, #tpu.memory_space<vmem>>, vector<1x16xf32>,
        %swap3A_439 = vector.shape_cast %swap3A_438 : vector<1x16xf32> to vector<16xf32>
        %swap3A_440 = vector.shape_cast %mul3A_435 : vector<16xf32> to vector<1x16xf32>
        tpu.vector_store %arg9[%swap3A_436, %swap3A_437], %swap3A_440 {strides = array<i32>} : memref<256x64xf32, #tpu.memory_space<vmem>>, vector<1x16xf32>,
        %get3A_441 = arith.index_cast %add3A_404 : i32 to index
        %get3A_442 = arith.constant 48 : index
        %get3A_443 = tpu.vector_load %arg9[%get3A_441, %get3A_442] {strides = array<i32>} : memref<256x64xf32, #tpu.memory_space<vmem>>, vector<1x16xf32>,
        %get3A_444 = vector.shape_cast %get3A_443 : vector<1x16xf32> to vector<16xf32>
        %mul3A_445 = arith.constant 8.000000e+00 : f32
        %mul3A_446 = vector.broadcast %mul3A_445 : f32 to vector<16xf32>
        %mul3A_447 = arith.mulf %get3A_444, %mul3A_446 : vector<16xf32>
        %swap3A_448 = arith.index_cast %add3A_404 : i32 to index
        %swap3A_449 = arith.constant 48 : index
        %swap3A_450 = tpu.vector_load %arg9[%swap3A_448, %swap3A_449] {strides = array<i32>} : memref<256x64xf32, #tpu.memory_space<vmem>>, vector<1x16xf32>,
        %swap3A_451 = vector.shape_cast %swap3A_450 : vector<1x16xf32> to vector<16xf32>
        %swap3A_452 = vector.shape_cast %mul3A_447 : vector<16xf32> to vector<1x16xf32>
        tpu.vector_store %arg9[%swap3A_448, %swap3A_449], %swap3A_452 {strides = array<i32>} : memref<256x64xf32, #tpu.memory_space<vmem>>, vector<1x16xf32>,
        %scan3A_453 = arith.constant 3 : i32
        %scan3A_454 = arith.addi %scan3A_294, %scan3A_453 : i32
        %mul3A_455 = arith.constant 1 : i32
        %mul3A_456 = arith.muli %scan3A_454, %mul3A_455 : i32
        %add3A_457 = arith.constant 0 : i32
        %add3A_458 = arith.addi %add3A_457, %mul3A_456 : i32
        %get3A_459 = arith.index_cast %add3A_458 : i32 to index
        %get3A_460 = arith.constant 0 : index
        %get3A_461 = tpu.vector_load %arg9[%get3A_459, %get3A_460] {strides = array<i32>} : memref<256x64xf32, #tpu.memory_space<vmem>>, vector<1x16xf32>,
        %get3A_462 = vector.shape_cast %get3A_461 : vector<1x16xf32> to vector<16xf32>
        %mul3A_463 = arith.constant 8.000000e+00 : f32
        %mul3A_464 = vector.broadcast %mul3A_463 : f32 to vector<16xf32>
        %mul3A_465 = arith.mulf %get3A_462, %mul3A_464 : vector<16xf32>
        %swap3A_466 = arith.index_cast %add3A_458 : i32 to index
        %swap3A_467 = arith.constant 0 : index
        %swap3A_468 = tpu.vector_load %arg9[%swap3A_466, %swap3A_467] {strides = array<i32>} : memref<256x64xf32, #tpu.memory_space<vmem>>, vector<1x16xf32>,
        %swap3A_469 = vector.shape_cast %swap3A_468 : vector<1x16xf32> to vector<16xf32>
        %swap3A_470 = vector.shape_cast %mul3A_465 : vector<16xf32> to vector<1x16xf32>
        tpu.vector_store %arg9[%swap3A_466, %swap3A_467], %swap3A_470 {strides = array<i32>} : memref<256x64xf32, #tpu.memory_space<vmem>>, vector<1x16xf32>,
        %get3A_471 = arith.index_cast %add3A_458 : i32 to index
        %get3A_472 = arith.constant 16 : index
        %get3A_473 = tpu.vector_load %arg9[%get3A_471, %get3A_472] {strides = array<i32>} : memref<256x64xf32, #tpu.memory_space<vmem>>, vector<1x16xf32>,
        %get3A_474 = vector.shape_cast %get3A_473 : vector<1x16xf32> to vector<16xf32>
        %mul3A_475 = arith.constant 8.000000e+00 : f32
        %mul3A_476 = vector.broadcast %mul3A_475 : f32 to vector<16xf32>
        %mul3A_477 = arith.mulf %get3A_474, %mul3A_476 : vector<16xf32>
        %swap3A_478 = arith.index_cast %add3A_458 : i32 to index
        %swap3A_479 = arith.constant 16 : index
        %swap3A_480 = tpu.vector_load %arg9[%swap3A_478, %swap3A_479] {strides = array<i32>} : memref<256x64xf32, #tpu.memory_space<vmem>>, vector<1x16xf32>,
        %swap3A_481 = vector.shape_cast %swap3A_480 : vector<1x16xf32> to vector<16xf32>
        %swap3A_482 = vector.shape_cast %mul3A_477 : vector<16xf32> to vector<1x16xf32>
        tpu.vector_store %arg9[%swap3A_478, %swap3A_479], %swap3A_482 {strides = array<i32>} : memref<256x64xf32, #tpu.memory_space<vmem>>, vector<1x16xf32>,
        %get3A_483 = arith.index_cast %add3A_458 : i32 to index
        %get3A_484 = arith.constant 32 : index
        %get3A_485 = tpu.vector_load %arg9[%get3A_483, %get3A_484] {strides = array<i32>} : memref<256x64xf32, #tpu.memory_space<vmem>>, vector<1x16xf32>,
        %get3A_486 = vector.shape_cast %get3A_485 : vector<1x16xf32> to vector<16xf32>
        %mul3A_487 = arith.constant 8.000000e+00 : f32
        %mul3A_488 = vector.broadcast %mul3A_487 : f32 to vector<16xf32>
        %mul3A_489 = arith.mulf %get3A_486, %mul3A_488 : vector<16xf32>
        %swap3A_490 = arith.index_cast %add3A_458 : i32 to index
        %swap3A_491 = arith.constant 32 : index
        %swap3A_492 = tpu.vector_load %arg9[%swap3A_490, %swap3A_491] {strides = array<i32>} : memref<256x64xf32, #tpu.memory_space<vmem>>, vector<1x16xf32>,
        %swap3A_493 = vector.shape_cast %swap3A_492 : vector<1x16xf32> to vector<16xf32>
        %swap3A_494 = vector.shape_cast %mul3A_489 : vector<16xf32> to vector<1x16xf32>
        tpu.vector_store %arg9[%swap3A_490, %swap3A_491], %swap3A_494 {strides = array<i32>} : memref<256x64xf32, #tpu.memory_space<vmem>>, vector<1x16xf32>,
        %get3A_495 = arith.index_cast %add3A_458 : i32 to index
        %get3A_496 = arith.constant 48 : index
        %get3A_497 = tpu.vector_load %arg9[%get3A_495, %get3A_496] {strides = array<i32>} : memref<256x64xf32, #tpu.memory_space<vmem>>, vector<1x16xf32>,
        %get3A_498 = vector.shape_cast %get3A_497 : vector<1x16xf32> to vector<16xf32>
        %mul3A_499 = arith.constant 8.000000e+00 : f32
        %mul3A_500 = vector.broadcast %mul3A_499 : f32 to vector<16xf32>
        %mul3A_501 = arith.mulf %get3A_498, %mul3A_500 : vector<16xf32>
        %swap3A_502 = arith.index_cast %add3A_458 : i32 to index
        %swap3A_503 = arith.constant 48 : index
        %swap3A_504 = tpu.vector_load %arg9[%swap3A_502, %swap3A_503] {strides = array<i32>} : memref<256x64xf32, #tpu.memory_space<vmem>>, vector<1x16xf32>,
        %swap3A_505 = vector.shape_cast %swap3A_504 : vector<1x16xf32> to vector<16xf32>
        %swap3A_506 = vector.shape_cast %mul3A_501 : vector<16xf32> to vector<1x16xf32>
        tpu.vector_store %arg9[%swap3A_502, %swap3A_503], %swap3A_506 {strides = array<i32>} : memref<256x64xf32, #tpu.memory_space<vmem>>, vector<1x16xf32>,
        %scan3A_507 = arith.constant 4 : i32
        %scan3A_508 = arith.addi %scan3A_294, %scan3A_507 : i32
        %mul3A_509 = arith.constant 1 : i32
        %mul3A_510 = arith.muli %scan3A_508, %mul3A_509 : i32
        %add3A_511 = arith.constant 0 : i32
        %add3A_512 = arith.addi %add3A_511, %mul3A_510 : i32
        %get3A_513 = arith.index_cast %add3A_512 : i32 to index
        %get3A_514 = arith.constant 0 : index
        %get3A_515 = tpu.vector_load %arg9[%get3A_513, %get3A_514] {strides = array<i32>} : memref<256x64xf32, #tpu.memory_space<vmem>>, vector<1x16xf32>,
        %get3A_516 = vector.shape_cast %get3A_515 : vector<1x16xf32> to vector<16xf32>
        %mul3A_517 = arith.constant 8.000000e+00 : f32
        %mul3A_518 = vector.broadcast %mul3A_517 : f32 to vector<16xf32>
        %mul3A_519 = arith.mulf %get3A_516, %mul3A_518 : vector<16xf32>
        %swap3A_520 = arith.index_cast %add3A_512 : i32 to index
        %swap3A_521 = arith.constant 0 : index
        %swap3A_522 = tpu.vector_load %arg9[%swap3A_520, %swap3A_521] {strides = array<i32>} : memref<256x64xf32, #tpu.memory_space<vmem>>, vector<1x16xf32>,
        %swap3A_523 = vector.shape_cast %swap3A_522 : vector<1x16xf32> to vector<16xf32>
        %swap3A_524 = vector.shape_cast %mul3A_519 : vector<16xf32> to vector<1x16xf32>
        tpu.vector_store %arg9[%swap3A_520, %swap3A_521], %swap3A_524 {strides = array<i32>} : memref<256x64xf32, #tpu.memory_space<vmem>>, vector<1x16xf32>,
        %get3A_525 = arith.index_cast %add3A_512 : i32 to index
        %get3A_526 = arith.constant 16 : index
        %get3A_527 = tpu.vector_load %arg9[%get3A_525, %get3A_526] {strides = array<i32>} : memref<256x64xf32, #tpu.memory_space<vmem>>, vector<1x16xf32>,
        %get3A_528 = vector.shape_cast %get3A_527 : vector<1x16xf32> to vector<16xf32>
        %mul3A_529 = arith.constant 8.000000e+00 : f32
        %mul3A_530 = vector.broadcast %mul3A_529 : f32 to vector<16xf32>
        %mul3A_531 = arith.mulf %get3A_528, %mul3A_530 : vector<16xf32>
        %swap3A_532 = arith.index_cast %add3A_512 : i32 to index
        %swap3A_533 = arith.constant 16 : index
        %swap3A_534 = tpu.vector_load %arg9[%swap3A_532, %swap3A_533] {strides = array<i32>} : memref<256x64xf32, #tpu.memory_space<vmem>>, vector<1x16xf32>,
        %swap3A_535 = vector.shape_cast %swap3A_534 : vector<1x16xf32> to vector<16xf32>
        %swap3A_536 = vector.shape_cast %mul3A_531 : vector<16xf32> to vector<1x16xf32>
        tpu.vector_store %arg9[%swap3A_532, %swap3A_533], %swap3A_536 {strides = array<i32>} : memref<256x64xf32, #tpu.memory_space<vmem>>, vector<1x16xf32>,
        %get3A_537 = arith.index_cast %add3A_512 : i32 to index
        %get3A_538 = arith.constant 32 : index
        %get3A_539 = tpu.vector_load %arg9[%get3A_537, %get3A_538] {strides = array<i32>} : memref<256x64xf32, #tpu.memory_space<vmem>>, vector<1x16xf32>,
        %get3A_540 = vector.shape_cast %get3A_539 : vector<1x16xf32> to vector<16xf32>
        %mul3A_541 = arith.constant 8.000000e+00 : f32
        %mul3A_542 = vector.broadcast %mul3A_541 : f32 to vector<16xf32>
        %mul3A_543 = arith.mulf %get3A_540, %mul3A_542 : vector<16xf32>
        %swap3A_544 = arith.index_cast %add3A_512 : i32 to index
        %swap3A_545 = arith.constant 32 : index
        %swap3A_546 = tpu.vector_load %arg9[%swap3A_544, %swap3A_545] {strides = array<i32>} : memref<256x64xf32, #tpu.memory_space<vmem>>, vector<1x16xf32>,
        %swap3A_547 = vector.shape_cast %swap3A_546 : vector<1x16xf32> to vector<16xf32>
        %swap3A_548 = vector.shape_cast %mul3A_543 : vector<16xf32> to vector<1x16xf32>
        tpu.vector_store %arg9[%swap3A_544, %swap3A_545], %swap3A_548 {strides = array<i32>} : memref<256x64xf32, #tpu.memory_space<vmem>>, vector<1x16xf32>,
        %get3A_549 = arith.index_cast %add3A_512 : i32 to index
        %get3A_550 = arith.constant 48 : index
        %get3A_551 = tpu.vector_load %arg9[%get3A_549, %get3A_550] {strides = array<i32>} : memref<256x64xf32, #tpu.memory_space<vmem>>, vector<1x16xf32>,
        %get3A_552 = vector.shape_cast %get3A_551 : vector<1x16xf32> to vector<16xf32>
        %mul3A_553 = arith.constant 8.000000e+00 : f32
        %mul3A_554 = vector.broadcast %mul3A_553 : f32 to vector<16xf32>
        %mul3A_555 = arith.mulf %get3A_552, %mul3A_554 : vector<16xf32>
        %swap3A_556 = arith.index_cast %add3A_512 : i32 to index
        %swap3A_557 = arith.constant 48 : index
        %swap3A_558 = tpu.vector_load %arg9[%swap3A_556, %swap3A_557] {strides = array<i32>} : memref<256x64xf32, #tpu.memory_space<vmem>>, vector<1x16xf32>,
        %swap3A_559 = vector.shape_cast %swap3A_558 : vector<1x16xf32> to vector<16xf32>
        %swap3A_560 = vector.shape_cast %mul3A_555 : vector<16xf32> to vector<1x16xf32>
        tpu.vector_store %arg9[%swap3A_556, %swap3A_557], %swap3A_560 {strides = array<i32>} : memref<256x64xf32, #tpu.memory_space<vmem>>, vector<1x16xf32>,
        %scan3A_561 = arith.constant 5 : i32
        %scan3A_562 = arith.addi %scan3A_294, %scan3A_561 : i32
        %mul3A_563 = arith.constant 1 : i32
        %mul3A_564 = arith.muli %scan3A_562, %mul3A_563 : i32
        %add3A_565 = arith.constant 0 : i32
        %add3A_566 = arith.addi %add3A_565, %mul3A_564 : i32
        %get3A_567 = arith.index_cast %add3A_566 : i32 to index
        %get3A_568 = arith.constant 0 : index
        %get3A_569 = tpu.vector_load %arg9[%get3A_567, %get3A_568] {strides = array<i32>} : memref<256x64xf32, #tpu.memory_space<vmem>>, vector<1x16xf32>,
        %get3A_570 = vector.shape_cast %get3A_569 : vector<1x16xf32> to vector<16xf32>
        %mul3A_571 = arith.constant 8.000000e+00 : f32
        %mul3A_572 = vector.broadcast %mul3A_571 : f32 to vector<16xf32>
        %mul3A_573 = arith.mulf %get3A_570, %mul3A_572 : vector<16xf32>
        %swap3A_574 = arith.index_cast %add3A_566 : i32 to index
        %swap3A_575 = arith.constant 0 : index
        %swap3A_576 = tpu.vector_load %arg9[%swap3A_574, %swap3A_575] {strides = array<i32>} : memref<256x64xf32, #tpu.memory_space<vmem>>, vector<1x16xf32>,
        %swap3A_577 = vector.shape_cast %swap3A_576 : vector<1x16xf32> to vector<16xf32>
        %swap3A_578 = vector.shape_cast %mul3A_573 : vector<16xf32> to vector<1x16xf32>
        tpu.vector_store %arg9[%swap3A_574, %swap3A_575], %swap3A_578 {strides = array<i32>} : memref<256x64xf32, #tpu.memory_space<vmem>>, vector<1x16xf32>,
        %get3A_579 = arith.index_cast %add3A_566 : i32 to index
        %get3A_580 = arith.constant 16 : index
        %get3A_581 = tpu.vector_load %arg9[%get3A_579, %get3A_580] {strides = array<i32>} : memref<256x64xf32, #tpu.memory_space<vmem>>, vector<1x16xf32>,
        %get3A_582 = vector.shape_cast %get3A_581 : vector<1x16xf32> to vector<16xf32>
        %mul3A_583 = arith.constant 8.000000e+00 : f32
        %mul3A_584 = vector.broadcast %mul3A_583 : f32 to vector<16xf32>
        %mul3A_585 = arith.mulf %get3A_582, %mul3A_584 : vector<16xf32>
        %swap3A_586 = arith.index_cast %add3A_566 : i32 to index
        %swap3A_587 = arith.constant 16 : index
        %swap3A_588 = tpu.vector_load %arg9[%swap3A_586, %swap3A_587] {strides = array<i32>} : memref<256x64xf32, #tpu.memory_space<vmem>>, vector<1x16xf32>,
        %swap3A_589 = vector.shape_cast %swap3A_588 : vector<1x16xf32> to vector<16xf32>
        %swap3A_590 = vector.shape_cast %mul3A_585 : vector<16xf32> to vector<1x16xf32>
        tpu.vector_store %arg9[%swap3A_586, %swap3A_587], %swap3A_590 {strides = array<i32>} : memref<256x64xf32, #tpu.memory_space<vmem>>, vector<1x16xf32>,
        %get3A_591 = arith.index_cast %add3A_566 : i32 to index
        %get3A_592 = arith.constant 32 : index
        %get3A_593 = tpu.vector_load %arg9[%get3A_591, %get3A_592] {strides = array<i32>} : memref<256x64xf32, #tpu.memory_space<vmem>>, vector<1x16xf32>,
        %get3A_594 = vector.shape_cast %get3A_593 : vector<1x16xf32> to vector<16xf32>
        %mul3A_595 = arith.constant 8.000000e+00 : f32
        %mul3A_596 = vector.broadcast %mul3A_595 : f32 to vector<16xf32>
        %mul3A_597 = arith.mulf %get3A_594, %mul3A_596 : vector<16xf32>
        %swap3A_598 = arith.index_cast %add3A_566 : i32 to index
        %swap3A_599 = arith.constant 32 : index
        %swap3A_600 = tpu.vector_load %arg9[%swap3A_598, %swap3A_599] {strides = array<i32>} : memref<256x64xf32, #tpu.memory_space<vmem>>, vector<1x16xf32>,
        %swap3A_601 = vector.shape_cast %swap3A_600 : vector<1x16xf32> to vector<16xf32>
        %swap3A_602 = vector.shape_cast %mul3A_597 : vector<16xf32> to vector<1x16xf32>
        tpu.vector_store %arg9[%swap3A_598, %swap3A_599], %swap3A_602 {strides = array<i32>} : memref<256x64xf32, #tpu.memory_space<vmem>>, vector<1x16xf32>,
        %get3A_603 = arith.index_cast %add3A_566 : i32 to index
        %get3A_604 = arith.constant 48 : index
        %get3A_605 = tpu.vector_load %arg9[%get3A_603, %get3A_604] {strides = array<i32>} : memref<256x64xf32, #tpu.memory_space<vmem>>, vector<1x16xf32>,
        %get3A_606 = vector.shape_cast %get3A_605 : vector<1x16xf32> to vector<16xf32>
        %mul3A_607 = arith.constant 8.000000e+00 : f32
        %mul3A_608 = vector.broadcast %mul3A_607 : f32 to vector<16xf32>
        %mul3A_609 = arith.mulf %get3A_606, %mul3A_608 : vector<16xf32>
        %swap3A_610 = arith.index_cast %add3A_566 : i32 to index
        %swap3A_611 = arith.constant 48 : index
        %swap3A_612 = tpu.vector_load %arg9[%swap3A_610, %swap3A_611] {strides = array<i32>} : memref<256x64xf32, #tpu.memory_space<vmem>>, vector<1x16xf32>,
        %swap3A_613 = vector.shape_cast %swap3A_612 : vector<1x16xf32> to vector<16xf32>
        %swap3A_614 = vector.shape_cast %mul3A_609 : vector<16xf32> to vector<1x16xf32>
        tpu.vector_store %arg9[%swap3A_610, %swap3A_611], %swap3A_614 {strides = array<i32>} : memref<256x64xf32, #tpu.memory_space<vmem>>, vector<1x16xf32>,
        %scan3A_615 = arith.constant 6 : i32
        %scan3A_616 = arith.addi %scan3A_294, %scan3A_615 : i32
        %mul3A_617 = arith.constant 1 : i32
        %mul3A_618 = arith.muli %scan3A_616, %mul3A_617 : i32
        %add3A_619 = arith.constant 0 : i32
        %add3A_620 = arith.addi %add3A_619, %mul3A_618 : i32
        %get3A_621 = arith.index_cast %add3A_620 : i32 to index
        %get3A_622 = arith.constant 0 : index
        %get3A_623 = tpu.vector_load %arg9[%get3A_621, %get3A_622] {strides = array<i32>} : memref<256x64xf32, #tpu.memory_space<vmem>>, vector<1x16xf32>,
        %get3A_624 = vector.shape_cast %get3A_623 : vector<1x16xf32> to vector<16xf32>
        %mul3A_625 = arith.constant 8.000000e+00 : f32
        %mul3A_626 = vector.broadcast %mul3A_625 : f32 to vector<16xf32>
        %mul3A_627 = arith.mulf %get3A_624, %mul3A_626 : vector<16xf32>
        %swap3A_628 = arith.index_cast %add3A_620 : i32 to index
        %swap3A_629 = arith.constant 0 : index
        %swap3A_630 = tpu.vector_load %arg9[%swap3A_628, %swap3A_629] {strides = array<i32>} : memref<256x64xf32, #tpu.memory_space<vmem>>, vector<1x16xf32>,
        %swap3A_631 = vector.shape_cast %swap3A_630 : vector<1x16xf32> to vector<16xf32>
        %swap3A_632 = vector.shape_cast %mul3A_627 : vector<16xf32> to vector<1x16xf32>
        tpu.vector_store %arg9[%swap3A_628, %swap3A_629], %swap3A_632 {strides = array<i32>} : memref<256x64xf32, #tpu.memory_space<vmem>>, vector<1x16xf32>,
        %get3A_633 = arith.index_cast %add3A_620 : i32 to index
        %get3A_634 = arith.constant 16 : index
        %get3A_635 = tpu.vector_load %arg9[%get3A_633, %get3A_634] {strides = array<i32>} : memref<256x64xf32, #tpu.memory_space<vmem>>, vector<1x16xf32>,
        %get3A_636 = vector.shape_cast %get3A_635 : vector<1x16xf32> to vector<16xf32>
        %mul3A_637 = arith.constant 8.000000e+00 : f32
        %mul3A_638 = vector.broadcast %mul3A_637 : f32 to vector<16xf32>
        %mul3A_639 = arith.mulf %get3A_636, %mul3A_638 : vector<16xf32>
        %swap3A_640 = arith.index_cast %add3A_620 : i32 to index
        %swap3A_641 = arith.constant 16 : index
        %swap3A_642 = tpu.vector_load %arg9[%swap3A_640, %swap3A_641] {strides = array<i32>} : memref<256x64xf32, #tpu.memory_space<vmem>>, vector<1x16xf32>,
        %swap3A_643 = vector.shape_cast %swap3A_642 : vector<1x16xf32> to vector<16xf32>
        %swap3A_644 = vector.shape_cast %mul3A_639 : vector<16xf32> to vector<1x16xf32>
        tpu.vector_store %arg9[%swap3A_640, %swap3A_641], %swap3A_644 {strides = array<i32>} : memref<256x64xf32, #tpu.memory_space<vmem>>, vector<1x16xf32>,
        %get3A_645 = arith.index_cast %add3A_620 : i32 to index
        %get3A_646 = arith.constant 32 : index
        %get3A_647 = tpu.vector_load %arg9[%get3A_645, %get3A_646] {strides = array<i32>} : memref<256x64xf32, #tpu.memory_space<vmem>>, vector<1x16xf32>,
        %get3A_648 = vector.shape_cast %get3A_647 : vector<1x16xf32> to vector<16xf32>
        %mul3A_649 = arith.constant 8.000000e+00 : f32
        %mul3A_650 = vector.broadcast %mul3A_649 : f32 to vector<16xf32>
        %mul3A_651 = arith.mulf %get3A_648, %mul3A_650 : vector<16xf32>
        %swap3A_652 = arith.index_cast %add3A_620 : i32 to index
        %swap3A_653 = arith.constant 32 : index
        %swap3A_654 = tpu.vector_load %arg9[%swap3A_652, %swap3A_653] {strides = array<i32>} : memref<256x64xf32, #tpu.memory_space<vmem>>, vector<1x16xf32>,
        %swap3A_655 = vector.shape_cast %swap3A_654 : vector<1x16xf32> to vector<16xf32>
        %swap3A_656 = vector.shape_cast %mul3A_651 : vector<16xf32> to vector<1x16xf32>
        tpu.vector_store %arg9[%swap3A_652, %swap3A_653], %swap3A_656 {strides = array<i32>} : memref<256x64xf32, #tpu.memory_space<vmem>>, vector<1x16xf32>,
        %get3A_657 = arith.index_cast %add3A_620 : i32 to index
        %get3A_658 = arith.constant 48 : index
        %get3A_659 = tpu.vector_load %arg9[%get3A_657, %get3A_658] {strides = array<i32>} : memref<256x64xf32, #tpu.memory_space<vmem>>, vector<1x16xf32>,
        %get3A_660 = vector.shape_cast %get3A_659 : vector<1x16xf32> to vector<16xf32>
        %mul3A_661 = arith.constant 8.000000e+00 : f32
        %mul3A_662 = vector.broadcast %mul3A_661 : f32 to vector<16xf32>
        %mul3A_663 = arith.mulf %get3A_660, %mul3A_662 : vector<16xf32>
        %swap3A_664 = arith.index_cast %add3A_620 : i32 to index
        %swap3A_665 = arith.constant 48 : index
        %swap3A_666 = tpu.vector_load %arg9[%swap3A_664, %swap3A_665] {strides = array<i32>} : memref<256x64xf32, #tpu.memory_space<vmem>>, vector<1x16xf32>,
        %swap3A_667 = vector.shape_cast %swap3A_666 : vector<1x16xf32> to vector<16xf32>
        %swap3A_668 = vector.shape_cast %mul3A_663 : vector<16xf32> to vector<1x16xf32>
        tpu.vector_store %arg9[%swap3A_664, %swap3A_665], %swap3A_668 {strides = array<i32>} : memref<256x64xf32, #tpu.memory_space<vmem>>, vector<1x16xf32>,
        %scan3A_669 = arith.constant 7 : i32
        %scan3A_670 = arith.addi %scan3A_294, %scan3A_669 : i32
        %mul3A_671 = arith.constant 1 : i32
        %mul3A_672 = arith.muli %scan3A_670, %mul3A_671 : i32
        %add3A_673 = arith.constant 0 : i32
        %add3A_674 = arith.addi %add3A_673, %mul3A_672 : i32
        %get3A_675 = arith.index_cast %add3A_674 : i32 to index
        %get3A_676 = arith.constant 0 : index
        %get3A_677 = tpu.vector_load %arg9[%get3A_675, %get3A_676] {strides = array<i32>} : memref<256x64xf32, #tpu.memory_space<vmem>>, vector<1x16xf32>,
        %get3A_678 = vector.shape_cast %get3A_677 : vector<1x16xf32> to vector<16xf32>
        %mul3A_679 = arith.constant 8.000000e+00 : f32
        %mul3A_680 = vector.broadcast %mul3A_679 : f32 to vector<16xf32>
        %mul3A_681 = arith.mulf %get3A_678, %mul3A_680 : vector<16xf32>
        %swap3A_682 = arith.index_cast %add3A_674 : i32 to index
        %swap3A_683 = arith.constant 0 : index
        %swap3A_684 = tpu.vector_load %arg9[%swap3A_682, %swap3A_683] {strides = array<i32>} : memref<256x64xf32, #tpu.memory_space<vmem>>, vector<1x16xf32>,
        %swap3A_685 = vector.shape_cast %swap3A_684 : vector<1x16xf32> to vector<16xf32>
        %swap3A_686 = vector.shape_cast %mul3A_681 : vector<16xf32> to vector<1x16xf32>
        tpu.vector_store %arg9[%swap3A_682, %swap3A_683], %swap3A_686 {strides = array<i32>} : memref<256x64xf32, #tpu.memory_space<vmem>>, vector<1x16xf32>,
        %get3A_687 = arith.index_cast %add3A_674 : i32 to index
        %get3A_688 = arith.constant 16 : index
        %get3A_689 = tpu.vector_load %arg9[%get3A_687, %get3A_688] {strides = array<i32>} : memref<256x64xf32, #tpu.memory_space<vmem>>, vector<1x16xf32>,
        %get3A_690 = vector.shape_cast %get3A_689 : vector<1x16xf32> to vector<16xf32>
        %mul3A_691 = arith.constant 8.000000e+00 : f32
        %mul3A_692 = vector.broadcast %mul3A_691 : f32 to vector<16xf32>
        %mul3A_693 = arith.mulf %get3A_690, %mul3A_692 : vector<16xf32>
        %swap3A_694 = arith.index_cast %add3A_674 : i32 to index
        %swap3A_695 = arith.constant 16 : index
        %swap3A_696 = tpu.vector_load %arg9[%swap3A_694, %swap3A_695] {strides = array<i32>} : memref<256x64xf32, #tpu.memory_space<vmem>>, vector<1x16xf32>,
        %swap3A_697 = vector.shape_cast %swap3A_696 : vector<1x16xf32> to vector<16xf32>
        %swap3A_698 = vector.shape_cast %mul3A_693 : vector<16xf32> to vector<1x16xf32>
        tpu.vector_store %arg9[%swap3A_694, %swap3A_695], %swap3A_698 {strides = array<i32>} : memref<256x64xf32, #tpu.memory_space<vmem>>, vector<1x16xf32>,
        %get3A_699 = arith.index_cast %add3A_674 : i32 to index
        %get3A_700 = arith.constant 32 : index
        %get3A_701 = tpu.vector_load %arg9[%get3A_699, %get3A_700] {strides = array<i32>} : memref<256x64xf32, #tpu.memory_space<vmem>>, vector<1x16xf32>,
        %get3A_702 = vector.shape_cast %get3A_701 : vector<1x16xf32> to vector<16xf32>
        %mul3A_703 = arith.constant 8.000000e+00 : f32
        %mul3A_704 = vector.broadcast %mul3A_703 : f32 to vector<16xf32>
        %mul3A_705 = arith.mulf %get3A_702, %mul3A_704 : vector<16xf32>
        %swap3A_706 = arith.index_cast %add3A_674 : i32 to index
        %swap3A_707 = arith.constant 32 : index
        %swap3A_708 = tpu.vector_load %arg9[%swap3A_706, %swap3A_707] {strides = array<i32>} : memref<256x64xf32, #tpu.memory_space<vmem>>, vector<1x16xf32>,
        %swap3A_709 = vector.shape_cast %swap3A_708 : vector<1x16xf32> to vector<16xf32>
        %swap3A_710 = vector.shape_cast %mul3A_705 : vector<16xf32> to vector<1x16xf32>
        tpu.vector_store %arg9[%swap3A_706, %swap3A_707], %swap3A_710 {strides = array<i32>} : memref<256x64xf32, #tpu.memory_space<vmem>>, vector<1x16xf32>,
        %get3A_711 = arith.index_cast %add3A_674 : i32 to index
        %get3A_712 = arith.constant 48 : index
        %get3A_713 = tpu.vector_load %arg9[%get3A_711, %get3A_712] {strides = array<i32>} : memref<256x64xf32, #tpu.memory_space<vmem>>, vector<1x16xf32>,
        %get3A_714 = vector.shape_cast %get3A_713 : vector<1x16xf32> to vector<16xf32>
        %mul3A_715 = arith.constant 8.000000e+00 : f32
        %mul3A_716 = vector.broadcast %mul3A_715 : f32 to vector<16xf32>
        %mul3A_717 = arith.mulf %get3A_714, %mul3A_716 : vector<16xf32>
        %swap3A_718 = arith.index_cast %add3A_674 : i32 to index
        %swap3A_719 = arith.constant 48 : index
        %swap3A_720 = tpu.vector_load %arg9[%swap3A_718, %swap3A_719] {strides = array<i32>} : memref<256x64xf32, #tpu.memory_space<vmem>>, vector<1x16xf32>,
        %swap3A_721 = vector.shape_cast %swap3A_720 : vector<1x16xf32> to vector<16xf32>
        %swap3A_722 = vector.shape_cast %mul3A_717 : vector<16xf32> to vector<1x16xf32>
        tpu.vector_store %arg9[%swap3A_718, %swap3A_719], %swap3A_722 {strides = array<i32>} : memref<256x64xf32, #tpu.memory_space<vmem>>, vector<1x16xf32>,
      }
      %scan3A_277 = arith.constant 256 : i32
      %add3A_278 = arith.constant 4 : i32
      %add3A_279 = arith.addi %add3A_246, %add3A_278 : i32
      %sub3A_280 = arith.constant 1 : i32
      %sub3A_281 = arith.subi %add3A_279, %sub3A_280 : i32
      %lt3A_282 = arith.constant 100 : i32
      %lt3A_283 = arith.cmpi slt, %sub3A_281, %lt3A_282 : i32
      %convert_element_type3A_284 = arith.extui %lt3A_283 : i1 to i32
      %cond3A_285 = arith.constant 0 : i32
      %cond3A_286 = arith.cmpi ne, %convert_element_type3A_284, %cond3A_285 : i32
      scf.if %cond3A_286 {
        %ge3A = arith.constant 1 : i32
        %ge3A_294 = arith.cmpi sge, %add3A_246, %ge3A : i32
        %convert_element_type3A_295 = arith.extui %ge3A_294 : i1 to i32
        %cond3A_296 = arith.constant 0 : i32
        %cond3A_297 = arith.cmpi ne, %convert_element_type3A_295, %cond3A_296 : i32
        scf.if %cond3A_297 {
          %sub3A_324 = arith.constant 4 : i32
          %sub3A_325 = arith.subi %sub3A_281, %sub3A_324 : i32
          %mul3A_326 = arith.constant 256 : i32
          %mul3A_327 = arith.muli %sub3A_325, %mul3A_326 : i32
          %add3A_328 = arith.addi %mul3A_2, %mul3A_327 : i32
          %dma_wait3A_329 = arith.constant 0 : i32
          %dma_wait3A_330 = tpu.memref_slice %arg4[%add3A_328, %dma_wait3A_329] : memref<819200x64xf32, #tpu.memory_space<hbm>> -> memref<256x64xf32, #tpu.memory_space<hbm>>
          %dma_wait3A_331 = arith.constant 0 : i32
          %dma_wait3A_332 = tpu.memref_slice %arg4[%add3A_328, %dma_wait3A_331] : memref<819200x64xf32, #tpu.memory_space<hbm>> -> memref<256x64xf32, #tpu.memory_space<hbm>>
          tpu.wait_dma2 semaphore(%arg16 : memref<!tpu.dma_semaphore, #tpu.memory_space<semaphore_mem>>) src(%arg8 : memref<256x64xf32, #tpu.memory_space<vmem>>) dst(%dma_wait3A_332 : memref<256x64xf32, #tpu.memory_space<hbm>>)
        } else {
        }
        %mul3A_298 = arith.constant 2 : i32
        %mul3A_299 = arith.muli %sub3A_281, %mul3A_298 : i32
        %add3A_300 = arith.constant 0 : i32
        %add3A_301 = arith.addi %mul3A_299, %add3A_300 : i32
        %dma_start3A_302 = arith.constant 0 : i32
        %dma_start3A_303 = arith.constant 0 : i32
        %dma_start3A_304 = tpu.memref_slice %arg8[%dma_start3A_302, %dma_start3A_303] : memref<256x64xf32, #tpu.memory_space<vmem>> -> memref<128x64xf32, #tpu.memory_space<vmem>>
        %dma_start3A_305 = arith.constant 0 : i32
        %dma_start3A_306 = tpu.memref_slice %arg5[%add3A_301, %dma_start3A_305] : memref<200x128xi32, #tpu.memory_space<vmem>> -> memref<1x128xi32, #tpu.memory_space<vmem>>
        %dma_start3A_307 = tpu.memref_squeeze %dma_start3A_306 : memref<1x128xi32, #tpu.memory_space<vmem>> -> memref<128xi32, #tpu.memory_space<vmem>>
        %dma_start3A_308 = arith.constant 0 : i32
        %dma_start3A_309 = arith.constant 0 : i32
        %dma_start3A_310 = tpu.memref_slice %arg3[%dma_start3A_308, %dma_start3A_309] : memref<1000000x64xf32, #tpu.memory_space<hbm>> -> memref<1000000x64xf32, #tpu.memory_space<hbm>>
        tpu.enqueue_indirect_dma source(%dma_start3A_310 : memref<1000000x64xf32, #tpu.memory_space<hbm>>) target(%dma_start3A_304 : memref<128x64xf32, #tpu.memory_space<vmem>>) offsets(%dma_start3A_307 : memref<128xi32, #tpu.memory_space<vmem>>) semaphore(%arg12 : memref<!tpu.dma_semaphore, #tpu.memory_space<semaphore_mem>>)
        %mul3A_311 = arith.constant 2 : i32
        %mul3A_312 = arith.muli %sub3A_281, %mul3A_311 : i32
        %add3A_313 = arith.constant 1 : i32
        %add3A_314 = arith.addi %mul3A_312, %add3A_313 : i32
        %dma_start3A_315 = arith.constant 128 : i32
        %dma_start3A_316 = arith.constant 0 : i32
        %dma_start3A_317 = tpu.memref_slice %arg8[%dma_start3A_315, %dma_start3A_316] : memref<256x64xf32, #tpu.memory_space<vmem>> -> memref<128x64xf32, #tpu.memory_space<vmem>>
        %dma_start3A_318 = arith.constant 0 : i32
        %dma_start3A_319 = tpu.memref_slice %arg5[%add3A_314, %dma_start3A_318] : memref<200x128xi32, #tpu.memory_space<vmem>> -> memref<1x128xi32, #tpu.memory_space<vmem>>
        %dma_start3A_320 = tpu.memref_squeeze %dma_start3A_319 : memref<1x128xi32, #tpu.memory_space<vmem>> -> memref<128xi32, #tpu.memory_space<vmem>>
        %dma_start3A_321 = arith.constant 0 : i32
        %dma_start3A_322 = arith.constant 0 : i32
        %dma_start3A_323 = tpu.memref_slice %arg3[%dma_start3A_321, %dma_start3A_322] : memref<1000000x64xf32, #tpu.memory_space<hbm>> -> memref<1000000x64xf32, #tpu.memory_space<hbm>>
        tpu.enqueue_indirect_dma source(%dma_start3A_323 : memref<1000000x64xf32, #tpu.memory_space<hbm>>) target(%dma_start3A_317 : memref<128x64xf32, #tpu.memory_space<vmem>>) offsets(%dma_start3A_320 : memref<128xi32, #tpu.memory_space<vmem>>) semaphore(%arg12 : memref<!tpu.dma_semaphore, #tpu.memory_space<semaphore_mem>>)
      } else {
      }
      %mul3A_287 = arith.constant 256 : i32
      %mul3A_288 = arith.muli %add3A_246, %mul3A_287 : i32
      %add3A_289 = arith.addi %mul3A_2, %mul3A_288 : i32
      %dma_start3A_290 = arith.constant 0 : i32
      %dma_start3A_291 = tpu.memref_slice %arg4[%add3A_289, %dma_start3A_290] : memref<819200x64xf32, #tpu.memory_space<hbm>> -> memref<256x64xf32, #tpu.memory_space<hbm>>
      %dma_start3A_292 = arith.constant 0 : i32
      %dma_start3A_293 = tpu.memref_slice %arg4[%add3A_289, %dma_start3A_292] : memref<819200x64xf32, #tpu.memory_space<hbm>> -> memref<256x64xf32, #tpu.memory_space<hbm>>
      tpu.enqueue_dma source(%arg9 : memref<256x64xf32, #tpu.memory_space<vmem>>) target(%dma_start3A_293 : memref<256x64xf32, #tpu.memory_space<hbm>>) target_semaphore(%arg17 : memref<!tpu.dma_semaphore, #tpu.memory_space<semaphore_mem>>)
    }
    %scan3A_65 = arith.constant 25 : i32
    %add3A_66 = arith.constant 24576 : i32
    %add3A_67 = arith.addi %mul3A_2, %add3A_66 : i32
    %dma_wait3A = arith.constant 0 : i32
    %dma_wait3A_68 = tpu.memref_slice %arg4[%add3A_67, %dma_wait3A] : memref<819200x64xf32, #tpu.memory_space<hbm>> -> memref<256x64xf32, #tpu.memory_space<hbm>>
    %dma_wait3A_69 = arith.constant 0 : i32
    %dma_wait3A_70 = tpu.memref_slice %arg4[%add3A_67, %dma_wait3A_69] : memref<819200x64xf32, #tpu.memory_space<hbm>> -> memref<256x64xf32, #tpu.memory_space<hbm>>
    tpu.wait_dma2 semaphore(%arg14 : memref<!tpu.dma_semaphore, #tpu.memory_space<semaphore_mem>>) src(%arg6 : memref<256x64xf32, #tpu.memory_space<vmem>>) dst(%dma_wait3A_70 : memref<256x64xf32, #tpu.memory_space<hbm>>)
    %add3A_71 = arith.constant 24832 : i32
    %add3A_72 = arith.addi %mul3A_2, %add3A_71 : i32
    %dma_wait3A_73 = arith.constant 0 : i32
    %dma_wait3A_74 = tpu.memref_slice %arg4[%add3A_72, %dma_wait3A_73] : memref<819200x64xf32, #tpu.memory_space<hbm>> -> memref<256x64xf32, #tpu.memory_space<hbm>>
    %dma_wait3A_75 = arith.constant 0 : i32
    %dma_wait3A_76 = tpu.memref_slice %arg4[%add3A_72, %dma_wait3A_75] : memref<819200x64xf32, #tpu.memory_space<hbm>> -> memref<256x64xf32, #tpu.memory_space<hbm>>
    tpu.wait_dma2 semaphore(%arg15 : memref<!tpu.dma_semaphore, #tpu.memory_space<semaphore_mem>>) src(%arg7 : memref<256x64xf32, #tpu.memory_space<vmem>>) dst(%dma_wait3A_76 : memref<256x64xf32, #tpu.memory_space<hbm>>)
    %add3A_77 = arith.constant 25088 : i32
    %add3A_78 = arith.addi %mul3A_2, %add3A_77 : i32
    %dma_wait3A_79 = arith.constant 0 : i32
    %dma_wait3A_80 = tpu.memref_slice %arg4[%add3A_78, %dma_wait3A_79] : memref<819200x64xf32, #tpu.memory_space<hbm>> -> memref<256x64xf32, #tpu.memory_space<hbm>>
    %dma_wait3A_81 = arith.constant 0 : i32
    %dma_wait3A_82 = tpu.memref_slice %arg4[%add3A_78, %dma_wait3A_81] : memref<819200x64xf32, #tpu.memory_space<hbm>> -> memref<256x64xf32, #tpu.memory_space<hbm>>
    tpu.wait_dma2 semaphore(%arg16 : memref<!tpu.dma_semaphore, #tpu.memory_space<semaphore_mem>>) src(%arg8 : memref<256x64xf32, #tpu.memory_space<vmem>>) dst(%dma_wait3A_82 : memref<256x64xf32, #tpu.memory_space<hbm>>)
    %add3A_83 = arith.constant 25344 : i32
    %add3A_84 = arith.addi %mul3A_2, %add3A_83 : i32
    %dma_wait3A_85 = arith.constant 0 : i32
    %dma_wait3A_86 = tpu.memref_slice %arg4[%add3A_84, %dma_wait3A_85] : memref<819200x64xf32, #tpu.memory_space<hbm>> -> memref<256x64xf32, #tpu.memory_space<hbm>>
    %dma_wait3A_87 = arith.constant 0 : i32
    %dma_wait3A_88 = tpu.memref_slice %arg4[%add3A_84, %dma_wait3A_87] : memref<819200x64xf32, #tpu.memory_space<hbm>> -> memref<256x64xf32, #tpu.memory_space<hbm>>
    tpu.wait_dma2 semaphore(%arg17 : memref<!tpu.dma_semaphore, #tpu.memory_space<semaphore_mem>>) src(%arg9 : memref<256x64xf32, #tpu.memory_space<vmem>>) dst(%dma_wait3A_88 : memref<256x64xf32, #tpu.memory_space<hbm>>)
    return
  }
}

</mosaic_0001>

<sc_bundles>
// kernel: kernel.3.cloned.1.call-start
scs
__scs_entry_jumppad:
0x0: {  	(pc) =	sbr.rel $0x88, $3  }
0x1: {  	(tag) =	ssettag $0x0;
	lr =	simm.s32 $0x1  }
0x2: {  	[smem:$0x3F9F] =	sst lr;
	_ =	strace $0xD0000000  }
0x3: {  	_ = 	snop  }
0x4: {  	_ = 	snop  }
0x5: {  	_ = 	snop  }
0x6: {  	_ = 	snop  }
0x7: {  	_ = 	snop  }
__scs_overlays_trampoline_lowered:
0x8: {  	[smem:$0x3FAE] =	sst s0  }
0x9: {  	[smem:$0x3FAF] =	sst s1  }
0xa: {  	[smem:$0x3FB0] =	sst s2  }
0xb: {  	[smem:$0x3FB1] =	sst s3  }
0xc: {  	[smem:$0x3FB2] =	sst s4  }
0xd: {  	[smem:$0x3FB3] =	sst s5  }
0xe: {  	[smem:$0x3FB4] =	sst s6  }
0xf: {  	[smem:$0x3FB5] =	sst s7  }
0x10: {  	[smem:$0x3FB6] =	sst s8  }
0x11: {  	[smem:$0x3FB7] =	sst s9;
	s0 =	simm.s32 @!p0 $0x0  }
0x12: {  	s1 =	sld [smem:$0x3F9D];
	s0 =	simm.s32 @p0 $0x1  }
0x13: {  	[smem:$0x3FB8] =	sst s0;
	s0 =	simm.s32 @!p1 $0x0  }
0x14: {  	s2 =	sld [smem:$0x3F9C];
	s0 =	simm.s32 @p1 $0x1  }
0x15: {  	[smem:$0x3FB9] =	sst s0;
	s0 =	simm.s32 @!p2 $0x0  }
0x16: {  	s3 =	sld [smem:$0x3FDB];
	s0 =	simm.s32 @p2 $0x1  }
0x17: {  	s4 =	simm.s32 $0x1BF5;
	[smem:$0x3FBB] =	sst s0  }
0x18: {  	s0 =	sld [smem:$0x3F9E];
	_ =	swait.ge [sflag:s4], $0x0  }
0x19: {  	s7 =	sld [smem:$0x3F9F]  }
0x1a: {  	s8 =	sadd.s32 $0xFFFFE003, lr  }
0x1b: {  	s9 =	sadd.s32 $0xFFFFFEF7, lr;
	s5 =	simm.s32 $0xFFFFFFFF;
	p2 =	slt.u32 s8, $0xFFFFF086  }
0x1c: {  	p1 =	slt.u32 s9, $0xF7A;
	s5 =	simm.s32 @!p2 $0x0  }
0x1d: {  	s5 =	simm.s32 @p1 $0x1;
	p0 =	seq.s32 s7, s2  }
0x1e: {  	s7 =	smul.u32 @!p0 $0xF7A, s2;
	p2 =	seq.s32 @!p0 s5, $0x0  }
0x1f: {  	s9 =	smul.u32 $0xF7A, s1;
	s8 =	simm.s32 @!p0 $0x1BF5;
	p2 =	por !p2, p0  }
0x20: {  	[sflag:s8] =	ssyncset.s32 @!p0 $0xFFFFF086;
	s6 =	sadd.s32 @!p0 s3, s7;
	s7 =	simm.s32 @!p0 $0x108  }
0x21: {  	s3 =	sadd.s32 s3, s9;
	s6 =	sadd.s32 @!p0 $0x88, s6;
	s7 =	simm.s32 @p2 $0x1082  }
0x22: {  	[simem:s7], [sflag:s8] =	dma.local @!p0 [hbm:s6], $0xF7A  }
0x23: {  	s9 =	sor.u32 $0xD0000000, s2;
	s6 =	simm.s32 $0x108;
	_ =	swait.ge @!p0 [sflag:s8], $0x0  }
0x24: {  	s3 =	sadd.s32 $0x88, s3;
	s6 =	simm.s32 @!p1 $0x1082;
	[sflag:s4] =	ssyncset.s32 $0xFFFFF086  }
0x25: {  	[simem:s6], [sflag:s4] =	dma.local [hbm:s3], $0xF7A  }
0x26: {  	[smem:$0x3F9F] =	sst s1;
	(tag) =	ssettag s2;
	_ =	strace s9  }
0x27: {  	s1 =	sld [smem:$0x3FAF]  }
0x28: {  	s2 =	sld [smem:$0x3FB0]  }
0x29: {  	s4 =	sld [smem:$0x3FB2]  }
0x2a: {  	p0 =	seq.s32 s5, $0x0;
	s5 =	sld [smem:$0x3FB3]  }
0x2b: {  	s6 =	sld [smem:$0x3FB4]  }
0x2c: {  	s7 =	sld [smem:$0x3FB5]  }
0x2d: {  	s3 =	simm.s32 $0x108;
	s8 =	sld [smem:$0x3FB6]  }
0x2e: {  	s3 =	simm.s32 @!p0 $0x1082;
	s9 =	sld [smem:$0x3FB7]  }
0x2f: {  	lr =	sadd.s32 s0, s3;
	s0 =	sld [smem:$0x3FAE]  }
0x30: {  	s3 =	sld [smem:$0x3FB1]  }
0x31: {  	[smem:$0x3FBA] =	sst s10  }
0x32: {  	s10 =	sld [smem:$0x3FB8];
	_ =	sdelay $0x3  }
0x33: {  	p0 =	seq.s32 s10, $0x1;
	s10 =	sld [smem:$0x3FBA];
	_ =	sdelay $0x3  }
0x34: {  	[smem:$0x3FBA] =	sst s10  }
0x35: {  	s10 =	sld [smem:$0x3FB9];
	_ =	sdelay $0x3  }
0x36: {  	p1 =	seq.s32 s10, $0x1;
	s10 =	sld [smem:$0x3FBA];
	_ =	sdelay $0x3  }
0x37: {  	[smem:$0x3FBA] =	sst s10  }
0x38: {  	s10 =	sld [smem:$0x3FBB]  }
0x39: {  	_ = 	snop;
	(pc) =	sbr.ind lr, $3  }
0x3a: {  	_ = 	snop  }
0x3b: {  	_ = 	snop  }
0x3c: {  	p2 =	seq.s32 s10, $0x1;
	s10 =	sld [smem:$0x3FBA]  }
0x3d: {  	_ =	shalt  }
0x3e: {  	_ =	shalt  }
0x3f: {  	_ =	shalt  }
0x40: {  	_ =	shalt  }
0x41: {  	_ =	shalt  }
0x42: {  	_ =	shalt  }
0x43: {  	_ =	shalt  }
0x44: {  	_ =	shalt  }
0x45: {  	_ =	shalt  }
0x46: {  	_ =	shalt  }
0x47: {  	_ =	shalt  }
0x48: {  	_ =	shalt  }
0x49: {  	_ =	shalt  }
0x4a: {  	_ =	shalt  }
0x4b: {  	_ =	shalt  }
0x4c: {  	_ =	shalt  }
0x4d: {  	_ =	shalt  }
0x4e: {  	_ =	shalt  }
0x4f: {  	_ =	shalt  }
0x50: {  	_ =	shalt  }
0x51: {  	_ =	shalt  }
0x52: {  	_ =	shalt  }
0x53: {  	_ =	shalt  }
0x54: {  	_ =	shalt  }
0x55: {  	_ =	shalt  }
0x56: {  	_ =	shalt  }
0x57: {  	_ =	shalt  }
0x58: {  	_ =	shalt  }
0x59: {  	_ =	shalt  }
0x5a: {  	_ =	shalt  }
0x5b: {  	_ =	shalt  }
0x5c: {  	_ =	shalt  }
0x5d: {  	_ =	shalt  }
0x5e: {  	_ =	shalt  }
0x5f: {  	_ =	shalt  }
0x60: {  	_ =	shalt  }
0x61: {  	_ =	shalt  }
0x62: {  	_ =	shalt  }
0x63: {  	_ =	shalt  }
0x64: {  	_ =	shalt  }
0x65: {  	_ =	shalt  }
0x66: {  	_ =	shalt  }
0x67: {  	_ =	shalt  }
0x68: {  	_ =	shalt  }
0x69: {  	_ =	shalt  }
0x6a: {  	_ =	shalt  }
0x6b: {  	_ =	shalt  }
0x6c: {  	_ =	shalt  }
0x6d: {  	_ =	shalt  }
0x6e: {  	_ =	shalt  }
0x6f: {  	_ =	shalt  }
0x70: {  	_ =	shalt  }
0x71: {  	_ =	shalt  }
0x72: {  	_ =	shalt  }
0x73: {  	_ =	shalt  }
0x74: {  	_ =	shalt  }
0x75: {  	_ =	shalt  }
0x76: {  	_ =	shalt  }
0x77: {  	_ =	shalt  }
0x78: {  	_ =	shalt  }
0x79: {  	_ =	shalt  }
0x7a: {  	_ =	shalt  }
0x7b: {  	_ =	shalt  }
0x7c: {  	_ =	shalt  }
0x7d: {  	_ =	shalt  }
0x7e: {  	_ =	shalt  }
0x7f: {  	_ =	shalt  }
0x80: {  	_ =	shalt  }
0x81: {  	_ =	shalt  }
0x82: {  	_ =	shalt  }
0x83: {  	_ =	shalt  }
0x84: {  	_ =	shalt  }
0x85: {  	_ =	shalt  }
0x86: {  	_ =	shalt  }
0x87: {  	_ =	shalt  }
.Lfunc_end0:
.L_simem_size_0:
called_computation.1_lowered:
.L_overlay_start_0:
0x88: {  	s2 =	sld [smem:$0x3FD9]  }
0x89: {  	s3 =	sld [smem:$0x3FFE];
	_ =	sdelay $0x1  }
0x8a: {  	s1 =	srdreg.scid  }
0x8b: {  	s0 =	sand.u32 $0x1, s1  }
0x8c: {  	s17 =	sshll.u32 s0, $0xA;
	s2 =	sadd.s32 s3, s2  }
0x8d: {  	s2 =	sadd.s32 s2, s17  }
0x8e: {  	[smem:$0x3FC6] =	sst s2  }
0x8f: {  	_ = 	snop  }
0x90: {  	s2 =	sld [smem:$0x3FD0];
	(tm) =	ssettm $0x1  }
0x91: {  	s18 =	sld [smem:$0x3FFB];
	_ =	sdelay $0x3  }
0x92: {  	_ =	strace s18  }
0x93: {  	s3 =	sld [smem:$0x3FFC];
	_ =	sdelay $0x3  }
0x94: {  	_ =	strace s3  }
0x95: {  	s3 =	sld [smem:$0x3FFD];
	_ =	sdelay $0x3  }
0x96: {  	_ =	strace s3  }
0x97: {  	_ =	strace $0x8FFFFFFF  }
0x98: {  	s19 =	sld [smem:$0x3FDB];
	_ =	sdelay $0x1  }
0x99: {  	s4 =	simm.s32 $_scs_section_size  }
0x9a: {  	s5 =	simm.s32 $_size__tile_overlayer_lowered;
	s6 =	simm.s32 $_tile_overlayer_lowered  }
0x9b: {  	s22 =	simm.s32 $0x1BFF;
	s21 =	sshll.u32 s6, $0x1;
	s3 =	sadd.s32 s4, s19  }
0x9c: {  	s7 =	simm.s32 $0x0;
	s20 =	sshll.u32 s5, $0x1;
	s5 =	sadd.s32 s21, s3  }
0x9d: {  	[timem:s7], [sflag:s22] =	dma.local [hbm:s5], s20  }
0x9e: {  	_ =	swait.ge [sflag:s22], s20  }
0x9f: {  	s4 =	ssub.s32 $0x0, s20;
	[sflag:s22] =	ssyncset.done $0x0  }
0xa0: {  	[sflag:s22] =	ssyncadd.s32 s4;
	_ =	sdelay $0x1  }
0xa1: {  	s23 =	simm.s32 $0x1B8B  }
0xa2: {  	_ =	swait.ge [sflag:s23], $0x1  }
0xa3: {  	[sflag:s23] =	ssyncset.done $0x0  }
0xa4: {  	s25 =	simm.s32 $0x1B8E;
	s24 =	sld [smem:$0x3FFE];
	[sflag:s23] =	ssyncadd.s32 $0xFFFFFFFF  }
0xa5: {  	s26 =	simm.s32 $execute0_lowered;
	[smem:$0x3FD2] =	sst s25  }
0xa6: {  	s5 =	sshll.u32 s26, $0x1;
	_ =	strace $0x80000046;
	[dreg:$0x1] =	wrdreg $0xFFFFFFFF  }
0xa7: {  	s28 =	simm.s32 $_size_execute0_lowered;
	s3 =	sadd.s32 s3, s5;
	[dreg:$0x0] =	wrdreg $0x0  }
0xa8: {  	s5 =	sshll.u32 s28, $0x1;
	[dreg:$0x2] =	wrdreg s3  }
0xa9: {  	[dreg:$0x3] =	wrdreg s5  }
0xaa: {  	[dreg:$0x4] =	wrdreg $0xC0  }
0xab: {  	_ =	task [dreg:s7], $0x5FFFF  }
0xac: {  	[dreg:$0x1] =	wrdreg $0xFFFFFFFF  }
0xad: {  	[dreg:$0x0] =	wrdreg $0x60  }
0xae: {  	[dreg:$0x2] =	wrdreg s24  }
0xaf: {  	[dreg:$0x3] =	wrdreg s2  }
0xb0: {  	[dreg:$0x4] =	wrdreg $0x9  }
0xb1: {  	_ =	task.clear_ibuf [dreg:s7], $0x5FFFF;
	_ =	strace $0x90000046  }
0xb2: {  	s29 =	simm.s32 $0x9;
	_ =	strace $0x80000048  }
0xb3: {  	_ =	swait.ge [sflag:s29], $0x1  }
0xb4: {  	[sflag:s29] =	ssyncadd.s32 $0xFFFFFFFF  }
0xb5: {  	_ =	strace $0x90000048  }
0xb6: {  	_ =	sfence  }
0xb7: {  	s30 =	sld [smem:$0x0];
	_ =	sdelay $0x2  }
0xb8: {  	s31 =	sshll.u32 s1, $0xD;
	s1 =	sshrl.u32 s1, $0x2  }
0xb9: {  	s3 =	sand.u32 $0x4000, s31;
	s1 =	sadd.s32 s1, s30  }
0xba: {  	s0 =	sor.u32 s3, s0;
	s1 =	sshll.u32 s1, $0x11  }
0xbb: {  	s0 =	sor.u32 s1, s0  }
0xbc: {  	s0 =	sadd.s32 $0x8F2B, s0  }
0xbd: {  	[sflag:s0] =	ssyncadd.remote.s32 $0x1  }
0xbe: {  	_ =	sfence.sel $0xFFFF  }
0xbf: {  	[dreg:$0x0] =	wrdreg $0xFFFFFFFF;
	(pc) =	sbr.abs _section_cstart, $3  }
0xc0: {  	[dreg:$0x1] =	wrdreg $0xFFFFFFFF  }
0xc1: {  	_ =	task.clear_ibuf [dreg:s7], $0x2FFFF;
	_ =	strace $0x9FFFFFFF  }
0xc2: {  	(tm) =	ssettm $0x7FFFFFFF  }
0xc3: {  	_ =	shalt  }
tec
execute0_lowered:
.L_overlay_start_1:
0x0: {  	(tag) =	ssettag $0x1  }
0x1: {  	s0 =	srdreg.scid;
	s4 =	rddreg [dreg:$0x0]  }
0x2: {  	s1 =	stileid.u32;
	s2 =	rddreg [dreg:$0x1];
	s3 =	simm.s32 $0x0  }
0x3: {  	s10 =	simm.s32 $0x9;
	s11 =	simm.s32 $0x80;
	s12 =	simm.s32 $0x6400  }
0x4: {  	s15 =	simm.s32 $0xA400;
	s19 =	simm.s32 $0xE400;
	s22 =	simm.s32 $0x1  }
0x5: {  	s23 =	simm.s32 $0x12400;
	s24 =	simm.s32 $0x14400;
	s25 =	simm.s32 $0x2  }
0x6: {  	s26 =	simm.s32 $0x3;
	s28 =	simm.s32 $0x4;
	s29 =	simm.s32 $0x5  }
0x7: {  	s30 =	simm.s32 $0x6;
	s0 =	sand.u32 $0x1, s0;
	s1 =	sshll.u32 s1, $0x1  }
0x8: {  	s31 =	simm.s32 $0x7;
	s1 =	sor.u32 s0, s1;
	s0 =	ssub.s32 $0x2, s0  }
0x9: {  	[smem:$0x7FF] =	sst s3;
	s8 =	smul.u32 $0x6400, s1;
	s6 =	sshrl.u32 s0, $0x1  }
0xa: {  	_ =	strace $0x80000047;
	s0 =	ssub.s32 s0, s6;
	s6 =	smul.u32 $0x190000, s1  }
0xb: {  	s1 =	simm.s32 $0x8;
	s5 =	sshrl.u32 s8, $0x3;
	s7 =	sor.u32 $0x100, s8  }
0xc: {  	s8 =	sor.u32 $0x200, s8;
	s9 =	smax.u32 s0, $0x1;
	s5 =	sadd.s32 s5, s4  }
0xd: {  	s0 =	simm.s32 $0x0;
	s4 =	sadd.s32 $0xF42E00, s4;
	s5 =	sadd.s32 $0xA00, s5  }
.LBB2_1:
0xe: {  	[tilespmem:s3], [sflag:$0x9] =	stream.linear.gather [hbm4b:s5+s3], $0x6400, $0x38;
	[tilespmem:$0x16400] =	vst v63  }
0xf: {  	_ =	swait.ge [sflag:s10], $0x6400  }
0x10: {  	[sflag:s10] =	ssyncset.done $0x0  }
0x11: {  	[sflag:s10] =	ssyncadd.s32 $0xFFFF9C00  }
0x12: {  	[tilespmem:s12], [sflag:$0x1] =	stream.indirect.gather [hbm4b:s4+s11], $0x40, s3, s11, $0xb8;
	[tilespmem:$0x16400] =	vst v63  }
0x13: {  	s13 =	simm.s32 $0x8400  }
0x14: {  	[tilespmem:s13], [sflag:$0x1] =	stream.indirect.gather [hbm4b:s4+s11], $0x40, s11, s11, $0xb8;
	[tilespmem:$0x16400] =	vst v63  }
0x15: {  	s16 =	simm.s32 $0x100  }
0x16: {  	[tilespmem:s15], [sflag:$0x2] =	stream.indirect.gather [hbm4b:s4+s11], $0x40, s16, s11, $0xb8;
	[tilespmem:$0x16400] =	vst v63  }
0x17: {  	s17 =	simm.s32 $0x180;
	s14 =	simm.s32 $0xC400  }
0x18: {  	[tilespmem:s14], [sflag:$0x2] =	stream.indirect.gather [hbm4b:s4+s11], $0x40, s17, s11, $0xb8;
	[tilespmem:$0x16400] =	vst v63  }
0x19: {  	s18 =	simm.s32 $0x200  }
0x1a: {  	[tilespmem:s19], [sflag:$0x3] =	stream.indirect.gather [hbm4b:s4+s11], $0x40, s18, s11, $0xb8;
	[tilespmem:$0x16400] =	vst v63  }
0x1b: {  	s20 =	simm.s32 $0x280;
	s21 =	simm.s32 $0x10400;
	s13 =	simm.s32 $0x0  }
0x1c: {  	[tilespmem:s21], [sflag:$0x3] =	stream.indirect.gather [hbm4b:s4+s11], $0x40, s20, s11, $0xb8;
	[tilespmem:$0x16400] =	vst v63  }
.LBB2_2:
0x1d: {  	_ =	swait.ge [sflag:s22], $0x2000  }
0x1e: {  	[sflag:s22] =	ssyncset.done $0x0  }
0x1f: {  	[sflag:s22] =	ssyncadd.s32 $0xFFFFE000  }
0x20: {  	_ =	swait.ge [sflag:s22], $0x2000  }
0x21: {  	[sflag:s22] =	ssyncset.done $0x0  }
0x22: {  	s14 =	simm.s32 $0x6500;
	[sflag:s22] =	ssyncadd.s32 $0xFFFFE000  }
0x23: {  	v0 =	vld [tilespmem:s14+$0xFFFFFF00]  }
0x24: {  	v1 =	vld [tilespmem:s14+$0xFFFFFF10]  }
0x25: {  	v2 =	vld [tilespmem:s14+$0xFFFFFF20]  }
0x26: {  	v3 =	vld [tilespmem:s14+$0xFFFFFF30]  }
0x27: {  	v4 =	vld [tilespmem:s14+$0xFFFFFF40]  }
0x28: {  	v5 =	vld [tilespmem:s14+$0xFFFFFF50];
	v0 =	vmul.f32 $8.000000000e+00, v0  }
0x29: {  	v6 =	vld [tilespmem:s14+$0xFFFFFF60];
	v1 =	vmul.f32 $8.000000000e+00, v1  }
0x2a: {  	[tilespmem:s14+$0xFFFFFF00] =	vst v0;
	v0 =	vmul.f32 $8.000000000e+00, v2;
	v2 =	vld [tilespmem:s14+$0xFFFFFF70]  }
0x2b: {  	[tilespmem:s14+$0xFFFFFF10] =	vst v1;
	v1 =	vmul.f32 $8.000000000e+00, v3;
	v3 =	vld [tilespmem:s14+$0xFFFFFF80]  }
0x2c: {  	[tilespmem:s14+$0xFFFFFF20] =	vst v0;
	v0 =	vmul.f32 $8.000000000e+00, v4;
	v4 =	vld [tilespmem:s14+$0xFFFFFF90]  }
0x2d: {  	[tilespmem:s14+$0xFFFFFF30] =	vst v1;
	v1 =	vmul.f32 $8.000000000e+00, v5;
	v5 =	vld [tilespmem:s14+$0xFFFFFFA0]  }
0x2e: {  	[tilespmem:s14+$0xFFFFFF40] =	vst v0;
	v0 =	vmul.f32 $8.000000000e+00, v6;
	v6 =	vld [tilespmem:s14+$0xFFFFFFB0]  }
0x2f: {  	[tilespmem:s14+$0xFFFFFF50] =	vst v1;
	v1 =	vmul.f32 $8.000000000e+00, v2;
	v2 =	vld [tilespmem:s14+$0xFFFFFFC0]  }
0x30: {  	[tilespmem:s14+$0xFFFFFF60] =	vst v0;
	v0 =	vmul.f32 $8.000000000e+00, v3;
	v3 =	vld [tilespmem:s14+$0xFFFFFFD0]  }
0x31: {  	[tilespmem:s14+$0xFFFFFF70] =	vst v1;
	v1 =	vmul.f32 $8.000000000e+00, v4;
	v4 =	vld [tilespmem:s14+$0xFFFFFFE0]  }
0x32: {  	[tilespmem:s14+$0xFFFFFF80] =	vst v0;
	v0 =	vmul.f32 $8.000000000e+00, v5;
	v5 =	vld [tilespmem:s14+$0x0]  }
0x33: {  	[tilespmem:s14+$0xFFFFFF90] =	vst v1;
	v1 =	vmul.f32 $8.000000000e+00, v6;
	v6 =	vld [tilespmem:s14+$0x10]  }
0x34: {  	[tilespmem:s14+$0xFFFFFFA0] =	vst v0;
	v0 =	vmul.f32 $8.000000000e+00, v2;
	v2 =	vld [tilespmem:s14+$0x20]  }
0x35: {  	[tilespmem:s14+$0xFFFFFFB0] =	vst v1;
	v1 =	vmul.f32 $8.000000000e+00, v3;
	v3 =	vld [tilespmem:s14+$0x30]  }
0x36: {  	[tilespmem:s14+$0xFFFFFFC0] =	vst v0;
	v0 =	vmul.f32 $8.000000000e+00, v4;
	v4 =	vld [tilespmem:s14+$0x40]  }
0x37: {  	[tilespmem:s14+$0xFFFFFFD0] =	vst v1;
	v1 =	vmul.f32 $8.000000000e+00, v5;
	v5 =	vld [tilespmem:s14+$0x50]  }
0x38: {  	[tilespmem:s14+$0xFFFFFFE0] =	vst v0;
	v0 =	vmul.f32 $8.000000000e+00, v6;
	v6 =	vld [tilespmem:s14+$0x60]  }
0x39: {  	[tilespmem:s14+$0x0] =	vst v1;
	v1 =	vmul.f32 $8.000000000e+00, v2;
	v2 =	vld [tilespmem:s14+$0x70]  }
0x3a: {  	[tilespmem:s14+$0x10] =	vst v0;
	v0 =	vmul.f32 $8.000000000e+00, v3;
	v3 =	vld [tilespmem:s14+$0x80]  }
0x3b: {  	[tilespmem:s14+$0x20] =	vst v1;
	v1 =	vmul.f32 $8.000000000e+00, v4;
	v4 =	vld [tilespmem:s14+$0x90]  }
0x3c: {  	[tilespmem:s14+$0x30] =	vst v0;
	v0 =	vmul.f32 $8.000000000e+00, v5;
	v5 =	vld [tilespmem:s14+$0xA0]  }
0x3d: {  	[tilespmem:s14+$0x40] =	vst v1;
	v1 =	vmul.f32 $8.000000000e+00, v6;
	v6 =	vld [tilespmem:s14+$0xB0]  }
0x3e: {  	[tilespmem:s14+$0x50] =	vst v0;
	v2 =	vmul.f32 $8.000000000e+00, v2;
	v0 =	vld [tilespmem:s14+$0xC0]  }
0x3f: {  	[tilespmem:s14+$0x60] =	vst v1;
	v3 =	vmul.f32 $8.000000000e+00, v3;
	v1 =	vld [tilespmem:s14+$0xD0]  }
0x40: {  	[tilespmem:s14+$0x70] =	vst v2;
	v7 =	vmul.f32 $8.000000000e+00, v4;
	v2 =	vld [tilespmem:s14+$0xE0]  }
0x41: {  	[tilespmem:s14+$0x80] =	vst v3;
	v3 =	vld [tilespmem:s14+$0xF0];
	v5 =	vmul.f32 $8.000000000e+00, v5  }
0x42: {  	s16 =	simm.s32 $0x0;
	s17 =	simm.s32 $0x6700;
	v4 =	vld [tilespmem:s14+$0xFFFFFFF0];
	[tilespmem:s14+$0x90] =	vst v7;
	v6 =	vmul.f32 $8.000000000e+00, v6  }
.LBB2_3:
0x43: {  	v7 =	vld [tilespmem:s17+$0xFFFFFF00];
	[tilespmem:s14+$0xA0] =	vst v5;
	v0 =	vmul.f32 $8.000000000e+00, v0  }
0x44: {  	v5 =	vld [tilespmem:s17+$0xFFFFFF10];
	[tilespmem:s14+$0xB0] =	vst v6;
	v1 =	vmul.f32 $8.000000000e+00, v1  }
0x45: {  	v6 =	vld [tilespmem:s17+$0xFFFFFF20];
	[tilespmem:s14+$0xC0] =	vst v0;
	v0 =	vmul.f32 $8.000000000e+00, v2  }
0x46: {  	v2 =	vld [tilespmem:s17+$0xFFFFFF30];
	[tilespmem:s14+$0xD0] =	vst v1;
	v1 =	vmul.f32 $8.000000000e+00, v3  }
0x47: {  	v3 =	vld [tilespmem:s17+$0xFFFFFF40];
	v4 =	vmul.f32 $8.000000000e+00, v4;
	[tilespmem:s14+$0xE0] =	vst v0  }
0x48: {  	v0 =	vmul.f32 $8.000000000e+00, v7;
	v7 =	vld [tilespmem:s17+$0xFFFFFF50];
	[tilespmem:s14+$0xF0] =	vst v1  }
0x49: {  	v1 =	vmul.f32 $8.000000000e+00, v5;
	v5 =	vld [tilespmem:s17+$0xFFFFFF60];
	[tilespmem:s14+$0xFFFFFFF0] =	vst v4;
	s14 =	smov.u32 s17  }
0x4a: {  	[tilespmem:s17+$0xFFFFFF00] =	vst v0;
	v0 =	vmul.f32 $8.000000000e+00, v6;
	v4 =	vld [tilespmem:s17+$0xFFFFFF70]  }
0x4b: {  	[tilespmem:s17+$0xFFFFFF10] =	vst v1;
	v1 =	vmul.f32 $8.000000000e+00, v2;
	v2 =	vld [tilespmem:s17+$0xFFFFFF80]  }
0x4c: {  	[tilespmem:s17+$0xFFFFFF20] =	vst v0;
	v0 =	vmul.f32 $8.000000000e+00, v3;
	v3 =	vld [tilespmem:s17+$0xFFFFFF90]  }
0x4d: {  	[tilespmem:s17+$0xFFFFFF30] =	vst v1;
	v1 =	vmul.f32 $8.000000000e+00, v7;
	v6 =	vld [tilespmem:s17+$0xFFFFFFA0]  }
0x4e: {  	[tilespmem:s17+$0xFFFFFF40] =	vst v0;
	v0 =	vmul.f32 $8.000000000e+00, v5;
	v5 =	vld [tilespmem:s17+$0xFFFFFFB0]  }
0x4f: {  	[tilespmem:s17+$0xFFFFFF50] =	vst v1;
	v1 =	vmul.f32 $8.000000000e+00, v4;
	v4 =	vld [tilespmem:s17+$0xFFFFFFC0]  }
0x50: {  	[tilespmem:s17+$0xFFFFFF60] =	vst v0;
	v0 =	vmul.f32 $8.000000000e+00, v2;
	v2 =	vld [tilespmem:s17+$0xFFFFFFD0]  }
0x51: {  	[tilespmem:s17+$0xFFFFFF70] =	vst v1;
	v1 =	vmul.f32 $8.000000000e+00, v3;
	v3 =	vld [tilespmem:s17+$0xFFFFFFE0]  }
0x52: {  	[tilespmem:s17+$0xFFFFFF80] =	vst v0;
	v0 =	vmul.f32 $8.000000000e+00, v6;
	v6 =	vld [tilespmem:s17+$0x0]  }
0x53: {  	[tilespmem:s17+$0xFFFFFF90] =	vst v1;
	v1 =	vmul.f32 $8.000000000e+00, v5;
	v5 =	vld [tilespmem:s17+$0x10]  }
0x54: {  	[tilespmem:s17+$0xFFFFFFA0] =	vst v0;
	v0 =	vmul.f32 $8.000000000e+00, v4;
	v4 =	vld [tilespmem:s17+$0x20]  }
0x55: {  	[tilespmem:s17+$0xFFFFFFB0] =	vst v1;
	v1 =	vmul.f32 $8.000000000e+00, v2;
	v2 =	vld [tilespmem:s17+$0x30]  }
0x56: {  	[tilespmem:s17+$0xFFFFFFC0] =	vst v0;
	v0 =	vmul.f32 $8.000000000e+00, v3;
	v3 =	vld [tilespmem:s17+$0x40]  }
0x57: {  	[tilespmem:s17+$0xFFFFFFD0] =	vst v1;
	v1 =	vmul.f32 $8.000000000e+00, v6;
	v6 =	vld [tilespmem:s17+$0x50]  }
0x58: {  	[tilespmem:s17+$0xFFFFFFE0] =	vst v0;
	v0 =	vmul.f32 $8.000000000e+00, v5;
	v5 =	vld [tilespmem:s17+$0x60]  }
0x59: {  	[tilespmem:s17+$0x0] =	vst v1;
	v1 =	vmul.f32 $8.000000000e+00, v4;
	v4 =	vld [tilespmem:s17+$0x70]  }
0x5a: {  	[tilespmem:s17+$0x10] =	vst v0;
	v0 =	vmul.f32 $8.000000000e+00, v2;
	v2 =	vld [tilespmem:s17+$0x80]  }
0x5b: {  	[tilespmem:s17+$0x20] =	vst v1;
	v1 =	vmul.f32 $8.000000000e+00, v3;
	v3 =	vld [tilespmem:s17+$0x90]  }
0x5c: {  	s16 =	sadd.s32 $0x8, s16;
	[tilespmem:s17+$0x30] =	vst v0;
	v0 =	vmul.f32 $8.000000000e+00, v6;
	v6 =	vld [tilespmem:s17+$0xA0]  }
0x5d: {  	p0 =	slt.u32 s16, $0xF8;
	[tilespmem:s17+$0x40] =	vst v1;
	v1 =	vmul.f32 $8.000000000e+00, v5;
	v7 =	vld [tilespmem:s17+$0xB0]  }
.Ltmp0:
0x5e: {  	[tilespmem:s17+$0x50] =	vst v0;
	v4 =	vmul.f32 $8.000000000e+00, v4;
	v0 =	vld [tilespmem:s17+$0xC0];
	(pc) =	sbr.rel @p0 .LBB2_3-.Ltmp0, $4  }
0x5f: {  	[tilespmem:s17+$0x60] =	vst v1;
	v5 =	vmul.f32 $8.000000000e+00, v2;
	v1 =	vld [tilespmem:s17+$0xD0]  }
0x60: {  	[tilespmem:s17+$0x70] =	vst v4;
	v8 =	vmul.f32 $8.000000000e+00, v3;
	v2 =	vld [tilespmem:s17+$0xE0]  }
0x61: {  	[tilespmem:s17+$0x80] =	vst v5;
	v5 =	vmul.f32 $8.000000000e+00, v6;
	v3 =	vld [tilespmem:s17+$0xF0]  }
0x62: {  	s17 =	sadd.s32 $0x200, s17;
	v4 =	vld [tilespmem:s14+$0xFFFFFFF0];
	[tilespmem:s14+$0x90] =	vst v8;
	v6 =	vmul.f32 $8.000000000e+00, v7  }
0x63: {  	[tilespmem:s14+$0xA0] =	vst v5;
	v0 =	vmul.f32 $8.000000000e+00, v0  }
0x64: {  	[tilespmem:s14+$0xB0] =	vst v6;
	v1 =	vmul.f32 $8.000000000e+00, v1  }
0x65: {  	[tilespmem:s14+$0xC0] =	vst v0;
	v0 =	vmul.f32 $8.000000000e+00, v2  }
0x66: {  	[tilespmem:s14+$0xD0] =	vst v1;
	v1 =	vmul.f32 $8.000000000e+00, v3  }
0x67: {  	v2 =	vmul.f32 $8.000000000e+00, v4;
	[tilespmem:s14+$0xE0] =	vst v0  }
0x68: {  	p0 =	seq.s32 s13, $0x0;
	[tilespmem:s14+$0xF0] =	vst v1  }
0x69: {  	s16 =	simm.s32 @!p0 $0x8;
	[tilespmem:s14+$0xFFFFFFF0] =	vst v2  }
0x6a: {  	s14 =	sshllo.u32 s13, $0x2;
	_ =	swait.ge @!p0 [sflag:s16], $0x4000  }
0x6b: {  	s17 =	sshll.u32 s14, $0x8;
	[sflag:s16] =	ssyncset.done @!p0 $0x0  }
0x6c: {  	s20 =	sand.u32 $0x3FFFFF00, s17;
	[sflag:s16] =	ssyncadd.s32 @!p0 $0xFFFFC000  }
0x6d: {  	[tilespmem:s23], [sflag:$0x4] =	stream.indirect.gather [hbm4b:s4+s11], $0x40, s20, s11, $0xb8;
	[tilespmem:$0x16400] =	vst v63  }
0x6e: {  	s21 =	sshll.u32 s13, $0x10;
	s16 =	sor.u32 $0x80, s20  }
0x6f: {  	[tilespmem:s24], [sflag:$0x4] =	stream.indirect.gather [hbm4b:s4+s11], $0x40, s16, s11, $0xb8;
	[tilespmem:$0x16400] =	vst v63  }
0x70: {  	s16 =	sadd.s32 s6, s21  }
0x71: {  	s16 =	sshrl.u32 s16, $0x3  }
0x72: {  	s16 =	sadd.s32 s2, s16  }
0x73: {  	[hbm4b:s16+s3] =	stream.linear.scatter [tilespmem:s12], [sflag:$0x5], $0x4000, $0x38;
	[tilespmem:$0x16400] =	vst v63  }
0x74: {  	_ =	swait.ge [sflag:s25], $0x2000  }
0x75: {  	[sflag:s25] =	ssyncset.done $0x0  }
0x76: {  	[sflag:s25] =	ssyncadd.s32 $0xFFFFE000  }
0x77: {  	_ =	swait.ge [sflag:s25], $0x2000  }
0x78: {  	[sflag:s25] =	ssyncset.done $0x0  }
0x79: {  	s16 =	simm.s32 $0xA500;
	[sflag:s25] =	ssyncadd.s32 $0xFFFFE000  }
0x7a: {  	v0 =	vld [tilespmem:s16+$0xFFFFFF00]  }
0x7b: {  	v1 =	vld [tilespmem:s16+$0xFFFFFF10]  }
0x7c: {  	v2 =	vld [tilespmem:s16+$0xFFFFFF20]  }
0x7d: {  	v3 =	vld [tilespmem:s16+$0xFFFFFF30]  }
0x7e: {  	v4 =	vld [tilespmem:s16+$0xFFFFFF40]  }
0x7f: {  	v5 =	vld [tilespmem:s16+$0xFFFFFF50];
	v0 =	vmul.f32 $8.000000000e+00, v0  }
0x80: {  	v6 =	vld [tilespmem:s16+$0xFFFFFF60];
	v1 =	vmul.f32 $8.000000000e+00, v1  }
0x81: {  	[tilespmem:s16+$0xFFFFFF00] =	vst v0;
	v0 =	vmul.f32 $8.000000000e+00, v2;
	v2 =	vld [tilespmem:s16+$0xFFFFFF70]  }
0x82: {  	[tilespmem:s16+$0xFFFFFF10] =	vst v1;
	v1 =	vmul.f32 $8.000000000e+00, v3;
	v3 =	vld [tilespmem:s16+$0xFFFFFF80]  }
0x83: {  	[tilespmem:s16+$0xFFFFFF20] =	vst v0;
	v0 =	vmul.f32 $8.000000000e+00, v4;
	v4 =	vld [tilespmem:s16+$0xFFFFFF90]  }
0x84: {  	[tilespmem:s16+$0xFFFFFF30] =	vst v1;
	v1 =	vmul.f32 $8.000000000e+00, v5;
	v5 =	vld [tilespmem:s16+$0xFFFFFFA0]  }
0x85: {  	[tilespmem:s16+$0xFFFFFF40] =	vst v0;
	v0 =	vmul.f32 $8.000000000e+00, v6;
	v6 =	vld [tilespmem:s16+$0xFFFFFFB0]  }
0x86: {  	[tilespmem:s16+$0xFFFFFF50] =	vst v1;
	v1 =	vmul.f32 $8.000000000e+00, v2;
	v2 =	vld [tilespmem:s16+$0xFFFFFFC0]  }
0x87: {  	[tilespmem:s16+$0xFFFFFF60] =	vst v0;
	v0 =	vmul.f32 $8.000000000e+00, v3;
	v3 =	vld [tilespmem:s16+$0xFFFFFFD0]  }
0x88: {  	[tilespmem:s16+$0xFFFFFF70] =	vst v1;
	v1 =	vmul.f32 $8.000000000e+00, v4;
	v4 =	vld [tilespmem:s16+$0xFFFFFFE0]  }
0x89: {  	[tilespmem:s16+$0xFFFFFF80] =	vst v0;
	v0 =	vmul.f32 $8.000000000e+00, v5;
	v5 =	vld [tilespmem:s16+$0x0]  }
0x8a: {  	[tilespmem:s16+$0xFFFFFF90] =	vst v1;
	v1 =	vmul.f32 $8.000000000e+00, v6;
	v6 =	vld [tilespmem:s16+$0x10]  }
0x8b: {  	[tilespmem:s16+$0xFFFFFFA0] =	vst v0;
	v0 =	vmul.f32 $8.000000000e+00, v2;
	v2 =	vld [tilespmem:s16+$0x20]  }
0x8c: {  	[tilespmem:s16+$0xFFFFFFB0] =	vst v1;
	v1 =	vmul.f32 $8.000000000e+00, v3;
	v3 =	vld [tilespmem:s16+$0x30]  }
0x8d: {  	[tilespmem:s16+$0xFFFFFFC0] =	vst v0;
	v0 =	vmul.f32 $8.000000000e+00, v4;
	v4 =	vld [tilespmem:s16+$0x40]  }
0x8e: {  	[tilespmem:s16+$0xFFFFFFD0] =	vst v1;
	v1 =	vmul.f32 $8.000000000e+00, v5;
	v5 =	vld [tilespmem:s16+$0x50]  }
0x8f: {  	[tilespmem:s16+$0xFFFFFFE0] =	vst v0;
	v0 =	vmul.f32 $8.000000000e+00, v6;
	v6 =	vld [tilespmem:s16+$0x60]  }
0x90: {  	[tilespmem:s16+$0x0] =	vst v1;
	v1 =	vmul.f32 $8.000000000e+00, v2;
	v2 =	vld [tilespmem:s16+$0x70]  }
0x91: {  	[tilespmem:s16+$0x10] =	vst v0;
	v0 =	vmul.f32 $8.000000000e+00, v3;
	v3 =	vld [tilespmem:s16+$0x80]  }
0x92: {  	[tilespmem:s16+$0x20] =	vst v1;
	v1 =	vmul.f32 $8.000000000e+00, v4;
	v4 =	vld [tilespmem:s16+$0x90]  }
0x93: {  	[tilespmem:s16+$0x30] =	vst v0;
	v0 =	vmul.f32 $8.000000000e+00, v5;
	v5 =	vld [tilespmem:s16+$0xA0]  }
0x94: {  	[tilespmem:s16+$0x40] =	vst v1;
	v1 =	vmul.f32 $8.000000000e+00, v6;
	v6 =	vld [tilespmem:s16+$0xB0]  }
0x95: {  	[tilespmem:s16+$0x50] =	vst v0;
	v2 =	vmul.f32 $8.000000000e+00, v2;
	v0 =	vld [tilespmem:s16+$0xC0]  }
0x96: {  	[tilespmem:s16+$0x60] =	vst v1;
	v3 =	vmul.f32 $8.000000000e+00, v3;
	v1 =	vld [tilespmem:s16+$0xD0]  }
0x97: {  	[tilespmem:s16+$0x70] =	vst v2;
	v7 =	vmul.f32 $8.000000000e+00, v4;
	v2 =	vld [tilespmem:s16+$0xE0]  }
0x98: {  	[tilespmem:s16+$0x80] =	vst v3;
	v3 =	vld [tilespmem:s16+$0xF0];
	v5 =	vmul.f32 $8.000000000e+00, v5  }
0x99: {  	s18 =	simm.s32 $0xA700;
	s17 =	simm.s32 $0x0;
	v4 =	vld [tilespmem:s16+$0xFFFFFFF0];
	[tilespmem:s16+$0x90] =	vst v7;
	v6 =	vmul.f32 $8.000000000e+00, v6  }
.LBB2_5:
0x9a: {  	v7 =	vld [tilespmem:s18+$0xFFFFFF00];
	[tilespmem:s16+$0xA0] =	vst v5;
	v0 =	vmul.f32 $8.000000000e+00, v0  }
0x9b: {  	v5 =	vld [tilespmem:s18+$0xFFFFFF10];
	[tilespmem:s16+$0xB0] =	vst v6;
	v1 =	vmul.f32 $8.000000000e+00, v1  }
0x9c: {  	v6 =	vld [tilespmem:s18+$0xFFFFFF20];
	[tilespmem:s16+$0xC0] =	vst v0;
	v0 =	vmul.f32 $8.000000000e+00, v2  }
0x9d: {  	v2 =	vld [tilespmem:s18+$0xFFFFFF30];
	[tilespmem:s16+$0xD0] =	vst v1;
	v1 =	vmul.f32 $8.000000000e+00, v3  }
0x9e: {  	v3 =	vld [tilespmem:s18+$0xFFFFFF40];
	v4 =	vmul.f32 $8.000000000e+00, v4;
	[tilespmem:s16+$0xE0] =	vst v0  }
0x9f: {  	v0 =	vmul.f32 $8.000000000e+00, v7;
	v7 =	vld [tilespmem:s18+$0xFFFFFF50];
	[tilespmem:s16+$0xF0] =	vst v1  }
0xa0: {  	v1 =	vmul.f32 $8.000000000e+00, v5;
	v5 =	vld [tilespmem:s18+$0xFFFFFF60];
	[tilespmem:s16+$0xFFFFFFF0] =	vst v4;
	s16 =	smov.u32 s18  }
0xa1: {  	[tilespmem:s18+$0xFFFFFF00] =	vst v0;
	v0 =	vmul.f32 $8.000000000e+00, v6;
	v4 =	vld [tilespmem:s18+$0xFFFFFF70]  }
0xa2: {  	[tilespmem:s18+$0xFFFFFF10] =	vst v1;
	v1 =	vmul.f32 $8.000000000e+00, v2;
	v2 =	vld [tilespmem:s18+$0xFFFFFF80]  }
0xa3: {  	[tilespmem:s18+$0xFFFFFF20] =	vst v0;
	v0 =	vmul.f32 $8.000000000e+00, v3;
	v3 =	vld [tilespmem:s18+$0xFFFFFF90]  }
0xa4: {  	[tilespmem:s18+$0xFFFFFF30] =	vst v1;
	v1 =	vmul.f32 $8.000000000e+00, v7;
	v6 =	vld [tilespmem:s18+$0xFFFFFFA0]  }
0xa5: {  	[tilespmem:s18+$0xFFFFFF40] =	vst v0;
	v0 =	vmul.f32 $8.000000000e+00, v5;
	v5 =	vld [tilespmem:s18+$0xFFFFFFB0]  }
0xa6: {  	[tilespmem:s18+$0xFFFFFF50] =	vst v1;
	v1 =	vmul.f32 $8.000000000e+00, v4;
	v4 =	vld [tilespmem:s18+$0xFFFFFFC0]  }
0xa7: {  	[tilespmem:s18+$0xFFFFFF60] =	vst v0;
	v0 =	vmul.f32 $8.000000000e+00, v2;
	v2 =	vld [tilespmem:s18+$0xFFFFFFD0]  }
0xa8: {  	[tilespmem:s18+$0xFFFFFF70] =	vst v1;
	v1 =	vmul.f32 $8.000000000e+00, v3;
	v3 =	vld [tilespmem:s18+$0xFFFFFFE0]  }
0xa9: {  	[tilespmem:s18+$0xFFFFFF80] =	vst v0;
	v0 =	vmul.f32 $8.000000000e+00, v6;
	v6 =	vld [tilespmem:s18+$0x0]  }
0xaa: {  	[tilespmem:s18+$0xFFFFFF90] =	vst v1;
	v1 =	vmul.f32 $8.000000000e+00, v5;
	v5 =	vld [tilespmem:s18+$0x10]  }
0xab: {  	[tilespmem:s18+$0xFFFFFFA0] =	vst v0;
	v0 =	vmul.f32 $8.000000000e+00, v4;
	v4 =	vld [tilespmem:s18+$0x20]  }
0xac: {  	[tilespmem:s18+$0xFFFFFFB0] =	vst v1;
	v1 =	vmul.f32 $8.000000000e+00, v2;
	v2 =	vld [tilespmem:s18+$0x30]  }
0xad: {  	[tilespmem:s18+$0xFFFFFFC0] =	vst v0;
	v0 =	vmul.f32 $8.000000000e+00, v3;
	v3 =	vld [tilespmem:s18+$0x40]  }
0xae: {  	[tilespmem:s18+$0xFFFFFFD0] =	vst v1;
	v1 =	vmul.f32 $8.000000000e+00, v6;
	v6 =	vld [tilespmem:s18+$0x50]  }
0xaf: {  	[tilespmem:s18+$0xFFFFFFE0] =	vst v0;
	v0 =	vmul.f32 $8.000000000e+00, v5;
	v5 =	vld [tilespmem:s18+$0x60]  }
0xb0: {  	[tilespmem:s18+$0x0] =	vst v1;
	v1 =	vmul.f32 $8.000000000e+00, v4;
	v4 =	vld [tilespmem:s18+$0x70]  }
0xb1: {  	[tilespmem:s18+$0x10] =	vst v0;
	v0 =	vmul.f32 $8.000000000e+00, v2;
	v2 =	vld [tilespmem:s18+$0x80]  }
0xb2: {  	[tilespmem:s18+$0x20] =	vst v1;
	v1 =	vmul.f32 $8.000000000e+00, v3;
	v3 =	vld [tilespmem:s18+$0x90]  }
0xb3: {  	s17 =	sadd.s32 $0x8, s17;
	[tilespmem:s18+$0x30] =	vst v0;
	v0 =	vmul.f32 $8.000000000e+00, v6;
	v6 =	vld [tilespmem:s18+$0xA0]  }
0xb4: {  	p0 =	slt.u32 s17, $0xF8;
	[tilespmem:s18+$0x40] =	vst v1;
	v1 =	vmul.f32 $8.000000000e+00, v5;
	v7 =	vld [tilespmem:s18+$0xB0]  }
.Ltmp1:
0xb5: {  	[tilespmem:s18+$0x50] =	vst v0;
	v4 =	vmul.f32 $8.000000000e+00, v4;
	v0 =	vld [tilespmem:s18+$0xC0];
	(pc) =	sbr.rel @p0 .LBB2_5-.Ltmp1, $4  }
0xb6: {  	[tilespmem:s18+$0x60] =	vst v1;
	v5 =	vmul.f32 $8.000000000e+00, v2;
	v1 =	vld [tilespmem:s18+$0xD0]  }
0xb7: {  	[tilespmem:s18+$0x70] =	vst v4;
	v8 =	vmul.f32 $8.000000000e+00, v3;
	v2 =	vld [tilespmem:s18+$0xE0]  }
0xb8: {  	[tilespmem:s18+$0x80] =	vst v5;
	v5 =	vmul.f32 $8.000000000e+00, v6;
	v3 =	vld [tilespmem:s18+$0xF0]  }
0xb9: {  	s18 =	sadd.s32 $0x200, s18;
	v4 =	vld [tilespmem:s16+$0xFFFFFFF0];
	[tilespmem:s16+$0x90] =	vst v8;
	v6 =	vmul.f32 $8.000000000e+00, v7  }
0xba: {  	[tilespmem:s16+$0xA0] =	vst v5;
	v0 =	vmul.f32 $8.000000000e+00, v0  }
0xbb: {  	[tilespmem:s16+$0xB0] =	vst v6;
	v1 =	vmul.f32 $8.000000000e+00, v1  }
0xbc: {  	[tilespmem:s16+$0xC0] =	vst v0;
	v0 =	vmul.f32 $8.000000000e+00, v2  }
0xbd: {  	[tilespmem:s16+$0xD0] =	vst v1;
	v1 =	vmul.f32 $8.000000000e+00, v3  }
0xbe: {  	v2 =	vmul.f32 $8.000000000e+00, v4;
	[tilespmem:s16+$0xE0] =	vst v0  }
0xbf: {  	p0 =	seq.s32 s13, $0x18;
	[tilespmem:s16+$0xF0] =	vst v1  }
0xc0: {  	[tilespmem:s16+$0xFFFFFFF0] =	vst v2;
	s16 =	simm.s32 @!p0 $0x5  }
0xc1: {  	_ =	swait.ge @!p0 [sflag:s16], $0x4000  }
0xc2: {  	s17 =	sshll.u32 @!p0 s13, $0xA;
	[sflag:s16] =	ssyncset.done @!p0 $0x0  }
0xc3: {  	[sflag:s16] =	ssyncadd.s32 @!p0 $0xFFFFC000;
	s16 =	sand.u32 @!p0 $0x3FFFFC00, s17  }
0xc4: {  	s18 =	simm.s32 @!p0 $0x80;
	s20 =	simm.s32 @!p0 $0x6400;
	s17 =	sadd.s32 @!p0 $0x400, s16  }
0xc5: {  	[tilespmem:s20], [sflag:$0x1] =	stream.indirect.gather @!p0 [hbm4b:s4+s18], $0x40, s17, s18, $0xb8;
	[tilespmem:$0x16400] =	vst v63  }
0xc6: {  	s17 =	sadd.s32 @!p0 $0x480, s16;
	s20 =	simm.s32 @!p0 $0x8400  }
0xc7: {  	[tilespmem:s20], [sflag:$0x1] =	stream.indirect.gather @!p0 [hbm4b:s4+s18], $0x40, s17, s18, $0xb8;
	[tilespmem:$0x16400] =	vst v63  }
0xc8: {  	s17 =	sshll.u32 s13, $0xA  }
0xc9: {  	s21 =	sadd.s32 s17, s7  }
0xca: {  	s18 =	sshll.u32 s21, $0x3  }
0xcb: {  	s18 =	sand.u32 $0x1FFFE800, s18  }
0xcc: {  	s18 =	sadd.s32 s2, s18  }
0xcd: {  	[hbm4b:s18+s3] =	stream.linear.scatter [tilespmem:s15], [sflag:$0x6], $0x4000, $0x38;
	[tilespmem:$0x16400] =	vst v63  }
0xce: {  	_ =	swait.ge [sflag:s26], $0x2000  }
0xcf: {  	[sflag:s26] =	ssyncset.done $0x0  }
0xd0: {  	[sflag:s26] =	ssyncadd.s32 $0xFFFFE000  }
0xd1: {  	_ =	swait.ge [sflag:s26], $0x2000  }
0xd2: {  	[sflag:s26] =	ssyncset.done $0x0  }
0xd3: {  	s18 =	simm.s32 $0xE500;
	[sflag:s26] =	ssyncadd.s32 $0xFFFFE000  }
0xd4: {  	v0 =	vld [tilespmem:s18+$0xFFFFFF00]  }
0xd5: {  	v1 =	vld [tilespmem:s18+$0xFFFFFF10]  }
0xd6: {  	v2 =	vld [tilespmem:s18+$0xFFFFFF20]  }
0xd7: {  	v3 =	vld [tilespmem:s18+$0xFFFFFF30]  }
0xd8: {  	v4 =	vld [tilespmem:s18+$0xFFFFFF40]  }
0xd9: {  	v5 =	vld [tilespmem:s18+$0xFFFFFF50];
	v0 =	vmul.f32 $8.000000000e+00, v0  }
0xda: {  	v6 =	vld [tilespmem:s18+$0xFFFFFF60];
	v1 =	vmul.f32 $8.000000000e+00, v1  }
0xdb: {  	[tilespmem:s18+$0xFFFFFF00] =	vst v0;
	v0 =	vmul.f32 $8.000000000e+00, v2;
	v2 =	vld [tilespmem:s18+$0xFFFFFF70]  }
0xdc: {  	[tilespmem:s18+$0xFFFFFF10] =	vst v1;
	v1 =	vmul.f32 $8.000000000e+00, v3;
	v3 =	vld [tilespmem:s18+$0xFFFFFF80]  }
0xdd: {  	[tilespmem:s18+$0xFFFFFF20] =	vst v0;
	v0 =	vmul.f32 $8.000000000e+00, v4;
	v4 =	vld [tilespmem:s18+$0xFFFFFF90]  }
0xde: {  	[tilespmem:s18+$0xFFFFFF30] =	vst v1;
	v1 =	vmul.f32 $8.000000000e+00, v5;
	v5 =	vld [tilespmem:s18+$0xFFFFFFA0]  }
0xdf: {  	[tilespmem:s18+$0xFFFFFF40] =	vst v0;
	v0 =	vmul.f32 $8.000000000e+00, v6;
	v6 =	vld [tilespmem:s18+$0xFFFFFFB0]  }
0xe0: {  	[tilespmem:s18+$0xFFFFFF50] =	vst v1;
	v1 =	vmul.f32 $8.000000000e+00, v2;
	v2 =	vld [tilespmem:s18+$0xFFFFFFC0]  }
0xe1: {  	[tilespmem:s18+$0xFFFFFF60] =	vst v0;
	v0 =	vmul.f32 $8.000000000e+00, v3;
	v3 =	vld [tilespmem:s18+$0xFFFFFFD0]  }
0xe2: {  	[tilespmem:s18+$0xFFFFFF70] =	vst v1;
	v1 =	vmul.f32 $8.000000000e+00, v4;
	v4 =	vld [tilespmem:s18+$0xFFFFFFE0]  }
0xe3: {  	[tilespmem:s18+$0xFFFFFF80] =	vst v0;
	v0 =	vmul.f32 $8.000000000e+00, v5;
	v5 =	vld [tilespmem:s18+$0x0]  }
0xe4: {  	[tilespmem:s18+$0xFFFFFF90] =	vst v1;
	v1 =	vmul.f32 $8.000000000e+00, v6;
	v6 =	vld [tilespmem:s18+$0x10]  }
0xe5: {  	[tilespmem:s18+$0xFFFFFFA0] =	vst v0;
	v0 =	vmul.f32 $8.000000000e+00, v2;
	v2 =	vld [tilespmem:s18+$0x20]  }
0xe6: {  	[tilespmem:s18+$0xFFFFFFB0] =	vst v1;
	v1 =	vmul.f32 $8.000000000e+00, v3;
	v3 =	vld [tilespmem:s18+$0x30]  }
0xe7: {  	[tilespmem:s18+$0xFFFFFFC0] =	vst v0;
	v0 =	vmul.f32 $8.000000000e+00, v4;
	v4 =	vld [tilespmem:s18+$0x40]  }
0xe8: {  	[tilespmem:s18+$0xFFFFFFD0] =	vst v1;
	v1 =	vmul.f32 $8.000000000e+00, v5;
	v5 =	vld [tilespmem:s18+$0x50]  }
0xe9: {  	[tilespmem:s18+$0xFFFFFFE0] =	vst v0;
	v0 =	vmul.f32 $8.000000000e+00, v6;
	v6 =	vld [tilespmem:s18+$0x60]  }
0xea: {  	[tilespmem:s18+$0x0] =	vst v1;
	v1 =	vmul.f32 $8.000000000e+00, v2;
	v2 =	vld [tilespmem:s18+$0x70]  }
0xeb: {  	[tilespmem:s18+$0x10] =	vst v0;
	v0 =	vmul.f32 $8.000000000e+00, v3;
	v3 =	vld [tilespmem:s18+$0x80]  }
0xec: {  	[tilespmem:s18+$0x20] =	vst v1;
	v1 =	vmul.f32 $8.000000000e+00, v4;
	v4 =	vld [tilespmem:s18+$0x90]  }
0xed: {  	[tilespmem:s18+$0x30] =	vst v0;
	v0 =	vmul.f32 $8.000000000e+00, v5;
	v5 =	vld [tilespmem:s18+$0xA0]  }
0xee: {  	[tilespmem:s18+$0x40] =	vst v1;
	v1 =	vmul.f32 $8.000000000e+00, v6;
	v6 =	vld [tilespmem:s18+$0xB0]  }
0xef: {  	[tilespmem:s18+$0x50] =	vst v0;
	v2 =	vmul.f32 $8.000000000e+00, v2;
	v0 =	vld [tilespmem:s18+$0xC0]  }
0xf0: {  	[tilespmem:s18+$0x60] =	vst v1;
	v3 =	vmul.f32 $8.000000000e+00, v3;
	v1 =	vld [tilespmem:s18+$0xD0]  }
0xf1: {  	[tilespmem:s18+$0x70] =	vst v2;
	v7 =	vmul.f32 $8.000000000e+00, v4;
	v2 =	vld [tilespmem:s18+$0xE0]  }
0xf2: {  	[tilespmem:s18+$0x80] =	vst v3;
	v3 =	vld [tilespmem:s18+$0xF0];
	v5 =	vmul.f32 $8.000000000e+00, v5  }
0xf3: {  	s20 =	simm.s32 $0x0;
	s21 =	simm.s32 $0xE700;
	v4 =	vld [tilespmem:s18+$0xFFFFFFF0];
	[tilespmem:s18+$0x90] =	vst v7;
	v6 =	vmul.f32 $8.000000000e+00, v6  }
.LBB2_7:
0xf4: {  	v7 =	vld [tilespmem:s21+$0xFFFFFF00];
	[tilespmem:s18+$0xA0] =	vst v5;
	v0 =	vmul.f32 $8.000000000e+00, v0  }
0xf5: {  	v5 =	vld [tilespmem:s21+$0xFFFFFF10];
	[tilespmem:s18+$0xB0] =	vst v6;
	v1 =	vmul.f32 $8.000000000e+00, v1  }
0xf6: {  	v6 =	vld [tilespmem:s21+$0xFFFFFF20];
	[tilespmem:s18+$0xC0] =	vst v0;
	v0 =	vmul.f32 $8.000000000e+00, v2  }
0xf7: {  	v2 =	vld [tilespmem:s21+$0xFFFFFF30];
	[tilespmem:s18+$0xD0] =	vst v1;
	v1 =	vmul.f32 $8.000000000e+00, v3  }
0xf8: {  	v3 =	vld [tilespmem:s21+$0xFFFFFF40];
	v4 =	vmul.f32 $8.000000000e+00, v4;
	[tilespmem:s18+$0xE0] =	vst v0  }
0xf9: {  	v0 =	vmul.f32 $8.000000000e+00, v7;
	v7 =	vld [tilespmem:s21+$0xFFFFFF50];
	[tilespmem:s18+$0xF0] =	vst v1  }
0xfa: {  	v1 =	vmul.f32 $8.000000000e+00, v5;
	v5 =	vld [tilespmem:s21+$0xFFFFFF60];
	[tilespmem:s18+$0xFFFFFFF0] =	vst v4;
	s18 =	smov.u32 s21  }
0xfb: {  	[tilespmem:s21+$0xFFFFFF00] =	vst v0;
	v0 =	vmul.f32 $8.000000000e+00, v6;
	v4 =	vld [tilespmem:s21+$0xFFFFFF70]  }
0xfc: {  	[tilespmem:s21+$0xFFFFFF10] =	vst v1;
	v1 =	vmul.f32 $8.000000000e+00, v2;
	v2 =	vld [tilespmem:s21+$0xFFFFFF80]  }
0xfd: {  	[tilespmem:s21+$0xFFFFFF20] =	vst v0;
	v0 =	vmul.f32 $8.000000000e+00, v3;
	v3 =	vld [tilespmem:s21+$0xFFFFFF90]  }
0xfe: {  	[tilespmem:s21+$0xFFFFFF30] =	vst v1;
	v1 =	vmul.f32 $8.000000000e+00, v7;
	v6 =	vld [tilespmem:s21+$0xFFFFFFA0]  }
0xff: {  	[tilespmem:s21+$0xFFFFFF40] =	vst v0;
	v0 =	vmul.f32 $8.000000000e+00, v5;
	v5 =	vld [tilespmem:s21+$0xFFFFFFB0]  }
0x100: {  	[tilespmem:s21+$0xFFFFFF50] =	vst v1;
	v1 =	vmul.f32 $8.000000000e+00, v4;
	v4 =	vld [tilespmem:s21+$0xFFFFFFC0]  }
0x101: {  	[tilespmem:s21+$0xFFFFFF60] =	vst v0;
	v0 =	vmul.f32 $8.000000000e+00, v2;
	v2 =	vld [tilespmem:s21+$0xFFFFFFD0]  }
0x102: {  	[tilespmem:s21+$0xFFFFFF70] =	vst v1;
	v1 =	vmul.f32 $8.000000000e+00, v3;
	v3 =	vld [tilespmem:s21+$0xFFFFFFE0]  }
0x103: {  	[tilespmem:s21+$0xFFFFFF80] =	vst v0;
	v0 =	vmul.f32 $8.000000000e+00, v6;
	v6 =	vld [tilespmem:s21+$0x0]  }
0x104: {  	[tilespmem:s21+$0xFFFFFF90] =	vst v1;
	v1 =	vmul.f32 $8.000000000e+00, v5;
	v5 =	vld [tilespmem:s21+$0x10]  }
0x105: {  	[tilespmem:s21+$0xFFFFFFA0] =	vst v0;
	v0 =	vmul.f32 $8.000000000e+00, v4;
	v4 =	vld [tilespmem:s21+$0x20]  }
0x106: {  	[tilespmem:s21+$0xFFFFFFB0] =	vst v1;
	v1 =	vmul.f32 $8.000000000e+00, v2;
	v2 =	vld [tilespmem:s21+$0x30]  }
0x107: {  	[tilespmem:s21+$0xFFFFFFC0] =	vst v0;
	v0 =	vmul.f32 $8.000000000e+00, v3;
	v3 =	vld [tilespmem:s21+$0x40]  }
0x108: {  	[tilespmem:s21+$0xFFFFFFD0] =	vst v1;
	v1 =	vmul.f32 $8.000000000e+00, v6;
	v6 =	vld [tilespmem:s21+$0x50]  }
0x109: {  	[tilespmem:s21+$0xFFFFFFE0] =	vst v0;
	v0 =	vmul.f32 $8.000000000e+00, v5;
	v5 =	vld [tilespmem:s21+$0x60]  }
0x10a: {  	[tilespmem:s21+$0x0] =	vst v1;
	v1 =	vmul.f32 $8.000000000e+00, v4;
	v4 =	vld [tilespmem:s21+$0x70]  }
0x10b: {  	[tilespmem:s21+$0x10] =	vst v0;
	v0 =	vmul.f32 $8.000000000e+00, v2;
	v2 =	vld [tilespmem:s21+$0x80]  }
0x10c: {  	[tilespmem:s21+$0x20] =	vst v1;
	v1 =	vmul.f32 $8.000000000e+00, v3;
	v3 =	vld [tilespmem:s21+$0x90]  }
0x10d: {  	s20 =	sadd.s32 $0x8, s20;
	[tilespmem:s21+$0x30] =	vst v0;
	v0 =	vmul.f32 $8.000000000e+00, v6;
	v6 =	vld [tilespmem:s21+$0xA0]  }
0x10e: {  	p1 =	slt.u32 s20, $0xF8;
	[tilespmem:s21+$0x40] =	vst v1;
	v1 =	vmul.f32 $8.000000000e+00, v5;
	v7 =	vld [tilespmem:s21+$0xB0]  }
.Ltmp2:
0x10f: {  	[tilespmem:s21+$0x50] =	vst v0;
	v4 =	vmul.f32 $8.000000000e+00, v4;
	v0 =	vld [tilespmem:s21+$0xC0];
	(pc) =	sbr.rel @p1 .LBB2_7-.Ltmp2, $4  }
0x110: {  	[tilespmem:s21+$0x60] =	vst v1;
	v5 =	vmul.f32 $8.000000000e+00, v2;
	v1 =	vld [tilespmem:s21+$0xD0]  }
0x111: {  	[tilespmem:s21+$0x70] =	vst v4;
	v8 =	vmul.f32 $8.000000000e+00, v3;
	v2 =	vld [tilespmem:s21+$0xE0]  }
0x112: {  	[tilespmem:s21+$0x80] =	vst v5;
	v5 =	vmul.f32 $8.000000000e+00, v6;
	v3 =	vld [tilespmem:s21+$0xF0]  }
0x113: {  	s21 =	sadd.s32 $0x200, s21;
	v4 =	vld [tilespmem:s18+$0xFFFFFFF0];
	[tilespmem:s18+$0x90] =	vst v8;
	v6 =	vmul.f32 $8.000000000e+00, v7  }
0x114: {  	[tilespmem:s18+$0xA0] =	vst v5;
	v0 =	vmul.f32 $8.000000000e+00, v0  }
0x115: {  	[tilespmem:s18+$0xB0] =	vst v6;
	v1 =	vmul.f32 $8.000000000e+00, v1  }
0x116: {  	[tilespmem:s18+$0xC0] =	vst v0;
	v0 =	vmul.f32 $8.000000000e+00, v2  }
0x117: {  	[tilespmem:s18+$0xD0] =	vst v1;
	v1 =	vmul.f32 $8.000000000e+00, v3  }
0x118: {  	v2 =	vmul.f32 $8.000000000e+00, v4;
	[tilespmem:s18+$0xE0] =	vst v0  }
0x119: {  	[tilespmem:s18+$0xF0] =	vst v1  }
0x11a: {  	[tilespmem:s18+$0xFFFFFFF0] =	vst v2;
	s18 =	simm.s32 @!p0 $0x6  }
0x11b: {  	s20 =	simm.s32 @!p0 $0x80;
	_ =	swait.ge @!p0 [sflag:s18], $0x4000  }
0x11c: {  	s21 =	simm.s32 @!p0 $0xA400;
	s17 =	sadd.s32 s17, s8;
	[sflag:s18] =	ssyncset.done @!p0 $0x0  }
0x11d: {  	s17 =	sshll.u32 s17, $0x3;
	[sflag:s18] =	ssyncadd.s32 @!p0 $0xFFFFC000;
	s18 =	sadd.s32 @!p0 $0x500, s16  }
0x11e: {  	[tilespmem:s21], [sflag:$0x2] =	stream.indirect.gather @!p0 [hbm4b:s4+s20], $0x40, s18, s20, $0xb8;
	[tilespmem:$0x16400] =	vst v63  }
0x11f: {  	s17 =	sand.u32 $0x1FFFF000, s17;
	s18 =	sadd.s32 @!p0 $0x580, s16;
	s21 =	simm.s32 @!p0 $0xC400  }
0x120: {  	[tilespmem:s21], [sflag:$0x2] =	stream.indirect.gather @!p0 [hbm4b:s4+s20], $0x40, s18, s20, $0xb8;
	[tilespmem:$0x16400] =	vst v63  }
0x121: {  	s17 =	sadd.s32 s2, s17  }
0x122: {  	[hbm4b:s17+s3] =	stream.linear.scatter [tilespmem:s19], [sflag:$0x7], $0x4000, $0x38;
	[tilespmem:$0x16400] =	vst v63  }
0x123: {  	_ =	swait.ge [sflag:s28], $0x2000  }
0x124: {  	[sflag:s28] =	ssyncset.done $0x0  }
0x125: {  	[sflag:s28] =	ssyncadd.s32 $0xFFFFE000  }
0x126: {  	_ =	swait.ge [sflag:s28], $0x2000  }
0x127: {  	[sflag:s28] =	ssyncset.done $0x0  }
0x128: {  	s17 =	simm.s32 $0x12500;
	[sflag:s28] =	ssyncadd.s32 $0xFFFFE000  }
0x129: {  	v0 =	vld [tilespmem:s17+$0xFFFFFF00]  }
0x12a: {  	v1 =	vld [tilespmem:s17+$0xFFFFFF10]  }
0x12b: {  	v2 =	vld [tilespmem:s17+$0xFFFFFF20]  }
0x12c: {  	v3 =	vld [tilespmem:s17+$0xFFFFFF30]  }
0x12d: {  	v4 =	vld [tilespmem:s17+$0xFFFFFF40]  }
0x12e: {  	v5 =	vld [tilespmem:s17+$0xFFFFFF50];
	v0 =	vmul.f32 $8.000000000e+00, v0  }
0x12f: {  	v6 =	vld [tilespmem:s17+$0xFFFFFF60];
	v1 =	vmul.f32 $8.000000000e+00, v1  }
0x130: {  	[tilespmem:s17+$0xFFFFFF00] =	vst v0;
	v0 =	vmul.f32 $8.000000000e+00, v2;
	v2 =	vld [tilespmem:s17+$0xFFFFFF70]  }
0x131: {  	[tilespmem:s17+$0xFFFFFF10] =	vst v1;
	v1 =	vmul.f32 $8.000000000e+00, v3;
	v3 =	vld [tilespmem:s17+$0xFFFFFF80]  }
0x132: {  	[tilespmem:s17+$0xFFFFFF20] =	vst v0;
	v0 =	vmul.f32 $8.000000000e+00, v4;
	v4 =	vld [tilespmem:s17+$0xFFFFFF90]  }
0x133: {  	[tilespmem:s17+$0xFFFFFF30] =	vst v1;
	v1 =	vmul.f32 $8.000000000e+00, v5;
	v5 =	vld [tilespmem:s17+$0xFFFFFFA0]  }
0x134: {  	[tilespmem:s17+$0xFFFFFF40] =	vst v0;
	v0 =	vmul.f32 $8.000000000e+00, v6;
	v6 =	vld [tilespmem:s17+$0xFFFFFFB0]  }
0x135: {  	[tilespmem:s17+$0xFFFFFF50] =	vst v1;
	v1 =	vmul.f32 $8.000000000e+00, v2;
	v2 =	vld [tilespmem:s17+$0xFFFFFFC0]  }
0x136: {  	[tilespmem:s17+$0xFFFFFF60] =	vst v0;
	v0 =	vmul.f32 $8.000000000e+00, v3;
	v3 =	vld [tilespmem:s17+$0xFFFFFFD0]  }
0x137: {  	[tilespmem:s17+$0xFFFFFF70] =	vst v1;
	v1 =	vmul.f32 $8.000000000e+00, v4;
	v4 =	vld [tilespmem:s17+$0xFFFFFFE0]  }
0x138: {  	[tilespmem:s17+$0xFFFFFF80] =	vst v0;
	v0 =	vmul.f32 $8.000000000e+00, v5;
	v5 =	vld [tilespmem:s17+$0x0]  }
0x139: {  	[tilespmem:s17+$0xFFFFFF90] =	vst v1;
	v1 =	vmul.f32 $8.000000000e+00, v6;
	v6 =	vld [tilespmem:s17+$0x10]  }
0x13a: {  	[tilespmem:s17+$0xFFFFFFA0] =	vst v0;
	v0 =	vmul.f32 $8.000000000e+00, v2;
	v2 =	vld [tilespmem:s17+$0x20]  }
0x13b: {  	[tilespmem:s17+$0xFFFFFFB0] =	vst v1;
	v1 =	vmul.f32 $8.000000000e+00, v3;
	v3 =	vld [tilespmem:s17+$0x30]  }
0x13c: {  	[tilespmem:s17+$0xFFFFFFC0] =	vst v0;
	v0 =	vmul.f32 $8.000000000e+00, v4;
	v4 =	vld [tilespmem:s17+$0x40]  }
0x13d: {  	[tilespmem:s17+$0xFFFFFFD0] =	vst v1;
	v1 =	vmul.f32 $8.000000000e+00, v5;
	v5 =	vld [tilespmem:s17+$0x50]  }
0x13e: {  	[tilespmem:s17+$0xFFFFFFE0] =	vst v0;
	v0 =	vmul.f32 $8.000000000e+00, v6;
	v6 =	vld [tilespmem:s17+$0x60]  }
0x13f: {  	[tilespmem:s17+$0x0] =	vst v1;
	v1 =	vmul.f32 $8.000000000e+00, v2;
	v2 =	vld [tilespmem:s17+$0x70]  }
0x140: {  	[tilespmem:s17+$0x10] =	vst v0;
	v0 =	vmul.f32 $8.000000000e+00, v3;
	v3 =	vld [tilespmem:s17+$0x80]  }
0x141: {  	[tilespmem:s17+$0x20] =	vst v1;
	v1 =	vmul.f32 $8.000000000e+00, v4;
	v4 =	vld [tilespmem:s17+$0x90]  }
0x142: {  	[tilespmem:s17+$0x30] =	vst v0;
	v0 =	vmul.f32 $8.000000000e+00, v5;
	v5 =	vld [tilespmem:s17+$0xA0]  }
0x143: {  	[tilespmem:s17+$0x40] =	vst v1;
	v1 =	vmul.f32 $8.000000000e+00, v6;
	v6 =	vld [tilespmem:s17+$0xB0]  }
0x144: {  	[tilespmem:s17+$0x50] =	vst v0;
	v2 =	vmul.f32 $8.000000000e+00, v2;
	v0 =	vld [tilespmem:s17+$0xC0]  }
0x145: {  	[tilespmem:s17+$0x60] =	vst v1;
	v3 =	vmul.f32 $8.000000000e+00, v3;
	v1 =	vld [tilespmem:s17+$0xD0]  }
0x146: {  	[tilespmem:s17+$0x70] =	vst v2;
	v7 =	vmul.f32 $8.000000000e+00, v4;
	v2 =	vld [tilespmem:s17+$0xE0]  }
0x147: {  	[tilespmem:s17+$0x80] =	vst v3;
	v3 =	vld [tilespmem:s17+$0xF0];
	v5 =	vmul.f32 $8.000000000e+00, v5  }
0x148: {  	s18 =	simm.s32 $0x0;
	s20 =	simm.s32 $0x12700;
	v4 =	vld [tilespmem:s17+$0xFFFFFFF0];
	[tilespmem:s17+$0x90] =	vst v7;
	v6 =	vmul.f32 $8.000000000e+00, v6  }
.LBB2_9:
0x149: {  	v7 =	vld [tilespmem:s20+$0xFFFFFF00];
	[tilespmem:s17+$0xA0] =	vst v5;
	v0 =	vmul.f32 $8.000000000e+00, v0  }
0x14a: {  	v5 =	vld [tilespmem:s20+$0xFFFFFF10];
	[tilespmem:s17+$0xB0] =	vst v6;
	v1 =	vmul.f32 $8.000000000e+00, v1  }
0x14b: {  	v6 =	vld [tilespmem:s20+$0xFFFFFF20];
	[tilespmem:s17+$0xC0] =	vst v0;
	v0 =	vmul.f32 $8.000000000e+00, v2  }
0x14c: {  	v2 =	vld [tilespmem:s20+$0xFFFFFF30];
	[tilespmem:s17+$0xD0] =	vst v1;
	v1 =	vmul.f32 $8.000000000e+00, v3  }
0x14d: {  	v3 =	vld [tilespmem:s20+$0xFFFFFF40];
	v4 =	vmul.f32 $8.000000000e+00, v4;
	[tilespmem:s17+$0xE0] =	vst v0  }
0x14e: {  	v0 =	vmul.f32 $8.000000000e+00, v7;
	v7 =	vld [tilespmem:s20+$0xFFFFFF50];
	[tilespmem:s17+$0xF0] =	vst v1  }
0x14f: {  	v1 =	vmul.f32 $8.000000000e+00, v5;
	v5 =	vld [tilespmem:s20+$0xFFFFFF60];
	[tilespmem:s17+$0xFFFFFFF0] =	vst v4;
	s17 =	smov.u32 s20  }
0x150: {  	[tilespmem:s20+$0xFFFFFF00] =	vst v0;
	v0 =	vmul.f32 $8.000000000e+00, v6;
	v4 =	vld [tilespmem:s20+$0xFFFFFF70]  }
0x151: {  	[tilespmem:s20+$0xFFFFFF10] =	vst v1;
	v1 =	vmul.f32 $8.000000000e+00, v2;
	v2 =	vld [tilespmem:s20+$0xFFFFFF80]  }
0x152: {  	[tilespmem:s20+$0xFFFFFF20] =	vst v0;
	v0 =	vmul.f32 $8.000000000e+00, v3;
	v3 =	vld [tilespmem:s20+$0xFFFFFF90]  }
0x153: {  	[tilespmem:s20+$0xFFFFFF30] =	vst v1;
	v1 =	vmul.f32 $8.000000000e+00, v7;
	v6 =	vld [tilespmem:s20+$0xFFFFFFA0]  }
0x154: {  	[tilespmem:s20+$0xFFFFFF40] =	vst v0;
	v0 =	vmul.f32 $8.000000000e+00, v5;
	v5 =	vld [tilespmem:s20+$0xFFFFFFB0]  }
0x155: {  	[tilespmem:s20+$0xFFFFFF50] =	vst v1;
	v1 =	vmul.f32 $8.000000000e+00, v4;
	v4 =	vld [tilespmem:s20+$0xFFFFFFC0]  }
0x156: {  	[tilespmem:s20+$0xFFFFFF60] =	vst v0;
	v0 =	vmul.f32 $8.000000000e+00, v2;
	v2 =	vld [tilespmem:s20+$0xFFFFFFD0]  }
0x157: {  	[tilespmem:s20+$0xFFFFFF70] =	vst v1;
	v1 =	vmul.f32 $8.000000000e+00, v3;
	v3 =	vld [tilespmem:s20+$0xFFFFFFE0]  }
0x158: {  	[tilespmem:s20+$0xFFFFFF80] =	vst v0;
	v0 =	vmul.f32 $8.000000000e+00, v6;
	v6 =	vld [tilespmem:s20+$0x0]  }
0x159: {  	[tilespmem:s20+$0xFFFFFF90] =	vst v1;
	v1 =	vmul.f32 $8.000000000e+00, v5;
	v5 =	vld [tilespmem:s20+$0x10]  }
0x15a: {  	[tilespmem:s20+$0xFFFFFFA0] =	vst v0;
	v0 =	vmul.f32 $8.000000000e+00, v4;
	v4 =	vld [tilespmem:s20+$0x20]  }
0x15b: {  	[tilespmem:s20+$0xFFFFFFB0] =	vst v1;
	v1 =	vmul.f32 $8.000000000e+00, v2;
	v2 =	vld [tilespmem:s20+$0x30]  }
0x15c: {  	[tilespmem:s20+$0xFFFFFFC0] =	vst v0;
	v0 =	vmul.f32 $8.000000000e+00, v3;
	v3 =	vld [tilespmem:s20+$0x40]  }
0x15d: {  	[tilespmem:s20+$0xFFFFFFD0] =	vst v1;
	v1 =	vmul.f32 $8.000000000e+00, v6;
	v6 =	vld [tilespmem:s20+$0x50]  }
0x15e: {  	[tilespmem:s20+$0xFFFFFFE0] =	vst v0;
	v0 =	vmul.f32 $8.000000000e+00, v5;
	v5 =	vld [tilespmem:s20+$0x60]  }
0x15f: {  	[tilespmem:s20+$0x0] =	vst v1;
	v1 =	vmul.f32 $8.000000000e+00, v4;
	v4 =	vld [tilespmem:s20+$0x70]  }
0x160: {  	[tilespmem:s20+$0x10] =	vst v0;
	v0 =	vmul.f32 $8.000000000e+00, v2;
	v2 =	vld [tilespmem:s20+$0x80]  }
0x161: {  	[tilespmem:s20+$0x20] =	vst v1;
	v1 =	vmul.f32 $8.000000000e+00, v3;
	v3 =	vld [tilespmem:s20+$0x90]  }
0x162: {  	s18 =	sadd.s32 $0x8, s18;
	[tilespmem:s20+$0x30] =	vst v0;
	v0 =	vmul.f32 $8.000000000e+00, v6;
	v6 =	vld [tilespmem:s20+$0xA0]  }
0x163: {  	p1 =	slt.u32 s18, $0xF8;
	[tilespmem:s20+$0x40] =	vst v1;
	v1 =	vmul.f32 $8.000000000e+00, v5;
	v7 =	vld [tilespmem:s20+$0xB0]  }
.Ltmp3:
0x164: {  	[tilespmem:s20+$0x50] =	vst v0;
	v4 =	vmul.f32 $8.000000000e+00, v4;
	v0 =	vld [tilespmem:s20+$0xC0];
	(pc) =	sbr.rel @p1 .LBB2_9-.Ltmp3, $4  }
0x165: {  	[tilespmem:s20+$0x60] =	vst v1;
	v5 =	vmul.f32 $8.000000000e+00, v2;
	v1 =	vld [tilespmem:s20+$0xD0]  }
0x166: {  	[tilespmem:s20+$0x70] =	vst v4;
	v8 =	vmul.f32 $8.000000000e+00, v3;
	v2 =	vld [tilespmem:s20+$0xE0]  }
0x167: {  	[tilespmem:s20+$0x80] =	vst v5;
	v5 =	vmul.f32 $8.000000000e+00, v6;
	v3 =	vld [tilespmem:s20+$0xF0]  }
0x168: {  	s20 =	sadd.s32 $0x200, s20;
	v4 =	vld [tilespmem:s17+$0xFFFFFFF0];
	[tilespmem:s17+$0x90] =	vst v8;
	v6 =	vmul.f32 $8.000000000e+00, v7  }
0x169: {  	[tilespmem:s17+$0xA0] =	vst v5;
	v0 =	vmul.f32 $8.000000000e+00, v0  }
0x16a: {  	[tilespmem:s17+$0xB0] =	vst v6;
	v1 =	vmul.f32 $8.000000000e+00, v1  }
0x16b: {  	[tilespmem:s17+$0xC0] =	vst v0;
	v61 =	vmul.f32 $8.000000000e+00, v2  }
0x16c: {  	[tilespmem:s17+$0xD0] =	vst v1;
	v62 =	vmul.f32 $8.000000000e+00, v3  }
0x16d: {  	v63 =	vmul.f32 $8.000000000e+00, v4;
	[tilespmem:s17+$0xE0] =	vst v61  }
0x16e: {  	[tilespmem:s17+$0xF0] =	vst v62  }
0x16f: {  	[tilespmem:s17+$0xFFFFFFF0] =	vst v63;
	s17 =	simm.s32 @!p0 $0x7  }
0x170: {  	_ =	swait.ge @!p0 [sflag:s17], $0x4000  }
0x171: {  	s18 =	simm.s32 @!p0 $0x80;
	[sflag:s17] =	ssyncset.done @!p0 $0x0  }
0x172: {  	s20 =	simm.s32 @!p0 $0xE400;
	[sflag:s17] =	ssyncadd.s32 @!p0 $0xFFFFC000;
	s17 =	sadd.s32 @!p0 $0x600, s16  }
0x173: {  	[tilespmem:s20], [sflag:$0x3] =	stream.indirect.gather @!p0 [hbm4b:s4+s18], $0x40, s17, s18, $0xb8;
	[tilespmem:$0x16400] =	vst v63  }
0x174: {  	s13 =	sadd.s32 $0x1, s13;
	s16 =	sadd.s32 @!p0 $0x680, s16;
	s17 =	simm.s32 @!p0 $0x10400  }
0x175: {  	[tilespmem:s17], [sflag:$0x3] =	stream.indirect.gather @!p0 [hbm4b:s4+s18], $0x40, s16, s18, $0xb8;
	[tilespmem:$0x16400] =	vst v63  }
0x176: {  	p0 =	sne.s32 s13, $0x19  }
.Ltmp4:
0x177: {  	s14 =	sshll.u32 s14, $0xE;
	(pc) =	sbr.rel @p0 .LBB2_2-.Ltmp4, $4  }
0x178: {  	s14 =	sadd.s32 s6, s14  }
0x179: {  	s14 =	sshrl.u32 s14, $0x3  }
0x17a: {  	s14 =	sadd.s32 s2, s14  }
0x17b: {  	[hbm4b:s14+s3] =	stream.linear.scatter [tilespmem:s23], [sflag:$0x8], $0x4000, $0x38;
	[tilespmem:$0x16400] =	vst v63  }
0x17c: {  	_ =	swait.ge [sflag:s29], $0x4000  }
0x17d: {  	[sflag:s29] =	ssyncset.done $0x0  }
0x17e: {  	[sflag:s29] =	ssyncadd.s32 $0xFFFFC000  }
0x17f: {  	_ =	swait.ge [sflag:s30], $0x4000  }
0x180: {  	[sflag:s30] =	ssyncset.done $0x0  }
0x181: {  	s0 =	sadd.s32 $0x1, s0;
	[sflag:s30] =	ssyncadd.s32 $0xFFFFC000  }
0x182: {  	p0 =	sne.s32 s0, s9;
	_ =	swait.ge [sflag:s31], $0x4000  }
.Ltmp5:
0x183: {  	[sflag:s31] =	ssyncset.done $0x0;
	(pc) =	sbr.rel @p0 .LBB2_1-.Ltmp5, $4  }
0x184: {  	[sflag:s31] =	ssyncadd.s32 $0xFFFFC000  }
0x185: {  	_ =	swait.ge [sflag:s1], $0x4000  }
0x186: {  	[sflag:s1] =	ssyncset.done $0x0  }
0x187: {  	[sflag:s1] =	ssyncadd.s32 $0xFFFFC000  }
0x188: {  	_ =	sfence.sel $0x180000  }
0x189: {  	[bflag:$0x0] =	sbarrier.arrive $0xFFFF  }
0x18a: {  	_ =	strace $0x90000047  }
0x18b: {  	s0 =	stileid.u32;
	[bflag:$0x2] =	sbarrier.arrive $0xFFFF  }
0x18c: {  	p0 =	sne.s32 s0, $0x0;
	s0 =	rddreg [dreg:$0x2]  }
0x18d: {  	s0 =	sadd.s32 @!p0 $0x100000, s0  }
0x18e: {  	[sflag:s0] =	ssyncadd.tile.s32 @!p0 $0x1;
	_ =	shalt  }
.Lfunc_end2:
_tile_overlayer_lowered:
.L_overlay_start_2:
0x18f: {  	(tag) =	ssettag $0x2  }
0x190: {  	s0 =	rddreg [dreg:$0x0];
	s2 =	stileid.u32  }
0x191: {  	s1 =	rddreg [dreg:$0x1];
	p0 =	sne.s32 s2, $0x0  }
0x192: {  	s3 =	rddreg [dreg:$0x2];
	[bflag:$0x3] =	sbarrier.arrive $0xFFFF;
	s2 =	simm.s32 @!p0 $0x1C09  }
0x193: {  	[timem:s3], [sflag:s2] =	dma.local @!p0 [hbm:s0], s1  }
0x194: {  	s0 =	simm.s32 @!p0 $0x9  }
0x195: {  	_ =	swait.ge @!p0 [sflag:s0], s1  }
0x196: {  	s1 =	ssub.s32 @!p0 $0x0, s1;
	[sflag:s0] =	ssyncset.done @!p0 $0x0  }
0x197: {  	[sflag:s0] =	ssyncadd.s32 @!p0 s1  }
0x198: {  	[bflag:$0x3] =	sbarrier.arrive $0xFFFF  }
0x199: {  	_ =	shalt  }

// kernel: sparse-core-data-format-call.cloned.1.call-start
scs
called_computation_lowered:
.L_overlay_start_0:
0x0: {  	s2 =	sld [smem:$0x3FD9]  }
0x1: {  	s3 =	sld [smem:$0x3FFE];
	_ =	sdelay $0x1  }
0x2: {  	s1 =	srdreg.scid  }
0x3: {  	s0 =	sand.u32 $0x1, s1  }
0x4: {  	s18 =	sshll.u32 s0, $0xA;
	s2 =	sadd.s32 s3, s2  }
0x5: {  	s2 =	sadd.s32 s2, s18  }
0x6: {  	[smem:$0x3FC6] =	sst s2  }
0x7: {  	_ = 	snop  }
0x8: {  	s2 =	sld [smem:$0x3FD0];
	(tm) =	ssettm $0x1  }
0x9: {  	s19 =	sld [smem:$0x3FFB];
	_ =	sdelay $0x3  }
0xa: {  	_ =	strace s19  }
0xb: {  	s3 =	sld [smem:$0x3FFC];
	_ =	sdelay $0x3  }
0xc: {  	_ =	strace s3  }
0xd: {  	s3 =	sld [smem:$0x3FFD];
	_ =	sdelay $0x3  }
0xe: {  	_ =	strace s3  }
0xf: {  	_ =	strace $0x8FFFFFFF  }
0x10: {  	s20 =	sld [smem:$0x3FDB];
	_ =	sdelay $0x1  }
0x11: {  	s4 =	simm.s32 $_scs_section_size  }
0x12: {  	s5 =	simm.s32 $_size__tile_overlayer_lowered;
	s6 =	simm.s32 $_tile_overlayer_lowered  }
0x13: {  	s23 =	simm.s32 $0x1BFF;
	s22 =	sshll.u32 s6, $0x1;
	s3 =	sadd.s32 s4, s20  }
0x14: {  	s7 =	simm.s32 $0x0;
	s21 =	sshll.u32 s5, $0x1;
	s5 =	sadd.s32 s22, s3  }
0x15: {  	[timem:s7], [sflag:s23] =	dma.local [hbm:s5], s21  }
0x16: {  	_ =	swait.ge [sflag:s23], s21  }
0x17: {  	s4 =	ssub.s32 $0x0, s21;
	[sflag:s23] =	ssyncset.done $0x0  }
0x18: {  	[sflag:s23] =	ssyncadd.s32 s4;
	_ =	sdelay $0x1  }
0x19: {  	s24 =	simm.s32 $0x1B8B  }
0x1a: {  	_ =	swait.ge [sflag:s24], $0x1  }
0x1b: {  	[sflag:s24] =	ssyncset.done $0x0  }
0x1c: {  	s26 =	simm.s32 $0x1B8E;
	s25 =	sld [smem:$0x3FFE];
	[sflag:s24] =	ssyncadd.s32 $0xFFFFFFFF  }
0x1d: {  	s27 =	simm.s32 $execute0_lowered;
	[smem:$0x3FD2] =	sst s26  }
0x1e: {  	s5 =	sshll.u32 s27, $0x1;
	_ =	strace $0x80000049;
	[dreg:$0x1] =	wrdreg $0xFFFFFFFF  }
0x1f: {  	s28 =	simm.s32 $_size_execute0_lowered;
	s3 =	sadd.s32 s3, s5;
	[dreg:$0x0] =	wrdreg $0x0  }
0x20: {  	s5 =	sshll.u32 s28, $0x1;
	[dreg:$0x2] =	wrdreg s3  }
0x21: {  	[dreg:$0x3] =	wrdreg s5  }
0x22: {  	[dreg:$0x4] =	wrdreg $0xC0  }
0x23: {  	_ =	task [dreg:s7], $0x5FFFF  }
0x24: {  	[dreg:$0x1] =	wrdreg $0xFFFFFFFF  }
0x25: {  	[dreg:$0x0] =	wrdreg $0x60  }
0x26: {  	[dreg:$0x2] =	wrdreg s25  }
0x27: {  	[dreg:$0x3] =	wrdreg s2  }
0x28: {  	[dreg:$0x4] =	wrdreg $0x9  }
0x29: {  	_ =	task.clear_ibuf [dreg:s7], $0x5FFFF;
	_ =	strace $0x90000049  }
0x2a: {  	s29 =	simm.s32 $0x9;
	_ =	strace $0x8000004B  }
0x2b: {  	_ =	swait.ge [sflag:s29], $0x1  }
0x2c: {  	[sflag:s29] =	ssyncadd.s32 $0xFFFFFFFF  }
0x2d: {  	_ =	strace $0x9000004B  }
0x2e: {  	_ =	sfence  }
0x2f: {  	s30 =	sld [smem:$0x0];
	_ =	sdelay $0x2  }
0x30: {  	s31 =	sshll.u32 s1, $0xD;
	s1 =	sshrl.u32 s1, $0x2  }
0x31: {  	s3 =	sand.u32 $0x4000, s31;
	s1 =	sadd.s32 s1, s30  }
0x32: {  	s0 =	sor.u32 s3, s0;
	s1 =	sshll.u32 s1, $0x11  }
0x33: {  	s0 =	sor.u32 s1, s0  }
0x34: {  	s0 =	sadd.s32 $0x8F2B, s0  }
0x35: {  	[sflag:s0] =	ssyncadd.remote.s32 $0x1  }
0x36: {  	_ =	sfence.sel $0xFFFF  }
0x37: {  	[dreg:$0x0] =	wrdreg $0xFFFFFFFF;
	(pc) =	sbr.abs _section_cstart, $3  }
0x38: {  	[dreg:$0x1] =	wrdreg $0xFFFFFFFF  }
0x39: {  	_ =	task.clear_ibuf [dreg:s7], $0x2FFFF;
	_ =	strace $0x9FFFFFFF  }
0x3a: {  	(tm) =	ssettm $0x7FFFFFFF  }
0x3b: {  	_ =	shalt  }
tec
execute0_lowered:
.L_overlay_start_1:
0x0: {  	(tag) =	ssettag $0x1  }
0x1: {  	s0 =	srdreg.scid  }
0x2: {  	s1 =	sshll.u32 s0, $0x4  }
0x3: {  	s0 =	stileid.u32;
	s1 =	sand.u32 $0x10, s1  }
0x4: {  	s1 =	sor.u32 s0, s1  }
0x5: {  	s6 =	rddreg [dreg:$0x0];
	s4 =	simm.s32 $0x1;
	s2 =	sshll.u32 s1, $0x7  }
0x6: {  	s7 =	simm.s32 $0x2;
	s12 =	simm.s32 $0x0;
	s1 =	ssub.s32 $0x1000, s2  }
0x7: {  	s8 =	simm.s32 $0x8000;
	s13 =	simm.s32 $0x0;
	s3 =	sand.u32 $0xF80, s1  }
0x8: {  	s9 =	simm.s32 $0x0;
	s5 =	sshrl.u32 s1, $0xC;
	p0 =	sne.s32 s3, $0x0  }
.Ltmp0:
0x9: {  	s1 =	rddreg [dreg:$0x2];
	s4 =	simm.s32 @!p0 $0x0;
	(pc) =	sbr.rel .LBB1_1-.Ltmp0, $4  }
0xa: {  	s11 =	simm.s32 $0x0;
	s3 =	rddreg [dreg:$0x1];
	s5 =	sadd.s32 s4, s5  }
0xb: {  	_ =	strace $0x8000004A;
	s4 =	simm.s32 $0x1;
	s5 =	smul.u32 $0xC8, s5  }
0xc: {  	s6 =	sadd.s32 $0xA00, s6;
	s10 =	smov.u32 s2;
	[sflag:s4] =	ssyncpa.u1 $0x0  }
0xd: {  	p0 =	por $0x0, $0x0;
	[sflag:s7] =	ssyncpa.u1 $0x0;
	s7 =	sor.u32 $0x1, s5  }
.LBB1_4:
0xe: {  	s16 =	sshll.u32 s13, $0x3;
	s17 =	sand.u32 $0x78, s13  }
0xf: {  	s30 =	sand.u32 $0x7E00, s13;
	s12 =	sshll.u32 s12, $0xF;
	s16 =	sand.u32 $0xC00, s16  }
0x10: {  	[tilespmem:s15+$0x810 ss:$0x81] =	vst.msk $0xffff, v2;
	s31 =	sand.u32 $0x7, s13;
	s16 =	sor.u32 s17, s16;
	s17 =	sadd.s32 s3, s30  }
0x11: {  	[tilespmem:s15+$0x1020 ss:$0x81] =	vst.msk $0xffff, v0;
	s13 =	sshll.u32 s31, $0x12;
	s12 =	sadd.s32 s12, s17;
	s16 =	sshrl.u32 s16, $0x3  }
0x12: {  	[tilespmem:s15+$0x0 ss:$0x81] =	vst.msk $0xffff, v1;
	s13 =	sor.u32 $0x400, s13;
	s12 =	sadd.s32 s16, s12  }
0x13: {  	[hbm4b:s12+s13] =	stream.strided.scatter [tilespmem:s14], [sflag:$0x2], $0x2000, s8, s13, $0x20;
	[tilespmem:$0x8080] =	vst v63  }
.LBB1_5:
0x14: {  	s14 =	sadd.s32 $0x1, s9  }
0x15: {  	s12 =	sadd.s32 $0x1000, s10;
	s16 =	smov.u32 s10;
	p2 =	sgt.s32 s14, $0xC7  }
0x16: {  	s16 =	smov.u32 @p2 s12  }
0x17: {  	s14 =	simm.s32 @p2 $0x0;
	p2 =	sgt.s32 s16, $0xFFF  }
0x18: {  	s16 =	smov.u32 @p2 s2;
	p2 =	sne.s32 s11, s7  }
.Ltmp1:
0x19: {  	p1 =	slt.u32 s11, $0x2;
	(pc) =	sbr.rel @!p2 .LBB1_6-.Ltmp1, $4  }
0x1a: {  	s15 =	simm.s32 @!p1 $0x2  }
0x1b: {  	s13 =	smov.u32 s10;
	p0 =	por !p0, !p0;
	_ =	swait.ge @!p1 [sflag:s15], $0x2000  }
0x1c: {  	s12 =	smov.u32 s9;
	[sflag:s15] =	ssyncset.done @!p1 $0x0;
	s9 =	smov.u32 s14  }
0x1d: {  	s11 =	sadd.s32 $0x1, s11;
	[sflag:s15] =	ssyncadd.s32 @!p1 $0xFFFFE000;
	s10 =	smov.u32 s16  }
.LBB1_1:
0x1e: {  	p1 =	sge.u32 s11, s5  }
0x1f: {  	s14 =	sand.u32 @!p1 $0x1FFFFFF, s9  }
0x20: {  	s15 =	smulhi.u32 @!p1 $0x147AE15, s14;
	_ =	sdelay $0x1  }
0x21: {  	s15 =	smul.u32 @!p1 $0xC8, s15  }
0x22: {  	s16 =	sxor.u32 @!p1 $0xFFFFFFFF, s11;
	s17 =	smul.u32 @!p1 $0xC80, s10  }
0x23: {  	s31 =	sadd.s32 $0xFFFFFFFF, s11;
	s16 =	sshll.u32 @!p1 s16, $0xD;
	s14 =	ssub.s32 @!p1 s14, s15  }
0x24: {  	s15 =	sand.u32 @!p1 $0x2000, s16;
	s16 =	sadd.s32 @!p1 s6, s17;
	s14 =	sshll.u32 @!p1 s14, $0x4  }
0x25: {  	s17 =	simm.s32 @!p1 $0x6400;
	s14 =	sadd.s32 @!p1 s14, s16;
	s16 =	simm.s32 @!p1 $0x40  }
0x26: {  	[tilespmem:s15], [sflag:$0x1] =	stream.strided.gather @!p1 [hbm4b:s14+s16], $0x2000, s17, s16, $0x38;
	[tilespmem:$0x8080] =	vst v63  }
0x27: {  	p1 =	sge.u32 s31, s5  }
.Ltmp2:
0x28: {  	_ = 	snop;
	(pc) =	sbr.rel @p1 .LBB1_5-.Ltmp2, $1  }
0x29: {  	_ =	sdelay $0x3  }
0x2a: {  	s14 =	simm.s32 $0x1  }
0x2b: {  	_ =	swait.ge [sflag:s4], $0x2000;
	s14 =	simm.s32 @!p0 $0x0  }
0x2c: {  	[sflag:s4] =	ssyncset.done $0x0;
	s15 =	sshll.u32 s14, $0xD  }
0x2d: {  	[sflag:s4] =	ssyncadd.s32 $0xFFFFE000;
	s18 =	sor.u32 $0x20, s15  }
0x2e: {  	s14 =	smul.u32 $0x8100, s14;
	v3 =	vld [tilespmem:s18+$0x10]  }
0x2f: {  	s30 =	sand.u32 $0x1, s11;
	v2 =	vld [tilespmem:s18+$0xFFFFFFF0]  }
0x30: {  	s15 =	smul.u32 $0x8100, s30;
	s14 =	sshrl.u32 s14, $0x2;
	v0 =	vld [tilespmem:s18+$0x0]  }
0x31: {  	v1 =	vld [tilespmem:s18+$0xFFFFFFE0];
	s16 =	sor.u32 $0x4000, s14  }
0x32: {  	s31 =	sshrl.u32 s15, $0x2;
	s15 =	sadd.s32 $0x0, s16  }
0x33: {  	s17 =	simm.s32 $0x4;
	s18 =	sadd.s32 $0x40, s18;
	s14 =	sor.u32 $0x4000, s31;
	[tilespmem:s15+$0x1830 ss:$0x81] =	vst.msk $0xffff, v3  }
.LBB1_3:
0x34: {  	v3 =	vld [tilespmem:s18+$0x10];
	p1 =	sne.s32 s17, $0x1FC;
	[tilespmem:s15+$0x810 ss:$0x81] =	vst.msk $0xffff, v2;
	s19 =	smov.u32 s17;
	s17 =	sadd.s32 $0x4, s17  }
.Ltmp3:
0x35: {  	v2 =	vld [tilespmem:s18+$0xFFFFFFF0];
	[tilespmem:s15+$0x1020 ss:$0x81] =	vst.msk $0xffff, v0;
	(pc) =	sbr.rel @p1 .LBB1_3-.Ltmp3, $4  }
0x36: {  	v0 =	vld [tilespmem:s18+$0x0];
	[tilespmem:s15+$0x0 ss:$0x81] =	vst.msk $0xffff, v1  }
0x37: {  	s15 =	sshra.s32 s19, $0x2;
	v1 =	vld [tilespmem:s18+$0xFFFFFFE0]  }
0x38: {  	s15 =	sadd.s32 s15, s16  }
0x39: {  	s18 =	sadd.s32 $0x40, s18;
	[tilespmem:s15+$0x1830 ss:$0x81] =	vst.msk $0xffff, v3  }
.Ltmp4:
0x3a: {  	_ = 	snop;
	(pc) =	sbr.rel .LBB1_4-.Ltmp4, $1  }
0x3b: {  	_ =	sdelay $0x3  }
.LBB1_6:
0x3c: {  	_ =	sfence.sel $0x180000  }
0x3d: {  	s2 =	simm.s32 $0x1;
	[bflag:$0x0] =	sbarrier.arrive $0xFFFF  }
0x3e: {  	s31 =	simm.s32 $0x2;
	[sflag:s2] =	ssyncpa.u1 $0x1  }
0x3f: {  	[sflag:s31] =	ssyncpa.u1 $0x1  }
0x40: {  	p0 =	sne.s32 s0, $0x0;
	_ =	strace $0x9000004A  }
0x41: {  	s0 =	sadd.s32 @!p0 $0x100000, s1;
	[bflag:$0x2] =	sbarrier.arrive $0xFFFF  }
0x42: {  	[sflag:s0] =	ssyncadd.tile.s32 @!p0 $0x1;
	_ =	shalt  }
.Lfunc_end1:
_tile_overlayer_lowered:
.L_overlay_start_2:
0x43: {  	(tag) =	ssettag $0x2  }
0x44: {  	s0 =	rddreg [dreg:$0x0];
	s2 =	stileid.u32  }
0x45: {  	s1 =	rddreg [dreg:$0x1];
	p0 =	sne.s32 s2, $0x0  }
0x46: {  	s3 =	rddreg [dreg:$0x2];
	[bflag:$0x3] =	sbarrier.arrive $0xFFFF;
	s2 =	simm.s32 @!p0 $0x1C01  }
0x47: {  	[timem:s3], [sflag:s2] =	dma.local @!p0 [hbm:s0], s1  }
0x48: {  	s0 =	simm.s32 @!p0 $0x1  }
0x49: {  	_ =	swait.ge @!p0 [sflag:s0], s1  }
0x4a: {  	s1 =	ssub.s32 @!p0 $0x0, s1;
	[sflag:s0] =	ssyncset.done @!p0 $0x0  }
0x4b: {  	[sflag:s0] =	ssyncadd.s32 @!p0 s1  }
0x4c: {  	[bflag:$0x3] =	sbarrier.arrive $0xFFFF  }
0x4d: {  	_ =	shalt  }

</sc_bundles>
